<compile_context>
chip_gen: v7x
topology: tpu7x:2x2x1
jax: 0.10.2.dev20260603
libtpu: 0.0.44.dev20260713+nightly
codegen_flags: <defaults>
</compile_context>

<pallas_src>
import functools

import jax
import jax.numpy as jnp
from jax import lax
from jax.experimental import pallas as pl
from jax.experimental.pallas import tpu as pltpu
from jax.experimental.pallas import tpu_sc as plsc

N = 10000
E = 320000
DF = 128
DE = 16
H1 = 50
H1P = 64
EH = 16
H2 = 80
NLAYER = 3

NC, NS = 2, 16
NW = NC * NS
CH = 80
CPW = E // NW // CH
RPT = N // NS

_SELU_ALPHA = 1.6732632423543772
_SELU_SCALE = 1.0507009873554805


def _selu(v):
    return _SELU_SCALE * jnp.where(v > 0.0, v, _SELU_ALPHA * (jnp.exp(v) - 1.0))



def _sc_mesh():
    return plsc.VectorSubcoreMesh(
        core_axis_name="c", subcore_axis_name="s", num_cores=NC, num_subcores=NS
    )


def _make_seg_gather(width):

    @functools.partial(
        pl.kernel,
        out_type=jax.ShapeDtypeStruct((NC, N, width), jnp.float32),
        mesh=_sc_mesh(),
        compiler_params=pltpu.CompilerParams(use_tc_tiling_on_sc=False),
        scratch_types=[
            pltpu.VMEM((CPW, CH), jnp.int32),
            pltpu.VMEM((CPW, CH), jnp.int32),
            pltpu.VMEM((3, CH, width), jnp.float32),
            pltpu.VMEM_SHARED((N, width), jnp.float32),
            pltpu.SemaphoreType.DMA,
            pltpu.SemaphoreType.DMA,
            pltpu.SemaphoreType.DMA,
        ],
    )
    def seg_gather(rows_hbm, src_hbm, dst_hbm, z_hbm, out_hbm,
                   src_v, dst_v, buf_v, acc_sh, sem0, sem1, sem2):
        sems = (sem0, sem1, sem2)
        c = lax.axis_index("c")
        s = lax.axis_index("s")
        wid = c * NS + s
        pltpu.sync_copy(z_hbm.at[pl.ds(s * RPT, RPT)],
                        acc_sh.at[pl.ds(s * RPT, RPT)])
        pltpu.sync_copy(src_hbm.at[pl.ds(wid * CPW, CPW)], src_v)
        pltpu.sync_copy(dst_hbm.at[pl.ds(wid * CPW, CPW)], dst_v)
        plsc.subcore_barrier()

        def gather(j, b):
            pltpu.async_copy(rows_hbm.at[src_v.at[j]], buf_v.at[b], sems[b])

        def drain_and_scatter(j, b):
            pltpu.make_async_copy(rows_hbm.at[src_v.at[j]], buf_v.at[b],
                                  sems[b]).wait()
            pltpu.sync_copy(buf_v.at[b], acc_sh.at[dst_v.at[j]], add=True)

        gather(0, 0)
        gather(1, 1)

        def body(g, carry):
            for b in range(3):
                j = g * 3 + b
                gather(j + 2, (b + 2) % 3)
                drain_and_scatter(j, b)
            return carry

        lax.fori_loop(0, (CPW - 2) // 3, body, 0)
        drain_and_scatter(CPW - 2, (CPW - 2) % 3)
        drain_and_scatter(CPW - 1, (CPW - 1) % 3)
        plsc.subcore_barrier()
        pltpu.sync_copy(acc_sh.at[pl.ds(s * RPT, RPT)],
                        out_hbm.at[c, pl.ds(s * RPT, RPT)])

    return seg_gather


def _make_seg_linear(width):

    @functools.partial(
        pl.kernel,
        out_type=jax.ShapeDtypeStruct((NC, N, width), jnp.float32),
        mesh=_sc_mesh(),
        compiler_params=pltpu.CompilerParams(use_tc_tiling_on_sc=False),
        scratch_types=[
            pltpu.VMEM((CPW, CH), jnp.int32),
            pltpu.VMEM((3, CH, width), jnp.float32),
            pltpu.VMEM_SHARED((N, width), jnp.float32),
            pltpu.SemaphoreType.DMA,
            pltpu.SemaphoreType.DMA,
            pltpu.SemaphoreType.DMA,
        ],
    )
    def seg_linear(me_hbm, dst_hbm, z_hbm, out_hbm, dst_v, buf_v, acc_sh,
                   sem0, sem1, sem2):
        sems = (sem0, sem1, sem2)
        c = lax.axis_index("c")
        s = lax.axis_index("s")
        wid = c * NS + s
        pltpu.sync_copy(z_hbm.at[pl.ds(s * RPT, RPT)],
                        acc_sh.at[pl.ds(s * RPT, RPT)])
        pltpu.sync_copy(dst_hbm.at[pl.ds(wid * CPW, CPW)], dst_v)
        plsc.subcore_barrier()

        def load(j, b):
            pltpu.async_copy(me_hbm.at[wid * CPW + j], buf_v.at[b], sems[b])

        def drain_and_scatter(j, b):
            pltpu.make_async_copy(me_hbm.at[wid * CPW + j], buf_v.at[b],
                                  sems[b]).wait()
            pltpu.sync_copy(buf_v.at[b], acc_sh.at[dst_v.at[j]], add=True)

        load(0, 0)
        load(1, 1)

        def body(g, carry):
            for b in range(3):
                j = g * 3 + b
                load(j + 2, (b + 2) % 3)
                drain_and_scatter(j, b)
            return carry

        lax.fori_loop(0, (CPW - 2) // 3, body, 0)
        drain_and_scatter(CPW - 2, (CPW - 2) % 3)
        drain_and_scatter(CPW - 1, (CPW - 1) % 3)
        plsc.subcore_barrier()
        pltpu.sync_copy(acc_sh.at[pl.ds(s * RPT, RPT)],
                        out_hbm.at[c, pl.ds(s * RPT, RPT)])

    return seg_linear



_BN = 2000
_GRID = N // _BN

_full = lambda shape: pl.BlockSpec(shape, lambda i: tuple(0 for _ in shape))


def _me_body(ea_ref, w_ref, b_ref, out_ref):
    out_ref[...] = (
        jnp.dot(ea_ref[...], w_ref[...], preferred_element_type=jnp.float32,
                precision=lax.Precision.HIGHEST)
        + b_ref[...]
    )


def _hv0_body(x_ref, vw_ref, vb_ref, out_ref):
    out_ref[...] = (
        jnp.dot(x_ref[...], vw_ref[...], preferred_element_type=jnp.float32,
                precision=lax.Precision.HIGHEST)
        + vb_ref[...]
    )


def _layer_h(h_ref, aw_ref, ae_ref, ua_ref, ub_ref, uc_ref, bias_ref):
    aw = aw_ref[0] + aw_ref[1]
    ae = ae_ref[0] + ae_ref[1]
    z = (
        jnp.dot(h_ref[...], ua_ref[...], preferred_element_type=jnp.float32,
                precision=lax.Precision.HIGHEST)
        + jnp.dot(aw, ub_ref[...], preferred_element_type=jnp.float32,
                  precision=lax.Precision.HIGHEST)
        + jnp.dot(ae, uc_ref[...], preferred_element_type=jnp.float32,
                  precision=lax.Precision.HIGHEST)
        + bias_ref[...]
    )
    return _selu(z)


def _layer_body(h_ref, aw_ref, ae_ref, ua_ref, ub_ref, uc_ref, bias_ref,
                vw_ref, vb_ref, h_out, hv_out):
    hn = _layer_h(h_ref, aw_ref, ae_ref, ua_ref, ub_ref, uc_ref, bias_ref)
    h_out[...] = hn
    hv_out[...] = (
        jnp.dot(hn, vw_ref[...], preferred_element_type=jnp.float32,
                precision=lax.Precision.HIGHEST)
        + vb_ref[...]
    )


def _final_body(h_ref, x_ref, aw_ref, ae_ref, ua_ref, ub_ref, uc_ref,
                bias_ref, rh_ref, rx_ref, rb_ref, l0w_ref, l0b_ref,
                acc_ref, out_ref):
    i = pl.program_id(0)
    hn = _layer_h(h_ref, aw_ref, ae_ref, ua_ref, ub_ref, uc_ref, bias_ref)
    r = _selu(
        jnp.dot(hn, rh_ref[...], preferred_element_type=jnp.float32,
                precision=lax.Precision.HIGHEST)
        + jnp.dot(x_ref[...], rx_ref[...], preferred_element_type=jnp.float32,
                  precision=lax.Precision.HIGHEST)
        + rb_ref[...]
    )
    part = jnp.sum(r, axis=0, keepdims=True)

    @pl.when(i == 0)
    def _():
        acc_ref[...] = part

    @pl.when(i > 0)
    def _():
        acc_ref[...] += part

    t = jnp.tanh(acc_ref[...])
    out_ref[...] = (
        jnp.dot(t, l0w_ref[...], preferred_element_type=jnp.float32,
                precision=lax.Precision.HIGHEST)
        + l0b_ref[...]
    )



def kernel(x, edge_index, edge_attr, params):
    f32 = jnp.float32
    src = edge_index[0].astype(jnp.int32).reshape(NW * CPW, CH)
    dst = edge_index[1].astype(jnp.int32).reshape(NW * CPW, CH)

    vw = jnp.pad(params["V_w"], ((0, 0), (0, 0), (0, H1P - H1)))
    vb = jnp.pad(params["V_b"], ((0, 0), (0, H1P - H1)))[:, None, :]
    ua = params["U_w"][:, :DF, :]
    ub = jnp.pad(params["U_w"][:, DF:DF + H1, :],
                 ((0, 0), (0, H1P - H1), (0, 0)))
    uc = params["U_w"][:, DF + H1:, :]
    u_bias = params["U_b"][:, None, :]
    ew = params["E_w"]
    w128 = jnp.zeros((DF, DF), f32)
    for i in range(8):
        w128 = w128.at[16 * i:16 * i + 16, 16 * i:16 * i + 16].set(ew)
    b128 = jnp.tile(params["E_b"], 8)[None, :]
    rw = jnp.pad(params["R_w"], ((0, 0), (0, DF - H2)))
    rh, rx = rw[:DF], rw[DF:]
    rb = jnp.pad(params["R_b"], (0, DF - H2))[None, :]
    l0w = jnp.pad(params["lin0_w"], ((0, DF - H2), (0, 0)))
    l0w = jnp.pad(l0w, ((0, 0), (0, DF - 1)))
    l0b = jnp.pad(params["lin0_b"], (0, DF - 1))[None, :]

    zw = jnp.zeros((N, H1P), f32)
    ze = jnp.zeros((N, EH), f32)

    ea8 = edge_attr.reshape(E // 8, DF)
    me = pl.pallas_call(
        _me_body,
        grid=(E // 8 // 4000,),
        in_specs=[
            pl.BlockSpec((4000, DF), lambda i: (i, 0)),
            _full((DF, DF)),
            _full((1, DF)),
        ],
        out_specs=pl.BlockSpec((4000, DF), lambda i: (i, 0)),
        out_shape=jax.ShapeDtypeStruct((E // 8, DF), f32),
    )(ea8, w128, b128)
    me = me.reshape(NW * CPW, CH, EH)

    hv = pl.pallas_call(
        _hv0_body,
        grid=(_GRID,),
        in_specs=[
            pl.BlockSpec((_BN, DF), lambda i: (i, 0)),
            _full((DF, H1P)),
            _full((1, H1P)),
        ],
        out_specs=pl.BlockSpec((_BN, H1P), lambda i: (i, 0)),
        out_shape=jax.ShapeDtypeStruct((N, H1P), f32),
    )(x, vw[0], vb[0])

    agge = _make_seg_linear(EH)(me, dst, ze)
    seg_gather = _make_seg_gather(H1P)

    layer_call = pl.pallas_call(
        _layer_body,
        grid=(_GRID,),
        in_specs=[
            pl.BlockSpec((_BN, DF), lambda i: (i, 0)),
            pl.BlockSpec((NC, _BN, H1P), lambda i: (0, i, 0)),
            pl.BlockSpec((NC, _BN, EH), lambda i: (0, i, 0)),
            _full((DF, DF)),
            _full((H1P, DF)),
            _full((EH, DF)),
            _full((1, DF)),
            _full((DF, H1P)),
            _full((1, H1P)),
        ],
        out_specs=[
            pl.BlockSpec((_BN, DF), lambda i: (i, 0)),
            pl.BlockSpec((_BN, H1P), lambda i: (i, 0)),
        ],
        out_shape=[
            jax.ShapeDtypeStruct((N, DF), f32),
            jax.ShapeDtypeStruct((N, H1P), f32),
        ],
    )

    h = x
    for k in range(NLAYER - 1):
        aggw = seg_gather(hv, src, dst, zw)
        h, hv = layer_call(h, aggw, agge, ua[k], ub[k], uc[k], u_bias[k],
                           vw[k + 1], vb[k + 1])

    aggw = seg_gather(hv, src, dst, zw)

    _, out = pl.pallas_call(
        _final_body,
        grid=(_GRID,),
        in_specs=[
            pl.BlockSpec((_BN, DF), lambda i: (i, 0)),
            pl.BlockSpec((_BN, DF), lambda i: (i, 0)),
            pl.BlockSpec((NC, _BN, H1P), lambda i: (0, i, 0)),
            pl.BlockSpec((NC, _BN, EH), lambda i: (0, i, 0)),
            _full((DF, DF)),
            _full((H1P, DF)),
            _full((EH, DF)),
            _full((1, DF)),
            _full((DF, DF)),
            _full((DF, DF)),
            _full((1, DF)),
            _full((DF, DF)),
            _full((1, DF)),
        ],
        out_specs=[
            pl.BlockSpec((1, DF), lambda i: (0, 0)),
            pl.BlockSpec((1, DF), lambda i: (0, 0)),
        ],
        out_shape=[
            jax.ShapeDtypeStruct((1, DF), f32),
            jax.ShapeDtypeStruct((1, DF), f32),
        ],
    )(h, x, aggw, agge, ua[2], ub[2], uc[2], u_bias[2],
      rh, rx, rb, l0w, l0b)

    return out[:, :1]

# --- scband reference (transcript-rebuilt; emitter-appended) ---
"""Pipeline reference for scband-mpnn-1623497638117 (READ-ONLY COPY).

The authoritative reference and input builder live on the scoring server;
editing this copy changes nothing except your own understanding.
"""

import jax, jax.numpy as jnp
import numpy as np

N_NODES = 10000
N_EDGES = 320000
D_FEAT = 128
D_EDGE = 16
N_LAYER = 3
E_HID = 16
H1 = 50
H2 = 80


def setup_inputs(seed: int = 0) -> dict:
    key = jax.random.key(seed)
    ks = jax.random.split(key, 14)
    x = jax.random.normal(ks[0], (N_NODES, D_FEAT), dtype=jnp.float32)
    edge_index = jax.random.randint(ks[1], (2, N_EDGES), 0, N_NODES)
    edge_attr = jax.random.normal(ks[2], (N_EDGES, D_EDGE), dtype=jnp.float32)
    u_in = D_FEAT + H1 + E_HID
    params = {
        "U_w": jax.random.normal(ks[3], (N_LAYER, u_in, D_FEAT), dtype=jnp.float32) * 0.05,
        "U_b": jax.random.normal(ks[4], (N_LAYER, D_FEAT), dtype=jnp.float32) * 0.05,
        "V_w": jax.random.normal(ks[5], (N_LAYER, D_FEAT, H1), dtype=jnp.float32) * 0.05,
        "V_b": jax.random.normal(ks[6], (N_LAYER, H1), dtype=jnp.float32) * 0.05,
        "E_w": jax.random.normal(ks[7], (D_EDGE, E_HID), dtype=jnp.float32) * 0.05,
        "E_b": jax.random.normal(ks[8], (E_HID,), dtype=jnp.float32) * 0.05,
        "R_w": jax.random.normal(ks[9], (2 * D_FEAT, H2), dtype=jnp.float32) * 0.05,
        "R_b": jax.random.normal(ks[10], (H2,), dtype=jnp.float32) * 0.05,
        "lin0_w": jax.random.normal(ks[11], (H2, 1), dtype=jnp.float32) * 0.05,
        "lin0_b": jax.random.normal(ks[12], (1,), dtype=jnp.float32) * 0.05,
    }
    return {"x": x, "edge_index": edge_index, "edge_attr": edge_attr, "params": params}


def reference(x, edge_index, edge_attr, params):
    src = edge_index[0]
    dst = edge_index[1]
    h = x
    for k in range(N_LAYER):
        # m_w = V[k](h[w]) for each edge (v, w): gather source node states
        m_w = h[src] @ params["V_w"][k] + params["V_b"][k]          # [E, H1]
        # m_e_vw = E(e_vw): edge feature transform
        m_e = edge_attr @ params["E_w"] + params["E_b"]              # [E, E_HID]
        msg = jnp.concatenate([m_w, m_e], axis=1)                    # [E, H1+E_HID]
        # aggregate messages at destination nodes (scatter-add)
        agg = jax.ops.segment_sum(msg, dst, num_segments=N_NODES)    # [N, H1+E_HID]
        # h[v] = selu(U[k](cat(h[v], m_w, m_e_vw)))
        h = jax.nn.selu(
            jnp.concatenate([h, agg], axis=1) @ params["U_w"][k] + params["U_b"][k]
        )                                                            # [N, D_FEAT]
    # readout: sum_v selu(R(cat(h[v], x[v]))), then tanh, then lin0
    r = jax.nn.selu(jnp.concatenate([h, x], axis=1) @ params["R_w"] + params["R_b"])  # [N, H2]
    readout = jnp.tanh(jnp.sum(r, axis=0, keepdims=True))            # [1, H2]
    return readout @ params["lin0_w"] + params["lin0_b"]             # [1, 1]

if __name__ == "__main__":
    import jax
    _d = setup_inputs()
    print(jax.jit(kernel)(*tuple(_d.values())))

</pallas_src>

<mosaic_0001>
#map = affine_map<(d0, d1) -> (0, 0)>
#map1 = affine_map<(d0, d1) -> (0, 0, 0)>
module attributes {stable_mosaic.version = 14 : i64} {
  func.func @seg_gather(%arg0: i32, %arg1: i32, %arg2: memref<10000x64xf32, #tpu.memory_space<hbm>>, %arg3: memref<4000x80xi32, #tpu.memory_space<hbm>>, %arg4: memref<4000x80xi32, #tpu.memory_space<hbm>>, %arg5: memref<10000x64xf32, #tpu.memory_space<hbm>>, %arg6: memref<2x10000x64xf32, #tpu.memory_space<hbm>>, %arg7: memref<125x80xi32, #tpu.memory_space<vmem>>, %arg8: memref<125x80xi32, #tpu.memory_space<vmem>>, %arg9: memref<3x80x64xf32, #tpu.memory_space<vmem>>, %arg10: memref<10000x64xf32, #tpu.memory_space<vmem_shared>>, %arg11: memref<!tpu.dma_semaphore, #tpu.memory_space<semaphore_mem>>, %arg12: memref<!tpu.dma_semaphore, #tpu.memory_space<semaphore_mem>>, %arg13: memref<!tpu.dma_semaphore, #tpu.memory_space<semaphore_mem>>) attributes {dimension_semantics = [#tpu.dimension_semantics<core_parallel>, #tpu.dimension_semantics<subcore_parallel>], iteration_bounds = array<i64: 2, 16>, scalar_prefetch = 0 : i64, scratch_operands = 7 : i64, tpu.core_type = #tpu.core_type<sc_vector_subcore>, window_params = [{transform_indices = #map}, {transform_indices = #map}, {transform_indices = #map}, {transform_indices = #map}, {transform_indices = #map1}]} {
    %mul3A = arith.constant 16 : i32
    %mul3A_0 = arith.muli %arg0, %mul3A : i32
    %add3A = arith.addi %mul3A_0, %arg1 : i32
    %mul3A_1 = arith.constant 625 : i32
    %mul3A_2 = arith.muli %arg1, %mul3A_1 : i32
    %mul3A_3 = arith.constant 625 : i32
    %mul3A_4 = arith.muli %arg1, %mul3A_3 : i32
    "tpu.region"() ({
      %run_scoped3A_68 = tpu.sem_alloc : memref<!tpu.dma_semaphore, #tpu.memory_space<semaphore_mem>>
      %dma_start3A_69 = arith.constant 0 : i32
      %dma_start3A_70 = tpu.memref_slice %arg10[%mul3A_4, %dma_start3A_69] : memref<10000x64xf32, #tpu.memory_space<vmem_shared>> -> memref<625x64xf32, #tpu.memory_space<vmem_shared>>
      %dma_start3A_71 = arith.constant 0 : i32
      %dma_start3A_72 = tpu.memref_slice %arg5[%mul3A_2, %dma_start3A_71] : memref<10000x64xf32, #tpu.memory_space<hbm>> -> memref<625x64xf32, #tpu.memory_space<hbm>>
      tpu.enqueue_dma source(%dma_start3A_72 : memref<625x64xf32, #tpu.memory_space<hbm>>) target(%dma_start3A_70 : memref<625x64xf32, #tpu.memory_space<vmem_shared>>) target_semaphore(%run_scoped3A_68 : memref<!tpu.dma_semaphore, #tpu.memory_space<semaphore_mem>>)
      %dma_wait3A_73 = arith.constant 0 : i32
      %dma_wait3A_74 = tpu.memref_slice %arg10[%mul3A_4, %dma_wait3A_73] : memref<10000x64xf32, #tpu.memory_space<vmem_shared>> -> memref<625x64xf32, #tpu.memory_space<vmem_shared>>
      %dma_wait3A_75 = arith.constant 0 : i32
      %dma_wait3A_76 = tpu.memref_slice %arg5[%mul3A_2, %dma_wait3A_75] : memref<10000x64xf32, #tpu.memory_space<hbm>> -> memref<625x64xf32, #tpu.memory_space<hbm>>
      tpu.wait_dma2 semaphore(%run_scoped3A_68 : memref<!tpu.dma_semaphore, #tpu.memory_space<semaphore_mem>>) src(%dma_wait3A_76 : memref<625x64xf32, #tpu.memory_space<hbm>>) dst(%dma_wait3A_74 : memref<625x64xf32, #tpu.memory_space<vmem_shared>>)
      tpu.yield
    }) : () -> ()
    %mul3A_5 = arith.constant 125 : i32
    %mul3A_6 = arith.muli %add3A, %mul3A_5 : i32
    "tpu.region"() ({
      %run_scoped3A_68 = tpu.sem_alloc : memref<!tpu.dma_semaphore, #tpu.memory_space<semaphore_mem>>
      %dma_start3A_69 = arith.constant 0 : i32
      %dma_start3A_70 = tpu.memref_slice %arg3[%mul3A_6, %dma_start3A_69] : memref<4000x80xi32, #tpu.memory_space<hbm>> -> memref<125x80xi32, #tpu.memory_space<hbm>>
      %dma_start3A_71 = arith.constant 0 : i32
      %dma_start3A_72 = tpu.memref_slice %arg3[%mul3A_6, %dma_start3A_71] : memref<4000x80xi32, #tpu.memory_space<hbm>> -> memref<125x80xi32, #tpu.memory_space<hbm>>
      tpu.enqueue_dma source(%dma_start3A_72 : memref<125x80xi32, #tpu.memory_space<hbm>>) target(%arg7 : memref<125x80xi32, #tpu.memory_space<vmem>>) target_semaphore(%run_scoped3A_68 : memref<!tpu.dma_semaphore, #tpu.memory_space<semaphore_mem>>)
      %dma_wait3A_73 = arith.constant 0 : i32
      %dma_wait3A_74 = tpu.memref_slice %arg3[%mul3A_6, %dma_wait3A_73] : memref<4000x80xi32, #tpu.memory_space<hbm>> -> memref<125x80xi32, #tpu.memory_space<hbm>>
      %dma_wait3A_75 = arith.constant 0 : i32
      %dma_wait3A_76 = tpu.memref_slice %arg3[%mul3A_6, %dma_wait3A_75] : memref<4000x80xi32, #tpu.memory_space<hbm>> -> memref<125x80xi32, #tpu.memory_space<hbm>>
      tpu.wait_dma2 semaphore(%run_scoped3A_68 : memref<!tpu.dma_semaphore, #tpu.memory_space<semaphore_mem>>) src(%dma_wait3A_76 : memref<125x80xi32, #tpu.memory_space<hbm>>) dst(%arg7 : memref<125x80xi32, #tpu.memory_space<vmem>>)
      tpu.yield
    }) : () -> ()
    %mul3A_7 = arith.constant 125 : i32
    %mul3A_8 = arith.muli %add3A, %mul3A_7 : i32
    "tpu.region"() ({
      %run_scoped3A_68 = tpu.sem_alloc : memref<!tpu.dma_semaphore, #tpu.memory_space<semaphore_mem>>
      %dma_start3A_69 = arith.constant 0 : i32
      %dma_start3A_70 = tpu.memref_slice %arg4[%mul3A_8, %dma_start3A_69] : memref<4000x80xi32, #tpu.memory_space<hbm>> -> memref<125x80xi32, #tpu.memory_space<hbm>>
      %dma_start3A_71 = arith.constant 0 : i32
      %dma_start3A_72 = tpu.memref_slice %arg4[%mul3A_8, %dma_start3A_71] : memref<4000x80xi32, #tpu.memory_space<hbm>> -> memref<125x80xi32, #tpu.memory_space<hbm>>
      tpu.enqueue_dma source(%dma_start3A_72 : memref<125x80xi32, #tpu.memory_space<hbm>>) target(%arg8 : memref<125x80xi32, #tpu.memory_space<vmem>>) target_semaphore(%run_scoped3A_68 : memref<!tpu.dma_semaphore, #tpu.memory_space<semaphore_mem>>)
      %dma_wait3A_73 = arith.constant 0 : i32
      %dma_wait3A_74 = tpu.memref_slice %arg4[%mul3A_8, %dma_wait3A_73] : memref<4000x80xi32, #tpu.memory_space<hbm>> -> memref<125x80xi32, #tpu.memory_space<hbm>>
      %dma_wait3A_75 = arith.constant 0 : i32
      %dma_wait3A_76 = tpu.memref_slice %arg4[%mul3A_8, %dma_wait3A_75] : memref<4000x80xi32, #tpu.memory_space<hbm>> -> memref<125x80xi32, #tpu.memory_space<hbm>>
      tpu.wait_dma2 semaphore(%run_scoped3A_68 : memref<!tpu.dma_semaphore, #tpu.memory_space<semaphore_mem>>) src(%dma_wait3A_76 : memref<125x80xi32, #tpu.memory_space<hbm>>) dst(%arg8 : memref<125x80xi32, #tpu.memory_space<vmem>>)
      tpu.yield
    }) : () -> ()
    %barrier3A = arith.constant 0 : index
    tpu.barrier barrier_id(%barrier3A)
    %dma_start3A = arith.constant 0 : i32
    %dma_start3A_9 = arith.constant 0 : i32
    %dma_start3A_10 = arith.constant 0 : i32
    %dma_start3A_11 = arith.constant 0 : i32
    %dma_start3A_12 = tpu.memref_slice %arg9[%dma_start3A_9, %dma_start3A_10, %dma_start3A_11] : memref<3x80x64xf32, #tpu.memory_space<vmem>> -> memref<1x80x64xf32, #tpu.memory_space<vmem>>
    %dma_start3A_13 = tpu.memref_squeeze %dma_start3A_12 : memref<1x80x64xf32, #tpu.memory_space<vmem>> -> memref<80x64xf32, #tpu.memory_space<vmem>>
    %dma_start3A_14 = arith.constant 0 : i32
    %dma_start3A_15 = tpu.memref_slice %arg7[%dma_start3A, %dma_start3A_14] : memref<125x80xi32, #tpu.memory_space<vmem>> -> memref<1x80xi32, #tpu.memory_space<vmem>>
    %dma_start3A_16 = tpu.memref_squeeze %dma_start3A_15 : memref<1x80xi32, #tpu.memory_space<vmem>> -> memref<80xi32, #tpu.memory_space<vmem>>
    %dma_start3A_17 = arith.constant 0 : i32
    %dma_start3A_18 = arith.constant 0 : i32
    %dma_start3A_19 = tpu.memref_slice %arg2[%dma_start3A_17, %dma_start3A_18] : memref<10000x64xf32, #tpu.memory_space<hbm>> -> memref<10000x64xf32, #tpu.memory_space<hbm>>
    tpu.enqueue_indirect_dma source(%dma_start3A_19 : memref<10000x64xf32, #tpu.memory_space<hbm>>) target(%dma_start3A_13 : memref<80x64xf32, #tpu.memory_space<vmem>>) offsets(%dma_start3A_16 : memref<80xi32, #tpu.memory_space<vmem>>) semaphore(%arg11 : memref<!tpu.dma_semaphore, #tpu.memory_space<semaphore_mem>>)
    %dma_start3A_20 = arith.constant 1 : i32
    %dma_start3A_21 = arith.constant 1 : i32
    %dma_start3A_22 = arith.constant 0 : i32
    %dma_start3A_23 = arith.constant 0 : i32
    %dma_start3A_24 = tpu.memref_slice %arg9[%dma_start3A_21, %dma_start3A_22, %dma_start3A_23] : memref<3x80x64xf32, #tpu.memory_space<vmem>> -> memref<1x80x64xf32, #tpu.memory_space<vmem>>
    %dma_start3A_25 = tpu.memref_squeeze %dma_start3A_24 : memref<1x80x64xf32, #tpu.memory_space<vmem>> -> memref<80x64xf32, #tpu.memory_space<vmem>>
    %dma_start3A_26 = arith.constant 0 : i32
    %dma_start3A_27 = tpu.memref_slice %arg7[%dma_start3A_20, %dma_start3A_26] : memref<125x80xi32, #tpu.memory_space<vmem>> -> memref<1x80xi32, #tpu.memory_space<vmem>>
    %dma_start3A_28 = tpu.memref_squeeze %dma_start3A_27 : memref<1x80xi32, #tpu.memory_space<vmem>> -> memref<80xi32, #tpu.memory_space<vmem>>
    %dma_start3A_29 = arith.constant 0 : i32
    %dma_start3A_30 = arith.constant 0 : i32
    %dma_start3A_31 = tpu.memref_slice %arg2[%dma_start3A_29, %dma_start3A_30] : memref<10000x64xf32, #tpu.memory_space<hbm>> -> memref<10000x64xf32, #tpu.memory_space<hbm>>
    tpu.enqueue_indirect_dma source(%dma_start3A_31 : memref<10000x64xf32, #tpu.memory_space<hbm>>) target(%dma_start3A_25 : memref<80x64xf32, #tpu.memory_space<vmem>>) offsets(%dma_start3A_28 : memref<80xi32, #tpu.memory_space<vmem>>) semaphore(%arg12 : memref<!tpu.dma_semaphore, #tpu.memory_space<semaphore_mem>>)
    %scan3A = arith.constant 0 : i32
    %scan3A_32 = arith.constant 0 : i32
    %scan3A_33 = arith.constant 41 : i32
    %scan3A_34 = arith.addi %scan3A_32, %scan3A_33 : i32
    %scan3A_35 = arith.constant 1 : i32
    scf.for %scan3A_68 = %scan3A_32 to %scan3A_34 step %scan3A_35  : i32 {
      %mul3A_69 = arith.constant 3 : i32
      %mul3A_70 = arith.muli %scan3A_68, %mul3A_69 : i32
      %add3A_71 = arith.constant 0 : i32
      %add3A_72 = arith.addi %mul3A_70, %add3A_71 : i32
      %add3A_73 = arith.constant 2 : i32
      %add3A_74 = arith.addi %add3A_72, %add3A_73 : i32
      %dma_start3A_75 = arith.constant 2 : i32
      %dma_start3A_76 = arith.constant 0 : i32
      %dma_start3A_77 = arith.constant 0 : i32
      %dma_start3A_78 = tpu.memref_slice %arg9[%dma_start3A_75, %dma_start3A_76, %dma_start3A_77] : memref<3x80x64xf32, #tpu.memory_space<vmem>> -> memref<1x80x64xf32, #tpu.memory_space<vmem>>
      %dma_start3A_79 = tpu.memref_squeeze %dma_start3A_78 : memref<1x80x64xf32, #tpu.memory_space<vmem>> -> memref<80x64xf32, #tpu.memory_space<vmem>>
      %dma_start3A_80 = arith.constant 0 : i32
      %dma_start3A_81 = tpu.memref_slice %arg7[%add3A_74, %dma_start3A_80] : memref<125x80xi32, #tpu.memory_space<vmem>> -> memref<1x80xi32, #tpu.memory_space<vmem>>
      %dma_start3A_82 = tpu.memref_squeeze %dma_start3A_81 : memref<1x80xi32, #tpu.memory_space<vmem>> -> memref<80xi32, #tpu.memory_space<vmem>>
      %dma_start3A_83 = arith.constant 0 : i32
      %dma_start3A_84 = arith.constant 0 : i32
      %dma_start3A_85 = tpu.memref_slice %arg2[%dma_start3A_83, %dma_start3A_84] : memref<10000x64xf32, #tpu.memory_space<hbm>> -> memref<10000x64xf32, #tpu.memory_space<hbm>>
      tpu.enqueue_indirect_dma source(%dma_start3A_85 : memref<10000x64xf32, #tpu.memory_space<hbm>>) target(%dma_start3A_79 : memref<80x64xf32, #tpu.memory_space<vmem>>) offsets(%dma_start3A_82 : memref<80xi32, #tpu.memory_space<vmem>>) semaphore(%arg13 : memref<!tpu.dma_semaphore, #tpu.memory_space<semaphore_mem>>)
      %dma_wait3A_86 = arith.constant 0 : i32
      %dma_wait3A_87 = arith.constant 0 : i32
      %dma_wait3A_88 = arith.constant 0 : i32
      %dma_wait3A_89 = tpu.memref_slice %arg9[%dma_wait3A_86, %dma_wait3A_87, %dma_wait3A_88] : memref<3x80x64xf32, #tpu.memory_space<vmem>> -> memref<1x80x64xf32, #tpu.memory_space<vmem>>
      %dma_wait3A_90 = tpu.memref_squeeze %dma_wait3A_89 : memref<1x80x64xf32, #tpu.memory_space<vmem>> -> memref<80x64xf32, #tpu.memory_space<vmem>>
      %dma_wait3A_91 = arith.constant 0 : i32
      %dma_wait3A_92 = tpu.memref_slice %arg7[%add3A_72, %dma_wait3A_91] : memref<125x80xi32, #tpu.memory_space<vmem>> -> memref<1x80xi32, #tpu.memory_space<vmem>>
      %dma_wait3A_93 = tpu.memref_squeeze %dma_wait3A_92 : memref<1x80xi32, #tpu.memory_space<vmem>> -> memref<80xi32, #tpu.memory_space<vmem>>
      %dma_wait3A_94 = arith.constant 0 : i32
      %dma_wait3A_95 = arith.constant 0 : i32
      %dma_wait3A_96 = tpu.memref_slice %arg2[%dma_wait3A_94, %dma_wait3A_95] : memref<10000x64xf32, #tpu.memory_space<hbm>> -> memref<10000x64xf32, #tpu.memory_space<hbm>>
      tpu.wait_indirect_dma semaphore(%arg11 : memref<!tpu.dma_semaphore, #tpu.memory_space<semaphore_mem>>) src(%dma_wait3A_96 : memref<10000x64xf32, #tpu.memory_space<hbm>>) dst(%dma_wait3A_90 : memref<80x64xf32, #tpu.memory_space<vmem>>)
      %run_scoped3A_97 = arith.constant 0 : i32
      "tpu.region"() ({
        %run_scoped3A_156 = tpu.sem_alloc : memref<!tpu.dma_semaphore, #tpu.memory_space<semaphore_mem>>
        %dma_start3A_157 = arith.constant 0 : i32
        %dma_start3A_158 = arith.constant 0 : i32
        %dma_start3A_159 = tpu.memref_slice %arg9[%run_scoped3A_97, %dma_start3A_157, %dma_start3A_158] : memref<3x80x64xf32, #tpu.memory_space<vmem>> -> memref<1x80x64xf32, #tpu.memory_space<vmem>>
        %dma_start3A_160 = tpu.memref_squeeze %dma_start3A_159 : memref<1x80x64xf32, #tpu.memory_space<vmem>> -> memref<80x64xf32, #tpu.memory_space<vmem>>
        %dma_start3A_161 = arith.constant 0 : i32
        %dma_start3A_162 = tpu.memref_slice %arg8[%add3A_72, %dma_start3A_161] : memref<125x80xi32, #tpu.memory_space<vmem>> -> memref<1x80xi32, #tpu.memory_space<vmem>>
        %dma_start3A_163 = tpu.memref_squeeze %dma_start3A_162 : memref<1x80xi32, #tpu.memory_space<vmem>> -> memref<80xi32, #tpu.memory_space<vmem>>
        %dma_start3A_164 = arith.constant 0 : i32
        %dma_start3A_165 = arith.constant 0 : i32
        %dma_start3A_166 = tpu.memref_slice %arg10[%dma_start3A_164, %dma_start3A_165] : memref<10000x64xf32, #tpu.memory_space<vmem_shared>> -> memref<10000x64xf32, #tpu.memory_space<vmem_shared>>
        tpu.enqueue_indirect_dma source(%dma_start3A_160 : memref<80x64xf32, #tpu.memory_space<vmem>>) target(%dma_start3A_166 : memref<10000x64xf32, #tpu.memory_space<vmem_shared>>) offsets(%dma_start3A_163 : memref<80xi32, #tpu.memory_space<vmem>>) semaphore(%run_scoped3A_156 : memref<!tpu.dma_semaphore, #tpu.memory_space<semaphore_mem>>) {add = true}
        %dma_wait3A_167 = arith.constant 0 : i32
        %dma_wait3A_168 = arith.constant 0 : i32
        %dma_wait3A_169 = tpu.memref_slice %arg9[%run_scoped3A_97, %dma_wait3A_167, %dma_wait3A_168] : memref<3x80x64xf32, #tpu.memory_space<vmem>> -> memref<1x80x64xf32, #tpu.memory_space<vmem>>
        %dma_wait3A_170 = tpu.memref_squeeze %dma_wait3A_169 : memref<1x80x64xf32, #tpu.memory_space<vmem>> -> memref<80x64xf32, #tpu.memory_space<vmem>>
        %dma_wait3A_171 = arith.constant 0 : i32
        %dma_wait3A_172 = tpu.memref_slice %arg8[%add3A_72, %dma_wait3A_171] : memref<125x80xi32, #tpu.memory_space<vmem>> -> memref<1x80xi32, #tpu.memory_space<vmem>>
        %dma_wait3A_173 = tpu.memref_squeeze %dma_wait3A_172 : memref<1x80xi32, #tpu.memory_space<vmem>> -> memref<80xi32, #tpu.memory_space<vmem>>
        %dma_wait3A_174 = arith.constant 0 : i32
        %dma_wait3A_175 = arith.constant 0 : i32
        %dma_wait3A_176 = tpu.memref_slice %arg10[%dma_wait3A_174, %dma_wait3A_175] : memref<10000x64xf32, #tpu.memory_space<vmem_shared>> -> memref<10000x64xf32, #tpu.memory_space<vmem_shared>>
        tpu.wait_indirect_dma semaphore(%run_scoped3A_156 : memref<!tpu.dma_semaphore, #tpu.memory_space<semaphore_mem>>) src(%dma_wait3A_170 : memref<80x64xf32, #tpu.memory_space<vmem>>) dst(%dma_wait3A_176 : memref<10000x64xf32, #tpu.memory_space<vmem_shared>>)
        tpu.yield
      }) : () -> ()
      %mul3A_98 = arith.constant 3 : i32
      %mul3A_99 = arith.muli %scan3A_68, %mul3A_98 : i32
      %add3A_100 = arith.constant 1 : i32
      %add3A_101 = arith.addi %mul3A_99, %add3A_100 : i32
      %add3A_102 = arith.constant 2 : i32
      %add3A_103 = arith.addi %add3A_101, %add3A_102 : i32
      %dma_start3A_104 = arith.constant 0 : i32
      %dma_start3A_105 = arith.constant 0 : i32
      %dma_start3A_106 = arith.constant 0 : i32
      %dma_start3A_107 = tpu.memref_slice %arg9[%dma_start3A_104, %dma_start3A_105, %dma_start3A_106] : memref<3x80x64xf32, #tpu.memory_space<vmem>> -> memref<1x80x64xf32, #tpu.memory_space<vmem>>
      %dma_start3A_108 = tpu.memref_squeeze %dma_start3A_107 : memref<1x80x64xf32, #tpu.memory_space<vmem>> -> memref<80x64xf32, #tpu.memory_space<vmem>>
      %dma_start3A_109 = arith.constant 0 : i32
      %dma_start3A_110 = tpu.memref_slice %arg7[%add3A_103, %dma_start3A_109] : memref<125x80xi32, #tpu.memory_space<vmem>> -> memref<1x80xi32, #tpu.memory_space<vmem>>
      %dma_start3A_111 = tpu.memref_squeeze %dma_start3A_110 : memref<1x80xi32, #tpu.memory_space<vmem>> -> memref<80xi32, #tpu.memory_space<vmem>>
      %dma_start3A_112 = arith.constant 0 : i32
      %dma_start3A_113 = arith.constant 0 : i32
      %dma_start3A_114 = tpu.memref_slice %arg2[%dma_start3A_112, %dma_start3A_113] : memref<10000x64xf32, #tpu.memory_space<hbm>> -> memref<10000x64xf32, #tpu.memory_space<hbm>>
      tpu.enqueue_indirect_dma source(%dma_start3A_114 : memref<10000x64xf32, #tpu.memory_space<hbm>>) target(%dma_start3A_108 : memref<80x64xf32, #tpu.memory_space<vmem>>) offsets(%dma_start3A_111 : memref<80xi32, #tpu.memory_space<vmem>>) semaphore(%arg11 : memref<!tpu.dma_semaphore, #tpu.memory_space<semaphore_mem>>)
      %dma_wait3A_115 = arith.constant 1 : i32
      %dma_wait3A_116 = arith.constant 0 : i32
      %dma_wait3A_117 = arith.constant 0 : i32
      %dma_wait3A_118 = tpu.memref_slice %arg9[%dma_wait3A_115, %dma_wait3A_116, %dma_wait3A_117] : memref<3x80x64xf32, #tpu.memory_space<vmem>> -> memref<1x80x64xf32, #tpu.memory_space<vmem>>
      %dma_wait3A_119 = tpu.memref_squeeze %dma_wait3A_118 : memref<1x80x64xf32, #tpu.memory_space<vmem>> -> memref<80x64xf32, #tpu.memory_space<vmem>>
      %dma_wait3A_120 = arith.constant 0 : i32
      %dma_wait3A_121 = tpu.memref_slice %arg7[%add3A_101, %dma_wait3A_120] : memref<125x80xi32, #tpu.memory_space<vmem>> -> memref<1x80xi32, #tpu.memory_space<vmem>>
      %dma_wait3A_122 = tpu.memref_squeeze %dma_wait3A_121 : memref<1x80xi32, #tpu.memory_space<vmem>> -> memref<80xi32, #tpu.memory_space<vmem>>
      %dma_wait3A_123 = arith.constant 0 : i32
      %dma_wait3A_124 = arith.constant 0 : i32
      %dma_wait3A_125 = tpu.memref_slice %arg2[%dma_wait3A_123, %dma_wait3A_124] : memref<10000x64xf32, #tpu.memory_space<hbm>> -> memref<10000x64xf32, #tpu.memory_space<hbm>>
      tpu.wait_indirect_dma semaphore(%arg12 : memref<!tpu.dma_semaphore, #tpu.memory_space<semaphore_mem>>) src(%dma_wait3A_125 : memref<10000x64xf32, #tpu.memory_space<hbm>>) dst(%dma_wait3A_119 : memref<80x64xf32, #tpu.memory_space<vmem>>)
      %run_scoped3A_126 = arith.constant 1 : i32
      "tpu.region"() ({
        %run_scoped3A_156 = tpu.sem_alloc : memref<!tpu.dma_semaphore, #tpu.memory_space<semaphore_mem>>
        %dma_start3A_157 = arith.constant 0 : i32
        %dma_start3A_158 = arith.constant 0 : i32
        %dma_start3A_159 = tpu.memref_slice %arg9[%run_scoped3A_126, %dma_start3A_157, %dma_start3A_158] : memref<3x80x64xf32, #tpu.memory_space<vmem>> -> memref<1x80x64xf32, #tpu.memory_space<vmem>>
        %dma_start3A_160 = tpu.memref_squeeze %dma_start3A_159 : memref<1x80x64xf32, #tpu.memory_space<vmem>> -> memref<80x64xf32, #tpu.memory_space<vmem>>
        %dma_start3A_161 = arith.constant 0 : i32
        %dma_start3A_162 = tpu.memref_slice %arg8[%add3A_101, %dma_start3A_161] : memref<125x80xi32, #tpu.memory_space<vmem>> -> memref<1x80xi32, #tpu.memory_space<vmem>>
        %dma_start3A_163 = tpu.memref_squeeze %dma_start3A_162 : memref<1x80xi32, #tpu.memory_space<vmem>> -> memref<80xi32, #tpu.memory_space<vmem>>
        %dma_start3A_164 = arith.constant 0 : i32
        %dma_start3A_165 = arith.constant 0 : i32
        %dma_start3A_166 = tpu.memref_slice %arg10[%dma_start3A_164, %dma_start3A_165] : memref<10000x64xf32, #tpu.memory_space<vmem_shared>> -> memref<10000x64xf32, #tpu.memory_space<vmem_shared>>
        tpu.enqueue_indirect_dma source(%dma_start3A_160 : memref<80x64xf32, #tpu.memory_space<vmem>>) target(%dma_start3A_166 : memref<10000x64xf32, #tpu.memory_space<vmem_shared>>) offsets(%dma_start3A_163 : memref<80xi32, #tpu.memory_space<vmem>>) semaphore(%run_scoped3A_156 : memref<!tpu.dma_semaphore, #tpu.memory_space<semaphore_mem>>) {add = true}
        %dma_wait3A_167 = arith.constant 0 : i32
        %dma_wait3A_168 = arith.constant 0 : i32
        %dma_wait3A_169 = tpu.memref_slice %arg9[%run_scoped3A_126, %dma_wait3A_167, %dma_wait3A_168] : memref<3x80x64xf32, #tpu.memory_space<vmem>> -> memref<1x80x64xf32, #tpu.memory_space<vmem>>
        %dma_wait3A_170 = tpu.memref_squeeze %dma_wait3A_169 : memref<1x80x64xf32, #tpu.memory_space<vmem>> -> memref<80x64xf32, #tpu.memory_space<vmem>>
        %dma_wait3A_171 = arith.constant 0 : i32
        %dma_wait3A_172 = tpu.memref_slice %arg8[%add3A_101, %dma_wait3A_171] : memref<125x80xi32, #tpu.memory_space<vmem>> -> memref<1x80xi32, #tpu.memory_space<vmem>>
        %dma_wait3A_173 = tpu.memref_squeeze %dma_wait3A_172 : memref<1x80xi32, #tpu.memory_space<vmem>> -> memref<80xi32, #tpu.memory_space<vmem>>
        %dma_wait3A_174 = arith.constant 0 : i32
        %dma_wait3A_175 = arith.constant 0 : i32
        %dma_wait3A_176 = tpu.memref_slice %arg10[%dma_wait3A_174, %dma_wait3A_175] : memref<10000x64xf32, #tpu.memory_space<vmem_shared>> -> memref<10000x64xf32, #tpu.memory_space<vmem_shared>>
        tpu.wait_indirect_dma semaphore(%run_scoped3A_156 : memref<!tpu.dma_semaphore, #tpu.memory_space<semaphore_mem>>) src(%dma_wait3A_170 : memref<80x64xf32, #tpu.memory_space<vmem>>) dst(%dma_wait3A_176 : memref<10000x64xf32, #tpu.memory_space<vmem_shared>>)
        tpu.yield
      }) : () -> ()
      %mul3A_127 = arith.constant 3 : i32
      %mul3A_128 = arith.muli %scan3A_68, %mul3A_127 : i32
      %add3A_129 = arith.constant 2 : i32
      %add3A_130 = arith.addi %mul3A_128, %add3A_129 : i32
      %add3A_131 = arith.constant 2 : i32
      %add3A_132 = arith.addi %add3A_130, %add3A_131 : i32
      %dma_start3A_133 = arith.constant 1 : i32
      %dma_start3A_134 = arith.constant 0 : i32
      %dma_start3A_135 = arith.constant 0 : i32
      %dma_start3A_136 = tpu.memref_slice %arg9[%dma_start3A_133, %dma_start3A_134, %dma_start3A_135] : memref<3x80x64xf32, #tpu.memory_space<vmem>> -> memref<1x80x64xf32, #tpu.memory_space<vmem>>
      %dma_start3A_137 = tpu.memref_squeeze %dma_start3A_136 : memref<1x80x64xf32, #tpu.memory_space<vmem>> -> memref<80x64xf32, #tpu.memory_space<vmem>>
      %dma_start3A_138 = arith.constant 0 : i32
      %dma_start3A_139 = tpu.memref_slice %arg7[%add3A_132, %dma_start3A_138] : memref<125x80xi32, #tpu.memory_space<vmem>> -> memref<1x80xi32, #tpu.memory_space<vmem>>
      %dma_start3A_140 = tpu.memref_squeeze %dma_start3A_139 : memref<1x80xi32, #tpu.memory_space<vmem>> -> memref<80xi32, #tpu.memory_space<vmem>>
      %dma_start3A_141 = arith.constant 0 : i32
      %dma_start3A_142 = arith.constant 0 : i32
      %dma_start3A_143 = tpu.memref_slice %arg2[%dma_start3A_141, %dma_start3A_142] : memref<10000x64xf32, #tpu.memory_space<hbm>> -> memref<10000x64xf32, #tpu.memory_space<hbm>>
      tpu.enqueue_indirect_dma source(%dma_start3A_143 : memref<10000x64xf32, #tpu.memory_space<hbm>>) target(%dma_start3A_137 : memref<80x64xf32, #tpu.memory_space<vmem>>) offsets(%dma_start3A_140 : memref<80xi32, #tpu.memory_space<vmem>>) semaphore(%arg12 : memref<!tpu.dma_semaphore, #tpu.memory_space<semaphore_mem>>)
      %dma_wait3A_144 = arith.constant 2 : i32
      %dma_wait3A_145 = arith.constant 0 : i32
      %dma_wait3A_146 = arith.constant 0 : i32
      %dma_wait3A_147 = tpu.memref_slice %arg9[%dma_wait3A_144, %dma_wait3A_145, %dma_wait3A_146] : memref<3x80x64xf32, #tpu.memory_space<vmem>> -> memref<1x80x64xf32, #tpu.memory_space<vmem>>
      %dma_wait3A_148 = tpu.memref_squeeze %dma_wait3A_147 : memref<1x80x64xf32, #tpu.memory_space<vmem>> -> memref<80x64xf32, #tpu.memory_space<vmem>>
      %dma_wait3A_149 = arith.constant 0 : i32
      %dma_wait3A_150 = tpu.memref_slice %arg7[%add3A_130, %dma_wait3A_149] : memref<125x80xi32, #tpu.memory_space<vmem>> -> memref<1x80xi32, #tpu.memory_space<vmem>>
      %dma_wait3A_151 = tpu.memref_squeeze %dma_wait3A_150 : memref<1x80xi32, #tpu.memory_space<vmem>> -> memref<80xi32, #tpu.memory_space<vmem>>
      %dma_wait3A_152 = arith.constant 0 : i32
      %dma_wait3A_153 = arith.constant 0 : i32
      %dma_wait3A_154 = tpu.memref_slice %arg2[%dma_wait3A_152, %dma_wait3A_153] : memref<10000x64xf32, #tpu.memory_space<hbm>> -> memref<10000x64xf32, #tpu.memory_space<hbm>>
      tpu.wait_indirect_dma semaphore(%arg13 : memref<!tpu.dma_semaphore, #tpu.memory_space<semaphore_mem>>) src(%dma_wait3A_154 : memref<10000x64xf32, #tpu.memory_space<hbm>>) dst(%dma_wait3A_148 : memref<80x64xf32, #tpu.memory_space<vmem>>)
      %run_scoped3A_155 = arith.constant 2 : i32
      "tpu.region"() ({
        %run_scoped3A_156 = tpu.sem_alloc : memref<!tpu.dma_semaphore, #tpu.memory_space<semaphore_mem>>
        %dma_start3A_157 = arith.constant 0 : i32
        %dma_start3A_158 = arith.constant 0 : i32
        %dma_start3A_159 = tpu.memref_slice %arg9[%run_scoped3A_155, %dma_start3A_157, %dma_start3A_158] : memref<3x80x64xf32, #tpu.memory_space<vmem>> -> memref<1x80x64xf32, #tpu.memory_space<vmem>>
        %dma_start3A_160 = tpu.memref_squeeze %dma_start3A_159 : memref<1x80x64xf32, #tpu.memory_space<vmem>> -> memref<80x64xf32, #tpu.memory_space<vmem>>
        %dma_start3A_161 = arith.constant 0 : i32
        %dma_start3A_162 = tpu.memref_slice %arg8[%add3A_130, %dma_start3A_161] : memref<125x80xi32, #tpu.memory_space<vmem>> -> memref<1x80xi32, #tpu.memory_space<vmem>>
        %dma_start3A_163 = tpu.memref_squeeze %dma_start3A_162 : memref<1x80xi32, #tpu.memory_space<vmem>> -> memref<80xi32, #tpu.memory_space<vmem>>
        %dma_start3A_164 = arith.constant 0 : i32
        %dma_start3A_165 = arith.constant 0 : i32
        %dma_start3A_166 = tpu.memref_slice %arg10[%dma_start3A_164, %dma_start3A_165] : memref<10000x64xf32, #tpu.memory_space<vmem_shared>> -> memref<10000x64xf32, #tpu.memory_space<vmem_shared>>
        tpu.enqueue_indirect_dma source(%dma_start3A_160 : memref<80x64xf32, #tpu.memory_space<vmem>>) target(%dma_start3A_166 : memref<10000x64xf32, #tpu.memory_space<vmem_shared>>) offsets(%dma_start3A_163 : memref<80xi32, #tpu.memory_space<vmem>>) semaphore(%run_scoped3A_156 : memref<!tpu.dma_semaphore, #tpu.memory_space<semaphore_mem>>) {add = true}
        %dma_wait3A_167 = arith.constant 0 : i32
        %dma_wait3A_168 = arith.constant 0 : i32
        %dma_wait3A_169 = tpu.memref_slice %arg9[%run_scoped3A_155, %dma_wait3A_167, %dma_wait3A_168] : memref<3x80x64xf32, #tpu.memory_space<vmem>> -> memref<1x80x64xf32, #tpu.memory_space<vmem>>
        %dma_wait3A_170 = tpu.memref_squeeze %dma_wait3A_169 : memref<1x80x64xf32, #tpu.memory_space<vmem>> -> memref<80x64xf32, #tpu.memory_space<vmem>>
        %dma_wait3A_171 = arith.constant 0 : i32
        %dma_wait3A_172 = tpu.memref_slice %arg8[%add3A_130, %dma_wait3A_171] : memref<125x80xi32, #tpu.memory_space<vmem>> -> memref<1x80xi32, #tpu.memory_space<vmem>>
        %dma_wait3A_173 = tpu.memref_squeeze %dma_wait3A_172 : memref<1x80xi32, #tpu.memory_space<vmem>> -> memref<80xi32, #tpu.memory_space<vmem>>
        %dma_wait3A_174 = arith.constant 0 : i32
        %dma_wait3A_175 = arith.constant 0 : i32
        %dma_wait3A_176 = tpu.memref_slice %arg10[%dma_wait3A_174, %dma_wait3A_175] : memref<10000x64xf32, #tpu.memory_space<vmem_shared>> -> memref<10000x64xf32, #tpu.memory_space<vmem_shared>>
        tpu.wait_indirect_dma semaphore(%run_scoped3A_156 : memref<!tpu.dma_semaphore, #tpu.memory_space<semaphore_mem>>) src(%dma_wait3A_170 : memref<80x64xf32, #tpu.memory_space<vmem>>) dst(%dma_wait3A_176 : memref<10000x64xf32, #tpu.memory_space<vmem_shared>>)
        tpu.yield
      }) : () -> ()
    }
    %scan3A_36 = arith.constant 41 : i32
    %dma_wait3A = arith.constant 123 : i32
    %dma_wait3A_37 = arith.constant 0 : i32
    %dma_wait3A_38 = arith.constant 0 : i32
    %dma_wait3A_39 = arith.constant 0 : i32
    %dma_wait3A_40 = tpu.memref_slice %arg9[%dma_wait3A_37, %dma_wait3A_38, %dma_wait3A_39] : memref<3x80x64xf32, #tpu.memory_space<vmem>> -> memref<1x80x64xf32, #tpu.memory_space<vmem>>
    %dma_wait3A_41 = tpu.memref_squeeze %dma_wait3A_40 : memref<1x80x64xf32, #tpu.memory_space<vmem>> -> memref<80x64xf32, #tpu.memory_space<vmem>>
    %dma_wait3A_42 = arith.constant 0 : i32
    %dma_wait3A_43 = tpu.memref_slice %arg7[%dma_wait3A, %dma_wait3A_42] : memref<125x80xi32, #tpu.memory_space<vmem>> -> memref<1x80xi32, #tpu.memory_space<vmem>>
    %dma_wait3A_44 = tpu.memref_squeeze %dma_wait3A_43 : memref<1x80xi32, #tpu.memory_space<vmem>> -> memref<80xi32, #tpu.memory_space<vmem>>
    %dma_wait3A_45 = arith.constant 0 : i32
    %dma_wait3A_46 = arith.constant 0 : i32
    %dma_wait3A_47 = tpu.memref_slice %arg2[%dma_wait3A_45, %dma_wait3A_46] : memref<10000x64xf32, #tpu.memory_space<hbm>> -> memref<10000x64xf32, #tpu.memory_space<hbm>>
    tpu.wait_indirect_dma semaphore(%arg11 : memref<!tpu.dma_semaphore, #tpu.memory_space<semaphore_mem>>) src(%dma_wait3A_47 : memref<10000x64xf32, #tpu.memory_space<hbm>>) dst(%dma_wait3A_41 : memref<80x64xf32, #tpu.memory_space<vmem>>)
    %run_scoped3A = arith.constant 0 : i32
    %run_scoped3A_48 = arith.constant 123 : i32
    "tpu.region"() ({
      %run_scoped3A_68 = tpu.sem_alloc : memref<!tpu.dma_semaphore, #tpu.memory_space<semaphore_mem>>
      %dma_start3A_69 = arith.constant 0 : i32
      %dma_start3A_70 = arith.constant 0 : i32
      %dma_start3A_71 = tpu.memref_slice %arg9[%run_scoped3A, %dma_start3A_69, %dma_start3A_70] : memref<3x80x64xf32, #tpu.memory_space<vmem>> -> memref<1x80x64xf32, #tpu.memory_space<vmem>>
      %dma_start3A_72 = tpu.memref_squeeze %dma_start3A_71 : memref<1x80x64xf32, #tpu.memory_space<vmem>> -> memref<80x64xf32, #tpu.memory_space<vmem>>
      %dma_start3A_73 = arith.constant 0 : i32
      %dma_start3A_74 = tpu.memref_slice %arg8[%run_scoped3A_48, %dma_start3A_73] : memref<125x80xi32, #tpu.memory_space<vmem>> -> memref<1x80xi32, #tpu.memory_space<vmem>>
      %dma_start3A_75 = tpu.memref_squeeze %dma_start3A_74 : memref<1x80xi32, #tpu.memory_space<vmem>> -> memref<80xi32, #tpu.memory_space<vmem>>
      %dma_start3A_76 = arith.constant 0 : i32
      %dma_start3A_77 = arith.constant 0 : i32
      %dma_start3A_78 = tpu.memref_slice %arg10[%dma_start3A_76, %dma_start3A_77] : memref<10000x64xf32, #tpu.memory_space<vmem_shared>> -> memref<10000x64xf32, #tpu.memory_space<vmem_shared>>
      tpu.enqueue_indirect_dma source(%dma_start3A_72 : memref<80x64xf32, #tpu.memory_space<vmem>>) target(%dma_start3A_78 : memref<10000x64xf32, #tpu.memory_space<vmem_shared>>) offsets(%dma_start3A_75 : memref<80xi32, #tpu.memory_space<vmem>>) semaphore(%run_scoped3A_68 : memref<!tpu.dma_semaphore, #tpu.memory_space<semaphore_mem>>) {add = true}
      %dma_wait3A_79 = arith.constant 0 : i32
      %dma_wait3A_80 = arith.constant 0 : i32
      %dma_wait3A_81 = tpu.memref_slice %arg9[%run_scoped3A, %dma_wait3A_79, %dma_wait3A_80] : memref<3x80x64xf32, #tpu.memory_space<vmem>> -> memref<1x80x64xf32, #tpu.memory_space<vmem>>
      %dma_wait3A_82 = tpu.memref_squeeze %dma_wait3A_81 : memref<1x80x64xf32, #tpu.memory_space<vmem>> -> memref<80x64xf32, #tpu.memory_space<vmem>>
      %dma_wait3A_83 = arith.constant 0 : i32
      %dma_wait3A_84 = tpu.memref_slice %arg8[%run_scoped3A_48, %dma_wait3A_83] : memref<125x80xi32, #tpu.memory_space<vmem>> -> memref<1x80xi32, #tpu.memory_space<vmem>>
      %dma_wait3A_85 = tpu.memref_squeeze %dma_wait3A_84 : memref<1x80xi32, #tpu.memory_space<vmem>> -> memref<80xi32, #tpu.memory_space<vmem>>
      %dma_wait3A_86 = arith.constant 0 : i32
      %dma_wait3A_87 = arith.constant 0 : i32
      %dma_wait3A_88 = tpu.memref_slice %arg10[%dma_wait3A_86, %dma_wait3A_87] : memref<10000x64xf32, #tpu.memory_space<vmem_shared>> -> memref<10000x64xf32, #tpu.memory_space<vmem_shared>>
      tpu.wait_indirect_dma semaphore(%run_scoped3A_68 : memref<!tpu.dma_semaphore, #tpu.memory_space<semaphore_mem>>) src(%dma_wait3A_82 : memref<80x64xf32, #tpu.memory_space<vmem>>) dst(%dma_wait3A_88 : memref<10000x64xf32, #tpu.memory_space<vmem_shared>>)
      tpu.yield
    }) : () -> ()
    %dma_wait3A_49 = arith.constant 124 : i32
    %dma_wait3A_50 = arith.constant 1 : i32
    %dma_wait3A_51 = arith.constant 0 : i32
    %dma_wait3A_52 = arith.constant 0 : i32
    %dma_wait3A_53 = tpu.memref_slice %arg9[%dma_wait3A_50, %dma_wait3A_51, %dma_wait3A_52] : memref<3x80x64xf32, #tpu.memory_space<vmem>> -> memref<1x80x64xf32, #tpu.memory_space<vmem>>
    %dma_wait3A_54 = tpu.memref_squeeze %dma_wait3A_53 : memref<1x80x64xf32, #tpu.memory_space<vmem>> -> memref<80x64xf32, #tpu.memory_space<vmem>>
    %dma_wait3A_55 = arith.constant 0 : i32
    %dma_wait3A_56 = tpu.memref_slice %arg7[%dma_wait3A_49, %dma_wait3A_55] : memref<125x80xi32, #tpu.memory_space<vmem>> -> memref<1x80xi32, #tpu.memory_space<vmem>>
    %dma_wait3A_57 = tpu.memref_squeeze %dma_wait3A_56 : memref<1x80xi32, #tpu.memory_space<vmem>> -> memref<80xi32, #tpu.memory_space<vmem>>
    %dma_wait3A_58 = arith.constant 0 : i32
    %dma_wait3A_59 = arith.constant 0 : i32
    %dma_wait3A_60 = tpu.memref_slice %arg2[%dma_wait3A_58, %dma_wait3A_59] : memref<10000x64xf32, #tpu.memory_space<hbm>> -> memref<10000x64xf32, #tpu.memory_space<hbm>>
    tpu.wait_indirect_dma semaphore(%arg12 : memref<!tpu.dma_semaphore, #tpu.memory_space<semaphore_mem>>) src(%dma_wait3A_60 : memref<10000x64xf32, #tpu.memory_space<hbm>>) dst(%dma_wait3A_54 : memref<80x64xf32, #tpu.memory_space<vmem>>)
    %run_scoped3A_61 = arith.constant 1 : i32
    %run_scoped3A_62 = arith.constant 124 : i32
    "tpu.region"() ({
      %run_scoped3A_68 = tpu.sem_alloc : memref<!tpu.dma_semaphore, #tpu.memory_space<semaphore_mem>>
      %dma_start3A_69 = arith.constant 0 : i32
      %dma_start3A_70 = arith.constant 0 : i32
      %dma_start3A_71 = tpu.memref_slice %arg9[%run_scoped3A_61, %dma_start3A_69, %dma_start3A_70] : memref<3x80x64xf32, #tpu.memory_space<vmem>> -> memref<1x80x64xf32, #tpu.memory_space<vmem>>
      %dma_start3A_72 = tpu.memref_squeeze %dma_start3A_71 : memref<1x80x64xf32, #tpu.memory_space<vmem>> -> memref<80x64xf32, #tpu.memory_space<vmem>>
      %dma_start3A_73 = arith.constant 0 : i32
      %dma_start3A_74 = tpu.memref_slice %arg8[%run_scoped3A_62, %dma_start3A_73] : memref<125x80xi32, #tpu.memory_space<vmem>> -> memref<1x80xi32, #tpu.memory_space<vmem>>
      %dma_start3A_75 = tpu.memref_squeeze %dma_start3A_74 : memref<1x80xi32, #tpu.memory_space<vmem>> -> memref<80xi32, #tpu.memory_space<vmem>>
      %dma_start3A_76 = arith.constant 0 : i32
      %dma_start3A_77 = arith.constant 0 : i32
      %dma_start3A_78 = tpu.memref_slice %arg10[%dma_start3A_76, %dma_start3A_77] : memref<10000x64xf32, #tpu.memory_space<vmem_shared>> -> memref<10000x64xf32, #tpu.memory_space<vmem_shared>>
      tpu.enqueue_indirect_dma source(%dma_start3A_72 : memref<80x64xf32, #tpu.memory_space<vmem>>) target(%dma_start3A_78 : memref<10000x64xf32, #tpu.memory_space<vmem_shared>>) offsets(%dma_start3A_75 : memref<80xi32, #tpu.memory_space<vmem>>) semaphore(%run_scoped3A_68 : memref<!tpu.dma_semaphore, #tpu.memory_space<semaphore_mem>>) {add = true}
      %dma_wait3A_79 = arith.constant 0 : i32
      %dma_wait3A_80 = arith.constant 0 : i32
      %dma_wait3A_81 = tpu.memref_slice %arg9[%run_scoped3A_61, %dma_wait3A_79, %dma_wait3A_80] : memref<3x80x64xf32, #tpu.memory_space<vmem>> -> memref<1x80x64xf32, #tpu.memory_space<vmem>>
      %dma_wait3A_82 = tpu.memref_squeeze %dma_wait3A_81 : memref<1x80x64xf32, #tpu.memory_space<vmem>> -> memref<80x64xf32, #tpu.memory_space<vmem>>
      %dma_wait3A_83 = arith.constant 0 : i32
      %dma_wait3A_84 = tpu.memref_slice %arg8[%run_scoped3A_62, %dma_wait3A_83] : memref<125x80xi32, #tpu.memory_space<vmem>> -> memref<1x80xi32, #tpu.memory_space<vmem>>
      %dma_wait3A_85 = tpu.memref_squeeze %dma_wait3A_84 : memref<1x80xi32, #tpu.memory_space<vmem>> -> memref<80xi32, #tpu.memory_space<vmem>>
      %dma_wait3A_86 = arith.constant 0 : i32
      %dma_wait3A_87 = arith.constant 0 : i32
      %dma_wait3A_88 = tpu.memref_slice %arg10[%dma_wait3A_86, %dma_wait3A_87] : memref<10000x64xf32, #tpu.memory_space<vmem_shared>> -> memref<10000x64xf32, #tpu.memory_space<vmem_shared>>
      tpu.wait_indirect_dma semaphore(%run_scoped3A_68 : memref<!tpu.dma_semaphore, #tpu.memory_space<semaphore_mem>>) src(%dma_wait3A_82 : memref<80x64xf32, #tpu.memory_space<vmem>>) dst(%dma_wait3A_88 : memref<10000x64xf32, #tpu.memory_space<vmem_shared>>)
      tpu.yield
    }) : () -> ()
    %barrier3A_63 = arith.constant 0 : index
    tpu.barrier barrier_id(%barrier3A_63)
    %mul3A_64 = arith.constant 625 : i32
    %mul3A_65 = arith.muli %arg1, %mul3A_64 : i32
    %mul3A_66 = arith.constant 625 : i32
    %mul3A_67 = arith.muli %arg1, %mul3A_66 : i32
    "tpu.region"() ({
      %run_scoped3A_68 = tpu.sem_alloc : memref<!tpu.dma_semaphore, #tpu.memory_space<semaphore_mem>>
      %dma_start3A_69 = arith.constant 0 : i32
      %dma_start3A_70 = tpu.memref_slice %arg6[%arg0, %mul3A_67, %dma_start3A_69] : memref<2x10000x64xf32, #tpu.memory_space<hbm>> -> memref<1x625x64xf32, #tpu.memory_space<hbm>>
      %dma_start3A_71 = tpu.memref_squeeze %dma_start3A_70 : memref<1x625x64xf32, #tpu.memory_space<hbm>> -> memref<625x64xf32, #tpu.memory_space<hbm>>
      %dma_start3A_72 = arith.constant 0 : i32
      %dma_start3A_73 = tpu.memref_slice %arg10[%mul3A_65, %dma_start3A_72] : memref<10000x64xf32, #tpu.memory_space<vmem_shared>> -> memref<625x64xf32, #tpu.memory_space<vmem_shared>>
      tpu.enqueue_dma source(%dma_start3A_73 : memref<625x64xf32, #tpu.memory_space<vmem_shared>>) target(%dma_start3A_71 : memref<625x64xf32, #tpu.memory_space<hbm>>) target_semaphore(%run_scoped3A_68 : memref<!tpu.dma_semaphore, #tpu.memory_space<semaphore_mem>>)
      %dma_wait3A_74 = arith.constant 0 : i32
      %dma_wait3A_75 = tpu.memref_slice %arg6[%arg0, %mul3A_67, %dma_wait3A_74] : memref<2x10000x64xf32, #tpu.memory_space<hbm>> -> memref<1x625x64xf32, #tpu.memory_space<hbm>>
      %dma_wait3A_76 = tpu.memref_squeeze %dma_wait3A_75 : memref<1x625x64xf32, #tpu.memory_space<hbm>> -> memref<625x64xf32, #tpu.memory_space<hbm>>
      %dma_wait3A_77 = arith.constant 0 : i32
      %dma_wait3A_78 = tpu.memref_slice %arg10[%mul3A_65, %dma_wait3A_77] : memref<10000x64xf32, #tpu.memory_space<vmem_shared>> -> memref<625x64xf32, #tpu.memory_space<vmem_shared>>
      tpu.wait_dma2 semaphore(%run_scoped3A_68 : memref<!tpu.dma_semaphore, #tpu.memory_space<semaphore_mem>>) src(%dma_wait3A_78 : memref<625x64xf32, #tpu.memory_space<vmem_shared>>) dst(%dma_wait3A_76 : memref<625x64xf32, #tpu.memory_space<hbm>>)
      tpu.yield
    }) : () -> ()
    return
  }
}

#map = affine_map<(d0, d1) -> (0, 0, 0)>
#map1 = affine_map<(d0, d1) -> (0, 0)>
module attributes {stable_mosaic.version = 14 : i64} {
  func.func @seg_linear(%arg0: i32, %arg1: i32, %arg2: memref<4000x80x16xf32, #tpu.memory_space<hbm>>, %arg3: memref<4000x80xi32, #tpu.memory_space<hbm>>, %arg4: memref<10000x16xf32, #tpu.memory_space<hbm>>, %arg5: memref<2x10000x16xf32, #tpu.memory_space<hbm>>, %arg6: memref<125x80xi32, #tpu.memory_space<vmem>>, %arg7: memref<3x80x16xf32, #tpu.memory_space<vmem>>, %arg8: memref<10000x16xf32, #tpu.memory_space<vmem_shared>>, %arg9: memref<!tpu.dma_semaphore, #tpu.memory_space<semaphore_mem>>, %arg10: memref<!tpu.dma_semaphore, #tpu.memory_space<semaphore_mem>>, %arg11: memref<!tpu.dma_semaphore, #tpu.memory_space<semaphore_mem>>) attributes {dimension_semantics = [#tpu.dimension_semantics<core_parallel>, #tpu.dimension_semantics<subcore_parallel>], iteration_bounds = array<i64: 2, 16>, scalar_prefetch = 0 : i64, scratch_operands = 6 : i64, tpu.core_type = #tpu.core_type<sc_vector_subcore>, window_params = [{transform_indices = #map}, {transform_indices = #map1}, {transform_indices = #map1}, {transform_indices = #map}]} {
    %mul3A = arith.constant 16 : i32
    %mul3A_0 = arith.muli %arg0, %mul3A : i32
    %add3A = arith.addi %mul3A_0, %arg1 : i32
    %mul3A_1 = arith.constant 625 : i32
    %mul3A_2 = arith.muli %arg1, %mul3A_1 : i32
    %mul3A_3 = arith.constant 625 : i32
    %mul3A_4 = arith.muli %arg1, %mul3A_3 : i32
    "tpu.region"() ({
      %run_scoped3A_102 = tpu.sem_alloc : memref<!tpu.dma_semaphore, #tpu.memory_space<semaphore_mem>>
      %dma_start3A_103 = arith.constant 0 : i32
      %dma_start3A_104 = tpu.memref_slice %arg8[%mul3A_4, %dma_start3A_103] : memref<10000x16xf32, #tpu.memory_space<vmem_shared>> -> memref<625x16xf32, #tpu.memory_space<vmem_shared>>
      %dma_start3A_105 = arith.constant 0 : i32
      %dma_start3A_106 = tpu.memref_slice %arg4[%mul3A_2, %dma_start3A_105] : memref<10000x16xf32, #tpu.memory_space<hbm>> -> memref<625x16xf32, #tpu.memory_space<hbm>>
      tpu.enqueue_dma source(%dma_start3A_106 : memref<625x16xf32, #tpu.memory_space<hbm>>) target(%dma_start3A_104 : memref<625x16xf32, #tpu.memory_space<vmem_shared>>) target_semaphore(%run_scoped3A_102 : memref<!tpu.dma_semaphore, #tpu.memory_space<semaphore_mem>>)
      %dma_wait3A_107 = arith.constant 0 : i32
      %dma_wait3A_108 = tpu.memref_slice %arg8[%mul3A_4, %dma_wait3A_107] : memref<10000x16xf32, #tpu.memory_space<vmem_shared>> -> memref<625x16xf32, #tpu.memory_space<vmem_shared>>
      %dma_wait3A_109 = arith.constant 0 : i32
      %dma_wait3A_110 = tpu.memref_slice %arg4[%mul3A_2, %dma_wait3A_109] : memref<10000x16xf32, #tpu.memory_space<hbm>> -> memref<625x16xf32, #tpu.memory_space<hbm>>
      tpu.wait_dma2 semaphore(%run_scoped3A_102 : memref<!tpu.dma_semaphore, #tpu.memory_space<semaphore_mem>>) src(%dma_wait3A_110 : memref<625x16xf32, #tpu.memory_space<hbm>>) dst(%dma_wait3A_108 : memref<625x16xf32, #tpu.memory_space<vmem_shared>>)
      tpu.yield
    }) : () -> ()
    %mul3A_5 = arith.constant 125 : i32
    %mul3A_6 = arith.muli %add3A, %mul3A_5 : i32
    "tpu.region"() ({
      %run_scoped3A_102 = tpu.sem_alloc : memref<!tpu.dma_semaphore, #tpu.memory_space<semaphore_mem>>
      %dma_start3A_103 = arith.constant 0 : i32
      %dma_start3A_104 = tpu.memref_slice %arg3[%mul3A_6, %dma_start3A_103] : memref<4000x80xi32, #tpu.memory_space<hbm>> -> memref<125x80xi32, #tpu.memory_space<hbm>>
      %dma_start3A_105 = arith.constant 0 : i32
      %dma_start3A_106 = tpu.memref_slice %arg3[%mul3A_6, %dma_start3A_105] : memref<4000x80xi32, #tpu.memory_space<hbm>> -> memref<125x80xi32, #tpu.memory_space<hbm>>
      tpu.enqueue_dma source(%dma_start3A_106 : memref<125x80xi32, #tpu.memory_space<hbm>>) target(%arg6 : memref<125x80xi32, #tpu.memory_space<vmem>>) target_semaphore(%run_scoped3A_102 : memref<!tpu.dma_semaphore, #tpu.memory_space<semaphore_mem>>)
      %dma_wait3A_107 = arith.constant 0 : i32
      %dma_wait3A_108 = tpu.memref_slice %arg3[%mul3A_6, %dma_wait3A_107] : memref<4000x80xi32, #tpu.memory_space<hbm>> -> memref<125x80xi32, #tpu.memory_space<hbm>>
      %dma_wait3A_109 = arith.constant 0 : i32
      %dma_wait3A_110 = tpu.memref_slice %arg3[%mul3A_6, %dma_wait3A_109] : memref<4000x80xi32, #tpu.memory_space<hbm>> -> memref<125x80xi32, #tpu.memory_space<hbm>>
      tpu.wait_dma2 semaphore(%run_scoped3A_102 : memref<!tpu.dma_semaphore, #tpu.memory_space<semaphore_mem>>) src(%dma_wait3A_110 : memref<125x80xi32, #tpu.memory_space<hbm>>) dst(%arg6 : memref<125x80xi32, #tpu.memory_space<vmem>>)
      tpu.yield
    }) : () -> ()
    %barrier3A = arith.constant 0 : index
    tpu.barrier barrier_id(%barrier3A)
    %mul3A_7 = arith.constant 125 : i32
    %mul3A_8 = arith.muli %add3A, %mul3A_7 : i32
    %add3A_9 = arith.constant 0 : i32
    %add3A_10 = arith.addi %mul3A_8, %add3A_9 : i32
    %dma_start3A = arith.constant 0 : i32
    %dma_start3A_11 = arith.constant 0 : i32
    %dma_start3A_12 = arith.constant 0 : i32
    %dma_start3A_13 = tpu.memref_slice %arg7[%dma_start3A, %dma_start3A_11, %dma_start3A_12] : memref<3x80x16xf32, #tpu.memory_space<vmem>> -> memref<1x80x16xf32, #tpu.memory_space<vmem>>
    %dma_start3A_14 = tpu.memref_squeeze %dma_start3A_13 : memref<1x80x16xf32, #tpu.memory_space<vmem>> -> memref<80x16xf32, #tpu.memory_space<vmem>>
    %dma_start3A_15 = arith.constant 0 : i32
    %dma_start3A_16 = arith.constant 0 : i32
    %dma_start3A_17 = tpu.memref_slice %arg2[%add3A_10, %dma_start3A_15, %dma_start3A_16] : memref<4000x80x16xf32, #tpu.memory_space<hbm>> -> memref<1x80x16xf32, #tpu.memory_space<hbm>>
    %dma_start3A_18 = tpu.memref_squeeze %dma_start3A_17 : memref<1x80x16xf32, #tpu.memory_space<hbm>> -> memref<80x16xf32, #tpu.memory_space<hbm>>
    %dma_start3A_19 = arith.constant 0 : i32
    %dma_start3A_20 = arith.constant 0 : i32
    %dma_start3A_21 = tpu.memref_slice %arg7[%dma_start3A, %dma_start3A_19, %dma_start3A_20] : memref<3x80x16xf32, #tpu.memory_space<vmem>> -> memref<1x80x16xf32, #tpu.memory_space<vmem>>
    %dma_start3A_22 = tpu.memref_squeeze %dma_start3A_21 : memref<1x80x16xf32, #tpu.memory_space<vmem>> -> memref<80x16xf32, #tpu.memory_space<vmem>>
    %dma_start3A_23 = arith.constant 0 : i32
    %dma_start3A_24 = arith.constant 0 : i32
    %dma_start3A_25 = tpu.memref_slice %arg2[%add3A_10, %dma_start3A_23, %dma_start3A_24] : memref<4000x80x16xf32, #tpu.memory_space<hbm>> -> memref<1x80x16xf32, #tpu.memory_space<hbm>>
    %dma_start3A_26 = tpu.memref_squeeze %dma_start3A_25 : memref<1x80x16xf32, #tpu.memory_space<hbm>> -> memref<80x16xf32, #tpu.memory_space<hbm>>
    tpu.enqueue_dma source(%dma_start3A_26 : memref<80x16xf32, #tpu.memory_space<hbm>>) target(%dma_start3A_22 : memref<80x16xf32, #tpu.memory_space<vmem>>) target_semaphore(%arg9 : memref<!tpu.dma_semaphore, #tpu.memory_space<semaphore_mem>>)
    %mul3A_27 = arith.constant 125 : i32
    %mul3A_28 = arith.muli %add3A, %mul3A_27 : i32
    %add3A_29 = arith.constant 1 : i32
    %add3A_30 = arith.addi %mul3A_28, %add3A_29 : i32
    %dma_start3A_31 = arith.constant 1 : i32
    %dma_start3A_32 = arith.constant 0 : i32
    %dma_start3A_33 = arith.constant 0 : i32
    %dma_start3A_34 = tpu.memref_slice %arg7[%dma_start3A_31, %dma_start3A_32, %dma_start3A_33] : memref<3x80x16xf32, #tpu.memory_space<vmem>> -> memref<1x80x16xf32, #tpu.memory_space<vmem>>
    %dma_start3A_35 = tpu.memref_squeeze %dma_start3A_34 : memref<1x80x16xf32, #tpu.memory_space<vmem>> -> memref<80x16xf32, #tpu.memory_space<vmem>>
    %dma_start3A_36 = arith.constant 0 : i32
    %dma_start3A_37 = arith.constant 0 : i32
    %dma_start3A_38 = tpu.memref_slice %arg2[%add3A_30, %dma_start3A_36, %dma_start3A_37] : memref<4000x80x16xf32, #tpu.memory_space<hbm>> -> memref<1x80x16xf32, #tpu.memory_space<hbm>>
    %dma_start3A_39 = tpu.memref_squeeze %dma_start3A_38 : memref<1x80x16xf32, #tpu.memory_space<hbm>> -> memref<80x16xf32, #tpu.memory_space<hbm>>
    %dma_start3A_40 = arith.constant 0 : i32
    %dma_start3A_41 = arith.constant 0 : i32
    %dma_start3A_42 = tpu.memref_slice %arg7[%dma_start3A_31, %dma_start3A_40, %dma_start3A_41] : memref<3x80x16xf32, #tpu.memory_space<vmem>> -> memref<1x80x16xf32, #tpu.memory_space<vmem>>
    %dma_start3A_43 = tpu.memref_squeeze %dma_start3A_42 : memref<1x80x16xf32, #tpu.memory_space<vmem>> -> memref<80x16xf32, #tpu.memory_space<vmem>>
    %dma_start3A_44 = arith.constant 0 : i32
    %dma_start3A_45 = arith.constant 0 : i32
    %dma_start3A_46 = tpu.memref_slice %arg2[%add3A_30, %dma_start3A_44, %dma_start3A_45] : memref<4000x80x16xf32, #tpu.memory_space<hbm>> -> memref<1x80x16xf32, #tpu.memory_space<hbm>>
    %dma_start3A_47 = tpu.memref_squeeze %dma_start3A_46 : memref<1x80x16xf32, #tpu.memory_space<hbm>> -> memref<80x16xf32, #tpu.memory_space<hbm>>
    tpu.enqueue_dma source(%dma_start3A_47 : memref<80x16xf32, #tpu.memory_space<hbm>>) target(%dma_start3A_43 : memref<80x16xf32, #tpu.memory_space<vmem>>) target_semaphore(%arg10 : memref<!tpu.dma_semaphore, #tpu.memory_space<semaphore_mem>>)
    %scan3A = arith.constant 0 : i32
    %scan3A_48 = arith.constant 0 : i32
    %scan3A_49 = arith.constant 41 : i32
    %scan3A_50 = arith.addi %scan3A_48, %scan3A_49 : i32
    %scan3A_51 = arith.constant 1 : i32
    scf.for %scan3A_102 = %scan3A_48 to %scan3A_50 step %scan3A_51  : i32 {
      %mul3A_103 = arith.constant 3 : i32
      %mul3A_104 = arith.muli %scan3A_102, %mul3A_103 : i32
      %add3A_105 = arith.constant 0 : i32
      %add3A_106 = arith.addi %mul3A_104, %add3A_105 : i32
      %add3A_107 = arith.constant 2 : i32
      %add3A_108 = arith.addi %add3A_106, %add3A_107 : i32
      %mul3A_109 = arith.constant 125 : i32
      %mul3A_110 = arith.muli %add3A, %mul3A_109 : i32
      %add3A_111 = arith.addi %mul3A_110, %add3A_108 : i32
      %dma_start3A_112 = arith.constant 2 : i32
      %dma_start3A_113 = arith.constant 0 : i32
      %dma_start3A_114 = arith.constant 0 : i32
      %dma_start3A_115 = tpu.memref_slice %arg7[%dma_start3A_112, %dma_start3A_113, %dma_start3A_114] : memref<3x80x16xf32, #tpu.memory_space<vmem>> -> memref<1x80x16xf32, #tpu.memory_space<vmem>>
      %dma_start3A_116 = tpu.memref_squeeze %dma_start3A_115 : memref<1x80x16xf32, #tpu.memory_space<vmem>> -> memref<80x16xf32, #tpu.memory_space<vmem>>
      %dma_start3A_117 = arith.constant 0 : i32
      %dma_start3A_118 = arith.constant 0 : i32
      %dma_start3A_119 = tpu.memref_slice %arg2[%add3A_111, %dma_start3A_117, %dma_start3A_118] : memref<4000x80x16xf32, #tpu.memory_space<hbm>> -> memref<1x80x16xf32, #tpu.memory_space<hbm>>
      %dma_start3A_120 = tpu.memref_squeeze %dma_start3A_119 : memref<1x80x16xf32, #tpu.memory_space<hbm>> -> memref<80x16xf32, #tpu.memory_space<hbm>>
      %dma_start3A_121 = arith.constant 0 : i32
      %dma_start3A_122 = arith.constant 0 : i32
      %dma_start3A_123 = tpu.memref_slice %arg7[%dma_start3A_112, %dma_start3A_121, %dma_start3A_122] : memref<3x80x16xf32, #tpu.memory_space<vmem>> -> memref<1x80x16xf32, #tpu.memory_space<vmem>>
      %dma_start3A_124 = tpu.memref_squeeze %dma_start3A_123 : memref<1x80x16xf32, #tpu.memory_space<vmem>> -> memref<80x16xf32, #tpu.memory_space<vmem>>
      %dma_start3A_125 = arith.constant 0 : i32
      %dma_start3A_126 = arith.constant 0 : i32
      %dma_start3A_127 = tpu.memref_slice %arg2[%add3A_111, %dma_start3A_125, %dma_start3A_126] : memref<4000x80x16xf32, #tpu.memory_space<hbm>> -> memref<1x80x16xf32, #tpu.memory_space<hbm>>
      %dma_start3A_128 = tpu.memref_squeeze %dma_start3A_127 : memref<1x80x16xf32, #tpu.memory_space<hbm>> -> memref<80x16xf32, #tpu.memory_space<hbm>>
      tpu.enqueue_dma source(%dma_start3A_128 : memref<80x16xf32, #tpu.memory_space<hbm>>) target(%dma_start3A_124 : memref<80x16xf32, #tpu.memory_space<vmem>>) target_semaphore(%arg11 : memref<!tpu.dma_semaphore, #tpu.memory_space<semaphore_mem>>)
      %mul3A_129 = arith.constant 125 : i32
      %mul3A_130 = arith.muli %add3A, %mul3A_129 : i32
      %add3A_131 = arith.addi %mul3A_130, %add3A_106 : i32
      %dma_wait3A_132 = arith.constant 0 : i32
      %dma_wait3A_133 = arith.constant 0 : i32
      %dma_wait3A_134 = arith.constant 0 : i32
      %dma_wait3A_135 = tpu.memref_slice %arg7[%dma_wait3A_132, %dma_wait3A_133, %dma_wait3A_134] : memref<3x80x16xf32, #tpu.memory_space<vmem>> -> memref<1x80x16xf32, #tpu.memory_space<vmem>>
      %dma_wait3A_136 = tpu.memref_squeeze %dma_wait3A_135 : memref<1x80x16xf32, #tpu.memory_space<vmem>> -> memref<80x16xf32, #tpu.memory_space<vmem>>
      %dma_wait3A_137 = arith.constant 0 : i32
      %dma_wait3A_138 = arith.constant 0 : i32
      %dma_wait3A_139 = tpu.memref_slice %arg2[%add3A_131, %dma_wait3A_137, %dma_wait3A_138] : memref<4000x80x16xf32, #tpu.memory_space<hbm>> -> memref<1x80x16xf32, #tpu.memory_space<hbm>>
      %dma_wait3A_140 = tpu.memref_squeeze %dma_wait3A_139 : memref<1x80x16xf32, #tpu.memory_space<hbm>> -> memref<80x16xf32, #tpu.memory_space<hbm>>
      %dma_wait3A_141 = arith.constant 0 : i32
      %dma_wait3A_142 = arith.constant 0 : i32
      %dma_wait3A_143 = tpu.memref_slice %arg7[%dma_wait3A_132, %dma_wait3A_141, %dma_wait3A_142] : memref<3x80x16xf32, #tpu.memory_space<vmem>> -> memref<1x80x16xf32, #tpu.memory_space<vmem>>
      %dma_wait3A_144 = tpu.memref_squeeze %dma_wait3A_143 : memref<1x80x16xf32, #tpu.memory_space<vmem>> -> memref<80x16xf32, #tpu.memory_space<vmem>>
      %dma_wait3A_145 = arith.constant 0 : i32
      %dma_wait3A_146 = arith.constant 0 : i32
      %dma_wait3A_147 = tpu.memref_slice %arg2[%add3A_131, %dma_wait3A_145, %dma_wait3A_146] : memref<4000x80x16xf32, #tpu.memory_space<hbm>> -> memref<1x80x16xf32, #tpu.memory_space<hbm>>
      %dma_wait3A_148 = tpu.memref_squeeze %dma_wait3A_147 : memref<1x80x16xf32, #tpu.memory_space<hbm>> -> memref<80x16xf32, #tpu.memory_space<hbm>>
      tpu.wait_dma2 semaphore(%arg9 : memref<!tpu.dma_semaphore, #tpu.memory_space<semaphore_mem>>) src(%dma_wait3A_148 : memref<80x16xf32, #tpu.memory_space<hbm>>) dst(%dma_wait3A_144 : memref<80x16xf32, #tpu.memory_space<vmem>>)
      %run_scoped3A_149 = arith.constant 0 : i32
      "tpu.region"() ({
        %run_scoped3A_244 = tpu.sem_alloc : memref<!tpu.dma_semaphore, #tpu.memory_space<semaphore_mem>>
        %dma_start3A_245 = arith.constant 0 : i32
        %dma_start3A_246 = arith.constant 0 : i32
        %dma_start3A_247 = tpu.memref_slice %arg7[%run_scoped3A_149, %dma_start3A_245, %dma_start3A_246] : memref<3x80x16xf32, #tpu.memory_space<vmem>> -> memref<1x80x16xf32, #tpu.memory_space<vmem>>
        %dma_start3A_248 = tpu.memref_squeeze %dma_start3A_247 : memref<1x80x16xf32, #tpu.memory_space<vmem>> -> memref<80x16xf32, #tpu.memory_space<vmem>>
        %dma_start3A_249 = arith.constant 0 : i32
        %dma_start3A_250 = tpu.memref_slice %arg6[%add3A_106, %dma_start3A_249] : memref<125x80xi32, #tpu.memory_space<vmem>> -> memref<1x80xi32, #tpu.memory_space<vmem>>
        %dma_start3A_251 = tpu.memref_squeeze %dma_start3A_250 : memref<1x80xi32, #tpu.memory_space<vmem>> -> memref<80xi32, #tpu.memory_space<vmem>>
        %dma_start3A_252 = arith.constant 0 : i32
        %dma_start3A_253 = arith.constant 0 : i32
        %dma_start3A_254 = tpu.memref_slice %arg8[%dma_start3A_252, %dma_start3A_253] : memref<10000x16xf32, #tpu.memory_space<vmem_shared>> -> memref<10000x16xf32, #tpu.memory_space<vmem_shared>>
        tpu.enqueue_indirect_dma source(%dma_start3A_248 : memref<80x16xf32, #tpu.memory_space<vmem>>) target(%dma_start3A_254 : memref<10000x16xf32, #tpu.memory_space<vmem_shared>>) offsets(%dma_start3A_251 : memref<80xi32, #tpu.memory_space<vmem>>) semaphore(%run_scoped3A_244 : memref<!tpu.dma_semaphore, #tpu.memory_space<semaphore_mem>>) {add = true}
        %dma_wait3A_255 = arith.constant 0 : i32
        %dma_wait3A_256 = arith.constant 0 : i32
        %dma_wait3A_257 = tpu.memref_slice %arg7[%run_scoped3A_149, %dma_wait3A_255, %dma_wait3A_256] : memref<3x80x16xf32, #tpu.memory_space<vmem>> -> memref<1x80x16xf32, #tpu.memory_space<vmem>>
        %dma_wait3A_258 = tpu.memref_squeeze %dma_wait3A_257 : memref<1x80x16xf32, #tpu.memory_space<vmem>> -> memref<80x16xf32, #tpu.memory_space<vmem>>
        %dma_wait3A_259 = arith.constant 0 : i32
        %dma_wait3A_260 = tpu.memref_slice %arg6[%add3A_106, %dma_wait3A_259] : memref<125x80xi32, #tpu.memory_space<vmem>> -> memref<1x80xi32, #tpu.memory_space<vmem>>
        %dma_wait3A_261 = tpu.memref_squeeze %dma_wait3A_260 : memref<1x80xi32, #tpu.memory_space<vmem>> -> memref<80xi32, #tpu.memory_space<vmem>>
        %dma_wait3A_262 = arith.constant 0 : i32
        %dma_wait3A_263 = arith.constant 0 : i32
        %dma_wait3A_264 = tpu.memref_slice %arg8[%dma_wait3A_262, %dma_wait3A_263] : memref<10000x16xf32, #tpu.memory_space<vmem_shared>> -> memref<10000x16xf32, #tpu.memory_space<vmem_shared>>
        tpu.wait_indirect_dma semaphore(%run_scoped3A_244 : memref<!tpu.dma_semaphore, #tpu.memory_space<semaphore_mem>>) src(%dma_wait3A_258 : memref<80x16xf32, #tpu.memory_space<vmem>>) dst(%dma_wait3A_264 : memref<10000x16xf32, #tpu.memory_space<vmem_shared>>)
        tpu.yield
      }) : () -> ()
      %mul3A_150 = arith.constant 3 : i32
      %mul3A_151 = arith.muli %scan3A_102, %mul3A_150 : i32
      %add3A_152 = arith.constant 1 : i32
      %add3A_153 = arith.addi %mul3A_151, %add3A_152 : i32
      %add3A_154 = arith.constant 2 : i32
      %add3A_155 = arith.addi %add3A_153, %add3A_154 : i32
      %mul3A_156 = arith.constant 125 : i32
      %mul3A_157 = arith.muli %add3A, %mul3A_156 : i32
      %add3A_158 = arith.addi %mul3A_157, %add3A_155 : i32
      %dma_start3A_159 = arith.constant 0 : i32
      %dma_start3A_160 = arith.constant 0 : i32
      %dma_start3A_161 = arith.constant 0 : i32
      %dma_start3A_162 = tpu.memref_slice %arg7[%dma_start3A_159, %dma_start3A_160, %dma_start3A_161] : memref<3x80x16xf32, #tpu.memory_space<vmem>> -> memref<1x80x16xf32, #tpu.memory_space<vmem>>
      %dma_start3A_163 = tpu.memref_squeeze %dma_start3A_162 : memref<1x80x16xf32, #tpu.memory_space<vmem>> -> memref<80x16xf32, #tpu.memory_space<vmem>>
      %dma_start3A_164 = arith.constant 0 : i32
      %dma_start3A_165 = arith.constant 0 : i32
      %dma_start3A_166 = tpu.memref_slice %arg2[%add3A_158, %dma_start3A_164, %dma_start3A_165] : memref<4000x80x16xf32, #tpu.memory_space<hbm>> -> memref<1x80x16xf32, #tpu.memory_space<hbm>>
      %dma_start3A_167 = tpu.memref_squeeze %dma_start3A_166 : memref<1x80x16xf32, #tpu.memory_space<hbm>> -> memref<80x16xf32, #tpu.memory_space<hbm>>
      %dma_start3A_168 = arith.constant 0 : i32
      %dma_start3A_169 = arith.constant 0 : i32
      %dma_start3A_170 = tpu.memref_slice %arg7[%dma_start3A_159, %dma_start3A_168, %dma_start3A_169] : memref<3x80x16xf32, #tpu.memory_space<vmem>> -> memref<1x80x16xf32, #tpu.memory_space<vmem>>
      %dma_start3A_171 = tpu.memref_squeeze %dma_start3A_170 : memref<1x80x16xf32, #tpu.memory_space<vmem>> -> memref<80x16xf32, #tpu.memory_space<vmem>>
      %dma_start3A_172 = arith.constant 0 : i32
      %dma_start3A_173 = arith.constant 0 : i32
      %dma_start3A_174 = tpu.memref_slice %arg2[%add3A_158, %dma_start3A_172, %dma_start3A_173] : memref<4000x80x16xf32, #tpu.memory_space<hbm>> -> memref<1x80x16xf32, #tpu.memory_space<hbm>>
      %dma_start3A_175 = tpu.memref_squeeze %dma_start3A_174 : memref<1x80x16xf32, #tpu.memory_space<hbm>> -> memref<80x16xf32, #tpu.memory_space<hbm>>
      tpu.enqueue_dma source(%dma_start3A_175 : memref<80x16xf32, #tpu.memory_space<hbm>>) target(%dma_start3A_171 : memref<80x16xf32, #tpu.memory_space<vmem>>) target_semaphore(%arg9 : memref<!tpu.dma_semaphore, #tpu.memory_space<semaphore_mem>>)
      %mul3A_176 = arith.constant 125 : i32
      %mul3A_177 = arith.muli %add3A, %mul3A_176 : i32
      %add3A_178 = arith.addi %mul3A_177, %add3A_153 : i32
      %dma_wait3A_179 = arith.constant 1 : i32
      %dma_wait3A_180 = arith.constant 0 : i32
      %dma_wait3A_181 = arith.constant 0 : i32
      %dma_wait3A_182 = tpu.memref_slice %arg7[%dma_wait3A_179, %dma_wait3A_180, %dma_wait3A_181] : memref<3x80x16xf32, #tpu.memory_space<vmem>> -> memref<1x80x16xf32, #tpu.memory_space<vmem>>
      %dma_wait3A_183 = tpu.memref_squeeze %dma_wait3A_182 : memref<1x80x16xf32, #tpu.memory_space<vmem>> -> memref<80x16xf32, #tpu.memory_space<vmem>>
      %dma_wait3A_184 = arith.constant 0 : i32
      %dma_wait3A_185 = arith.constant 0 : i32
      %dma_wait3A_186 = tpu.memref_slice %arg2[%add3A_178, %dma_wait3A_184, %dma_wait3A_185] : memref<4000x80x16xf32, #tpu.memory_space<hbm>> -> memref<1x80x16xf32, #tpu.memory_space<hbm>>
      %dma_wait3A_187 = tpu.memref_squeeze %dma_wait3A_186 : memref<1x80x16xf32, #tpu.memory_space<hbm>> -> memref<80x16xf32, #tpu.memory_space<hbm>>
      %dma_wait3A_188 = arith.constant 0 : i32
      %dma_wait3A_189 = arith.constant 0 : i32
      %dma_wait3A_190 = tpu.memref_slice %arg7[%dma_wait3A_179, %dma_wait3A_188, %dma_wait3A_189] : memref<3x80x16xf32, #tpu.memory_space<vmem>> -> memref<1x80x16xf32, #tpu.memory_space<vmem>>
      %dma_wait3A_191 = tpu.memref_squeeze %dma_wait3A_190 : memref<1x80x16xf32, #tpu.memory_space<vmem>> -> memref<80x16xf32, #tpu.memory_space<vmem>>
      %dma_wait3A_192 = arith.constant 0 : i32
      %dma_wait3A_193 = arith.constant 0 : i32
      %dma_wait3A_194 = tpu.memref_slice %arg2[%add3A_178, %dma_wait3A_192, %dma_wait3A_193] : memref<4000x80x16xf32, #tpu.memory_space<hbm>> -> memref<1x80x16xf32, #tpu.memory_space<hbm>>
      %dma_wait3A_195 = tpu.memref_squeeze %dma_wait3A_194 : memref<1x80x16xf32, #tpu.memory_space<hbm>> -> memref<80x16xf32, #tpu.memory_space<hbm>>
      tpu.wait_dma2 semaphore(%arg10 : memref<!tpu.dma_semaphore, #tpu.memory_space<semaphore_mem>>) src(%dma_wait3A_195 : memref<80x16xf32, #tpu.memory_space<hbm>>) dst(%dma_wait3A_191 : memref<80x16xf32, #tpu.memory_space<vmem>>)
      %run_scoped3A_196 = arith.constant 1 : i32
      "tpu.region"() ({
        %run_scoped3A_244 = tpu.sem_alloc : memref<!tpu.dma_semaphore, #tpu.memory_space<semaphore_mem>>
        %dma_start3A_245 = arith.constant 0 : i32
        %dma_start3A_246 = arith.constant 0 : i32
        %dma_start3A_247 = tpu.memref_slice %arg7[%run_scoped3A_196, %dma_start3A_245, %dma_start3A_246] : memref<3x80x16xf32, #tpu.memory_space<vmem>> -> memref<1x80x16xf32, #tpu.memory_space<vmem>>
        %dma_start3A_248 = tpu.memref_squeeze %dma_start3A_247 : memref<1x80x16xf32, #tpu.memory_space<vmem>> -> memref<80x16xf32, #tpu.memory_space<vmem>>
        %dma_start3A_249 = arith.constant 0 : i32
        %dma_start3A_250 = tpu.memref_slice %arg6[%add3A_153, %dma_start3A_249] : memref<125x80xi32, #tpu.memory_space<vmem>> -> memref<1x80xi32, #tpu.memory_space<vmem>>
        %dma_start3A_251 = tpu.memref_squeeze %dma_start3A_250 : memref<1x80xi32, #tpu.memory_space<vmem>> -> memref<80xi32, #tpu.memory_space<vmem>>
        %dma_start3A_252 = arith.constant 0 : i32
        %dma_start3A_253 = arith.constant 0 : i32
        %dma_start3A_254 = tpu.memref_slice %arg8[%dma_start3A_252, %dma_start3A_253] : memref<10000x16xf32, #tpu.memory_space<vmem_shared>> -> memref<10000x16xf32, #tpu.memory_space<vmem_shared>>
        tpu.enqueue_indirect_dma source(%dma_start3A_248 : memref<80x16xf32, #tpu.memory_space<vmem>>) target(%dma_start3A_254 : memref<10000x16xf32, #tpu.memory_space<vmem_shared>>) offsets(%dma_start3A_251 : memref<80xi32, #tpu.memory_space<vmem>>) semaphore(%run_scoped3A_244 : memref<!tpu.dma_semaphore, #tpu.memory_space<semaphore_mem>>) {add = true}
        %dma_wait3A_255 = arith.constant 0 : i32
        %dma_wait3A_256 = arith.constant 0 : i32
        %dma_wait3A_257 = tpu.memref_slice %arg7[%run_scoped3A_196, %dma_wait3A_255, %dma_wait3A_256] : memref<3x80x16xf32, #tpu.memory_space<vmem>> -> memref<1x80x16xf32, #tpu.memory_space<vmem>>
        %dma_wait3A_258 = tpu.memref_squeeze %dma_wait3A_257 : memref<1x80x16xf32, #tpu.memory_space<vmem>> -> memref<80x16xf32, #tpu.memory_space<vmem>>
        %dma_wait3A_259 = arith.constant 0 : i32
        %dma_wait3A_260 = tpu.memref_slice %arg6[%add3A_153, %dma_wait3A_259] : memref<125x80xi32, #tpu.memory_space<vmem>> -> memref<1x80xi32, #tpu.memory_space<vmem>>
        %dma_wait3A_261 = tpu.memref_squeeze %dma_wait3A_260 : memref<1x80xi32, #tpu.memory_space<vmem>> -> memref<80xi32, #tpu.memory_space<vmem>>
        %dma_wait3A_262 = arith.constant 0 : i32
        %dma_wait3A_263 = arith.constant 0 : i32
        %dma_wait3A_264 = tpu.memref_slice %arg8[%dma_wait3A_262, %dma_wait3A_263] : memref<10000x16xf32, #tpu.memory_space<vmem_shared>> -> memref<10000x16xf32, #tpu.memory_space<vmem_shared>>
        tpu.wait_indirect_dma semaphore(%run_scoped3A_244 : memref<!tpu.dma_semaphore, #tpu.memory_space<semaphore_mem>>) src(%dma_wait3A_258 : memref<80x16xf32, #tpu.memory_space<vmem>>) dst(%dma_wait3A_264 : memref<10000x16xf32, #tpu.memory_space<vmem_shared>>)
        tpu.yield
      }) : () -> ()
      %mul3A_197 = arith.constant 3 : i32
      %mul3A_198 = arith.muli %scan3A_102, %mul3A_197 : i32
      %add3A_199 = arith.constant 2 : i32
      %add3A_200 = arith.addi %mul3A_198, %add3A_199 : i32
      %add3A_201 = arith.constant 2 : i32
      %add3A_202 = arith.addi %add3A_200, %add3A_201 : i32
      %mul3A_203 = arith.constant 125 : i32
      %mul3A_204 = arith.muli %add3A, %mul3A_203 : i32
      %add3A_205 = arith.addi %mul3A_204, %add3A_202 : i32
      %dma_start3A_206 = arith.constant 1 : i32
      %dma_start3A_207 = arith.constant 0 : i32
      %dma_start3A_208 = arith.constant 0 : i32
      %dma_start3A_209 = tpu.memref_slice %arg7[%dma_start3A_206, %dma_start3A_207, %dma_start3A_208] : memref<3x80x16xf32, #tpu.memory_space<vmem>> -> memref<1x80x16xf32, #tpu.memory_space<vmem>>
      %dma_start3A_210 = tpu.memref_squeeze %dma_start3A_209 : memref<1x80x16xf32, #tpu.memory_space<vmem>> -> memref<80x16xf32, #tpu.memory_space<vmem>>
      %dma_start3A_211 = arith.constant 0 : i32
      %dma_start3A_212 = arith.constant 0 : i32
      %dma_start3A_213 = tpu.memref_slice %arg2[%add3A_205, %dma_start3A_211, %dma_start3A_212] : memref<4000x80x16xf32, #tpu.memory_space<hbm>> -> memref<1x80x16xf32, #tpu.memory_space<hbm>>
      %dma_start3A_214 = tpu.memref_squeeze %dma_start3A_213 : memref<1x80x16xf32, #tpu.memory_space<hbm>> -> memref<80x16xf32, #tpu.memory_space<hbm>>
      %dma_start3A_215 = arith.constant 0 : i32
      %dma_start3A_216 = arith.constant 0 : i32
      %dma_start3A_217 = tpu.memref_slice %arg7[%dma_start3A_206, %dma_start3A_215, %dma_start3A_216] : memref<3x80x16xf32, #tpu.memory_space<vmem>> -> memref<1x80x16xf32, #tpu.memory_space<vmem>>
      %dma_start3A_218 = tpu.memref_squeeze %dma_start3A_217 : memref<1x80x16xf32, #tpu.memory_space<vmem>> -> memref<80x16xf32, #tpu.memory_space<vmem>>
      %dma_start3A_219 = arith.constant 0 : i32
      %dma_start3A_220 = arith.constant 0 : i32
      %dma_start3A_221 = tpu.memref_slice %arg2[%add3A_205, %dma_start3A_219, %dma_start3A_220] : memref<4000x80x16xf32, #tpu.memory_space<hbm>> -> memref<1x80x16xf32, #tpu.memory_space<hbm>>
      %dma_start3A_222 = tpu.memref_squeeze %dma_start3A_221 : memref<1x80x16xf32, #tpu.memory_space<hbm>> -> memref<80x16xf32, #tpu.memory_space<hbm>>
      tpu.enqueue_dma source(%dma_start3A_222 : memref<80x16xf32, #tpu.memory_space<hbm>>) target(%dma_start3A_218 : memref<80x16xf32, #tpu.memory_space<vmem>>) target_semaphore(%arg10 : memref<!tpu.dma_semaphore, #tpu.memory_space<semaphore_mem>>)
      %mul3A_223 = arith.constant 125 : i32
      %mul3A_224 = arith.muli %add3A, %mul3A_223 : i32
      %add3A_225 = arith.addi %mul3A_224, %add3A_200 : i32
      %dma_wait3A_226 = arith.constant 2 : i32
      %dma_wait3A_227 = arith.constant 0 : i32
      %dma_wait3A_228 = arith.constant 0 : i32
      %dma_wait3A_229 = tpu.memref_slice %arg7[%dma_wait3A_226, %dma_wait3A_227, %dma_wait3A_228] : memref<3x80x16xf32, #tpu.memory_space<vmem>> -> memref<1x80x16xf32, #tpu.memory_space<vmem>>
      %dma_wait3A_230 = tpu.memref_squeeze %dma_wait3A_229 : memref<1x80x16xf32, #tpu.memory_space<vmem>> -> memref<80x16xf32, #tpu.memory_space<vmem>>
      %dma_wait3A_231 = arith.constant 0 : i32
      %dma_wait3A_232 = arith.constant 0 : i32
      %dma_wait3A_233 = tpu.memref_slice %arg2[%add3A_225, %dma_wait3A_231, %dma_wait3A_232] : memref<4000x80x16xf32, #tpu.memory_space<hbm>> -> memref<1x80x16xf32, #tpu.memory_space<hbm>>
      %dma_wait3A_234 = tpu.memref_squeeze %dma_wait3A_233 : memref<1x80x16xf32, #tpu.memory_space<hbm>> -> memref<80x16xf32, #tpu.memory_space<hbm>>
      %dma_wait3A_235 = arith.constant 0 : i32
      %dma_wait3A_236 = arith.constant 0 : i32
      %dma_wait3A_237 = tpu.memref_slice %arg7[%dma_wait3A_226, %dma_wait3A_235, %dma_wait3A_236] : memref<3x80x16xf32, #tpu.memory_space<vmem>> -> memref<1x80x16xf32, #tpu.memory_space<vmem>>
      %dma_wait3A_238 = tpu.memref_squeeze %dma_wait3A_237 : memref<1x80x16xf32, #tpu.memory_space<vmem>> -> memref<80x16xf32, #tpu.memory_space<vmem>>
      %dma_wait3A_239 = arith.constant 0 : i32
      %dma_wait3A_240 = arith.constant 0 : i32
      %dma_wait3A_241 = tpu.memref_slice %arg2[%add3A_225, %dma_wait3A_239, %dma_wait3A_240] : memref<4000x80x16xf32, #tpu.memory_space<hbm>> -> memref<1x80x16xf32, #tpu.memory_space<hbm>>
      %dma_wait3A_242 = tpu.memref_squeeze %dma_wait3A_241 : memref<1x80x16xf32, #tpu.memory_space<hbm>> -> memref<80x16xf32, #tpu.memory_space<hbm>>
      tpu.wait_dma2 semaphore(%arg11 : memref<!tpu.dma_semaphore, #tpu.memory_space<semaphore_mem>>) src(%dma_wait3A_242 : memref<80x16xf32, #tpu.memory_space<hbm>>) dst(%dma_wait3A_238 : memref<80x16xf32, #tpu.memory_space<vmem>>)
      %run_scoped3A_243 = arith.constant 2 : i32
      "tpu.region"() ({
        %run_scoped3A_244 = tpu.sem_alloc : memref<!tpu.dma_semaphore, #tpu.memory_space<semaphore_mem>>
        %dma_start3A_245 = arith.constant 0 : i32
        %dma_start3A_246 = arith.constant 0 : i32
        %dma_start3A_247 = tpu.memref_slice %arg7[%run_scoped3A_243, %dma_start3A_245, %dma_start3A_246] : memref<3x80x16xf32, #tpu.memory_space<vmem>> -> memref<1x80x16xf32, #tpu.memory_space<vmem>>
        %dma_start3A_248 = tpu.memref_squeeze %dma_start3A_247 : memref<1x80x16xf32, #tpu.memory_space<vmem>> -> memref<80x16xf32, #tpu.memory_space<vmem>>
        %dma_start3A_249 = arith.constant 0 : i32
        %dma_start3A_250 = tpu.memref_slice %arg6[%add3A_200, %dma_start3A_249] : memref<125x80xi32, #tpu.memory_space<vmem>> -> memref<1x80xi32, #tpu.memory_space<vmem>>
        %dma_start3A_251 = tpu.memref_squeeze %dma_start3A_250 : memref<1x80xi32, #tpu.memory_space<vmem>> -> memref<80xi32, #tpu.memory_space<vmem>>
        %dma_start3A_252 = arith.constant 0 : i32
        %dma_start3A_253 = arith.constant 0 : i32
        %dma_start3A_254 = tpu.memref_slice %arg8[%dma_start3A_252, %dma_start3A_253] : memref<10000x16xf32, #tpu.memory_space<vmem_shared>> -> memref<10000x16xf32, #tpu.memory_space<vmem_shared>>
        tpu.enqueue_indirect_dma source(%dma_start3A_248 : memref<80x16xf32, #tpu.memory_space<vmem>>) target(%dma_start3A_254 : memref<10000x16xf32, #tpu.memory_space<vmem_shared>>) offsets(%dma_start3A_251 : memref<80xi32, #tpu.memory_space<vmem>>) semaphore(%run_scoped3A_244 : memref<!tpu.dma_semaphore, #tpu.memory_space<semaphore_mem>>) {add = true}
        %dma_wait3A_255 = arith.constant 0 : i32
        %dma_wait3A_256 = arith.constant 0 : i32
        %dma_wait3A_257 = tpu.memref_slice %arg7[%run_scoped3A_243, %dma_wait3A_255, %dma_wait3A_256] : memref<3x80x16xf32, #tpu.memory_space<vmem>> -> memref<1x80x16xf32, #tpu.memory_space<vmem>>
        %dma_wait3A_258 = tpu.memref_squeeze %dma_wait3A_257 : memref<1x80x16xf32, #tpu.memory_space<vmem>> -> memref<80x16xf32, #tpu.memory_space<vmem>>
        %dma_wait3A_259 = arith.constant 0 : i32
        %dma_wait3A_260 = tpu.memref_slice %arg6[%add3A_200, %dma_wait3A_259] : memref<125x80xi32, #tpu.memory_space<vmem>> -> memref<1x80xi32, #tpu.memory_space<vmem>>
        %dma_wait3A_261 = tpu.memref_squeeze %dma_wait3A_260 : memref<1x80xi32, #tpu.memory_space<vmem>> -> memref<80xi32, #tpu.memory_space<vmem>>
        %dma_wait3A_262 = arith.constant 0 : i32
        %dma_wait3A_263 = arith.constant 0 : i32
        %dma_wait3A_264 = tpu.memref_slice %arg8[%dma_wait3A_262, %dma_wait3A_263] : memref<10000x16xf32, #tpu.memory_space<vmem_shared>> -> memref<10000x16xf32, #tpu.memory_space<vmem_shared>>
        tpu.wait_indirect_dma semaphore(%run_scoped3A_244 : memref<!tpu.dma_semaphore, #tpu.memory_space<semaphore_mem>>) src(%dma_wait3A_258 : memref<80x16xf32, #tpu.memory_space<vmem>>) dst(%dma_wait3A_264 : memref<10000x16xf32, #tpu.memory_space<vmem_shared>>)
        tpu.yield
      }) : () -> ()
    }
    %scan3A_52 = arith.constant 41 : i32
    %mul3A_53 = arith.constant 125 : i32
    %mul3A_54 = arith.muli %add3A, %mul3A_53 : i32
    %add3A_55 = arith.constant 123 : i32
    %add3A_56 = arith.addi %mul3A_54, %add3A_55 : i32
    %dma_wait3A = arith.constant 0 : i32
    %dma_wait3A_57 = arith.constant 0 : i32
    %dma_wait3A_58 = arith.constant 0 : i32
    %dma_wait3A_59 = tpu.memref_slice %arg7[%dma_wait3A, %dma_wait3A_57, %dma_wait3A_58] : memref<3x80x16xf32, #tpu.memory_space<vmem>> -> memref<1x80x16xf32, #tpu.memory_space<vmem>>
    %dma_wait3A_60 = tpu.memref_squeeze %dma_wait3A_59 : memref<1x80x16xf32, #tpu.memory_space<vmem>> -> memref<80x16xf32, #tpu.memory_space<vmem>>
    %dma_wait3A_61 = arith.constant 0 : i32
    %dma_wait3A_62 = arith.constant 0 : i32
    %dma_wait3A_63 = tpu.memref_slice %arg2[%add3A_56, %dma_wait3A_61, %dma_wait3A_62] : memref<4000x80x16xf32, #tpu.memory_space<hbm>> -> memref<1x80x16xf32, #tpu.memory_space<hbm>>
    %dma_wait3A_64 = tpu.memref_squeeze %dma_wait3A_63 : memref<1x80x16xf32, #tpu.memory_space<hbm>> -> memref<80x16xf32, #tpu.memory_space<hbm>>
    %dma_wait3A_65 = arith.constant 0 : i32
    %dma_wait3A_66 = arith.constant 0 : i32
    %dma_wait3A_67 = tpu.memref_slice %arg7[%dma_wait3A, %dma_wait3A_65, %dma_wait3A_66] : memref<3x80x16xf32, #tpu.memory_space<vmem>> -> memref<1x80x16xf32, #tpu.memory_space<vmem>>
    %dma_wait3A_68 = tpu.memref_squeeze %dma_wait3A_67 : memref<1x80x16xf32, #tpu.memory_space<vmem>> -> memref<80x16xf32, #tpu.memory_space<vmem>>
    %dma_wait3A_69 = arith.constant 0 : i32
    %dma_wait3A_70 = arith.constant 0 : i32
    %dma_wait3A_71 = tpu.memref_slice %arg2[%add3A_56, %dma_wait3A_69, %dma_wait3A_70] : memref<4000x80x16xf32, #tpu.memory_space<hbm>> -> memref<1x80x16xf32, #tpu.memory_space<hbm>>
    %dma_wait3A_72 = tpu.memref_squeeze %dma_wait3A_71 : memref<1x80x16xf32, #tpu.memory_space<hbm>> -> memref<80x16xf32, #tpu.memory_space<hbm>>
    tpu.wait_dma2 semaphore(%arg9 : memref<!tpu.dma_semaphore, #tpu.memory_space<semaphore_mem>>) src(%dma_wait3A_72 : memref<80x16xf32, #tpu.memory_space<hbm>>) dst(%dma_wait3A_68 : memref<80x16xf32, #tpu.memory_space<vmem>>)
    %run_scoped3A = arith.constant 0 : i32
    %run_scoped3A_73 = arith.constant 123 : i32
    "tpu.region"() ({
      %run_scoped3A_102 = tpu.sem_alloc : memref<!tpu.dma_semaphore, #tpu.memory_space<semaphore_mem>>
      %dma_start3A_103 = arith.constant 0 : i32
      %dma_start3A_104 = arith.constant 0 : i32
      %dma_start3A_105 = tpu.memref_slice %arg7[%run_scoped3A, %dma_start3A_103, %dma_start3A_104] : memref<3x80x16xf32, #tpu.memory_space<vmem>> -> memref<1x80x16xf32, #tpu.memory_space<vmem>>
      %dma_start3A_106 = tpu.memref_squeeze %dma_start3A_105 : memref<1x80x16xf32, #tpu.memory_space<vmem>> -> memref<80x16xf32, #tpu.memory_space<vmem>>
      %dma_start3A_107 = arith.constant 0 : i32
      %dma_start3A_108 = tpu.memref_slice %arg6[%run_scoped3A_73, %dma_start3A_107] : memref<125x80xi32, #tpu.memory_space<vmem>> -> memref<1x80xi32, #tpu.memory_space<vmem>>
      %dma_start3A_109 = tpu.memref_squeeze %dma_start3A_108 : memref<1x80xi32, #tpu.memory_space<vmem>> -> memref<80xi32, #tpu.memory_space<vmem>>
      %dma_start3A_110 = arith.constant 0 : i32
      %dma_start3A_111 = arith.constant 0 : i32
      %dma_start3A_112 = tpu.memref_slice %arg8[%dma_start3A_110, %dma_start3A_111] : memref<10000x16xf32, #tpu.memory_space<vmem_shared>> -> memref<10000x16xf32, #tpu.memory_space<vmem_shared>>
      tpu.enqueue_indirect_dma source(%dma_start3A_106 : memref<80x16xf32, #tpu.memory_space<vmem>>) target(%dma_start3A_112 : memref<10000x16xf32, #tpu.memory_space<vmem_shared>>) offsets(%dma_start3A_109 : memref<80xi32, #tpu.memory_space<vmem>>) semaphore(%run_scoped3A_102 : memref<!tpu.dma_semaphore, #tpu.memory_space<semaphore_mem>>) {add = true}
      %dma_wait3A_113 = arith.constant 0 : i32
      %dma_wait3A_114 = arith.constant 0 : i32
      %dma_wait3A_115 = tpu.memref_slice %arg7[%run_scoped3A, %dma_wait3A_113, %dma_wait3A_114] : memref<3x80x16xf32, #tpu.memory_space<vmem>> -> memref<1x80x16xf32, #tpu.memory_space<vmem>>
      %dma_wait3A_116 = tpu.memref_squeeze %dma_wait3A_115 : memref<1x80x16xf32, #tpu.memory_space<vmem>> -> memref<80x16xf32, #tpu.memory_space<vmem>>
      %dma_wait3A_117 = arith.constant 0 : i32
      %dma_wait3A_118 = tpu.memref_slice %arg6[%run_scoped3A_73, %dma_wait3A_117] : memref<125x80xi32, #tpu.memory_space<vmem>> -> memref<1x80xi32, #tpu.memory_space<vmem>>
      %dma_wait3A_119 = tpu.memref_squeeze %dma_wait3A_118 : memref<1x80xi32, #tpu.memory_space<vmem>> -> memref<80xi32, #tpu.memory_space<vmem>>
      %dma_wait3A_120 = arith.constant 0 : i32
      %dma_wait3A_121 = arith.constant 0 : i32
      %dma_wait3A_122 = tpu.memref_slice %arg8[%dma_wait3A_120, %dma_wait3A_121] : memref<10000x16xf32, #tpu.memory_space<vmem_shared>> -> memref<10000x16xf32, #tpu.memory_space<vmem_shared>>
      tpu.wait_indirect_dma semaphore(%run_scoped3A_102 : memref<!tpu.dma_semaphore, #tpu.memory_space<semaphore_mem>>) src(%dma_wait3A_116 : memref<80x16xf32, #tpu.memory_space<vmem>>) dst(%dma_wait3A_122 : memref<10000x16xf32, #tpu.memory_space<vmem_shared>>)
      tpu.yield
    }) : () -> ()
    %mul3A_74 = arith.constant 125 : i32
    %mul3A_75 = arith.muli %add3A, %mul3A_74 : i32
    %add3A_76 = arith.constant 124 : i32
    %add3A_77 = arith.addi %mul3A_75, %add3A_76 : i32
    %dma_wait3A_78 = arith.constant 1 : i32
    %dma_wait3A_79 = arith.constant 0 : i32
    %dma_wait3A_80 = arith.constant 0 : i32
    %dma_wait3A_81 = tpu.memref_slice %arg7[%dma_wait3A_78, %dma_wait3A_79, %dma_wait3A_80] : memref<3x80x16xf32, #tpu.memory_space<vmem>> -> memref<1x80x16xf32, #tpu.memory_space<vmem>>
    %dma_wait3A_82 = tpu.memref_squeeze %dma_wait3A_81 : memref<1x80x16xf32, #tpu.memory_space<vmem>> -> memref<80x16xf32, #tpu.memory_space<vmem>>
    %dma_wait3A_83 = arith.constant 0 : i32
    %dma_wait3A_84 = arith.constant 0 : i32
    %dma_wait3A_85 = tpu.memref_slice %arg2[%add3A_77, %dma_wait3A_83, %dma_wait3A_84] : memref<4000x80x16xf32, #tpu.memory_space<hbm>> -> memref<1x80x16xf32, #tpu.memory_space<hbm>>
    %dma_wait3A_86 = tpu.memref_squeeze %dma_wait3A_85 : memref<1x80x16xf32, #tpu.memory_space<hbm>> -> memref<80x16xf32, #tpu.memory_space<hbm>>
    %dma_wait3A_87 = arith.constant 0 : i32
    %dma_wait3A_88 = arith.constant 0 : i32
    %dma_wait3A_89 = tpu.memref_slice %arg7[%dma_wait3A_78, %dma_wait3A_87, %dma_wait3A_88] : memref<3x80x16xf32, #tpu.memory_space<vmem>> -> memref<1x80x16xf32, #tpu.memory_space<vmem>>
    %dma_wait3A_90 = tpu.memref_squeeze %dma_wait3A_89 : memref<1x80x16xf32, #tpu.memory_space<vmem>> -> memref<80x16xf32, #tpu.memory_space<vmem>>
    %dma_wait3A_91 = arith.constant 0 : i32
    %dma_wait3A_92 = arith.constant 0 : i32
    %dma_wait3A_93 = tpu.memref_slice %arg2[%add3A_77, %dma_wait3A_91, %dma_wait3A_92] : memref<4000x80x16xf32, #tpu.memory_space<hbm>> -> memref<1x80x16xf32, #tpu.memory_space<hbm>>
    %dma_wait3A_94 = tpu.memref_squeeze %dma_wait3A_93 : memref<1x80x16xf32, #tpu.memory_space<hbm>> -> memref<80x16xf32, #tpu.memory_space<hbm>>
    tpu.wait_dma2 semaphore(%arg10 : memref<!tpu.dma_semaphore, #tpu.memory_space<semaphore_mem>>) src(%dma_wait3A_94 : memref<80x16xf32, #tpu.memory_space<hbm>>) dst(%dma_wait3A_90 : memref<80x16xf32, #tpu.memory_space<vmem>>)
    %run_scoped3A_95 = arith.constant 1 : i32
    %run_scoped3A_96 = arith.constant 124 : i32
    "tpu.region"() ({
      %run_scoped3A_102 = tpu.sem_alloc : memref<!tpu.dma_semaphore, #tpu.memory_space<semaphore_mem>>
      %dma_start3A_103 = arith.constant 0 : i32
      %dma_start3A_104 = arith.constant 0 : i32
      %dma_start3A_105 = tpu.memref_slice %arg7[%run_scoped3A_95, %dma_start3A_103, %dma_start3A_104] : memref<3x80x16xf32, #tpu.memory_space<vmem>> -> memref<1x80x16xf32, #tpu.memory_space<vmem>>
      %dma_start3A_106 = tpu.memref_squeeze %dma_start3A_105 : memref<1x80x16xf32, #tpu.memory_space<vmem>> -> memref<80x16xf32, #tpu.memory_space<vmem>>
      %dma_start3A_107 = arith.constant 0 : i32
      %dma_start3A_108 = tpu.memref_slice %arg6[%run_scoped3A_96, %dma_start3A_107] : memref<125x80xi32, #tpu.memory_space<vmem>> -> memref<1x80xi32, #tpu.memory_space<vmem>>
      %dma_start3A_109 = tpu.memref_squeeze %dma_start3A_108 : memref<1x80xi32, #tpu.memory_space<vmem>> -> memref<80xi32, #tpu.memory_space<vmem>>
      %dma_start3A_110 = arith.constant 0 : i32
      %dma_start3A_111 = arith.constant 0 : i32
      %dma_start3A_112 = tpu.memref_slice %arg8[%dma_start3A_110, %dma_start3A_111] : memref<10000x16xf32, #tpu.memory_space<vmem_shared>> -> memref<10000x16xf32, #tpu.memory_space<vmem_shared>>
      tpu.enqueue_indirect_dma source(%dma_start3A_106 : memref<80x16xf32, #tpu.memory_space<vmem>>) target(%dma_start3A_112 : memref<10000x16xf32, #tpu.memory_space<vmem_shared>>) offsets(%dma_start3A_109 : memref<80xi32, #tpu.memory_space<vmem>>) semaphore(%run_scoped3A_102 : memref<!tpu.dma_semaphore, #tpu.memory_space<semaphore_mem>>) {add = true}
      %dma_wait3A_113 = arith.constant 0 : i32
      %dma_wait3A_114 = arith.constant 0 : i32
      %dma_wait3A_115 = tpu.memref_slice %arg7[%run_scoped3A_95, %dma_wait3A_113, %dma_wait3A_114] : memref<3x80x16xf32, #tpu.memory_space<vmem>> -> memref<1x80x16xf32, #tpu.memory_space<vmem>>
      %dma_wait3A_116 = tpu.memref_squeeze %dma_wait3A_115 : memref<1x80x16xf32, #tpu.memory_space<vmem>> -> memref<80x16xf32, #tpu.memory_space<vmem>>
      %dma_wait3A_117 = arith.constant 0 : i32
      %dma_wait3A_118 = tpu.memref_slice %arg6[%run_scoped3A_96, %dma_wait3A_117] : memref<125x80xi32, #tpu.memory_space<vmem>> -> memref<1x80xi32, #tpu.memory_space<vmem>>
      %dma_wait3A_119 = tpu.memref_squeeze %dma_wait3A_118 : memref<1x80xi32, #tpu.memory_space<vmem>> -> memref<80xi32, #tpu.memory_space<vmem>>
      %dma_wait3A_120 = arith.constant 0 : i32
      %dma_wait3A_121 = arith.constant 0 : i32
      %dma_wait3A_122 = tpu.memref_slice %arg8[%dma_wait3A_120, %dma_wait3A_121] : memref<10000x16xf32, #tpu.memory_space<vmem_shared>> -> memref<10000x16xf32, #tpu.memory_space<vmem_shared>>
      tpu.wait_indirect_dma semaphore(%run_scoped3A_102 : memref<!tpu.dma_semaphore, #tpu.memory_space<semaphore_mem>>) src(%dma_wait3A_116 : memref<80x16xf32, #tpu.memory_space<vmem>>) dst(%dma_wait3A_122 : memref<10000x16xf32, #tpu.memory_space<vmem_shared>>)
      tpu.yield
    }) : () -> ()
    %barrier3A_97 = arith.constant 0 : index
    tpu.barrier barrier_id(%barrier3A_97)
    %mul3A_98 = arith.constant 625 : i32
    %mul3A_99 = arith.muli %arg1, %mul3A_98 : i32
    %mul3A_100 = arith.constant 625 : i32
    %mul3A_101 = arith.muli %arg1, %mul3A_100 : i32
    "tpu.region"() ({
      %run_scoped3A_102 = tpu.sem_alloc : memref<!tpu.dma_semaphore, #tpu.memory_space<semaphore_mem>>
      %dma_start3A_103 = arith.constant 0 : i32
      %dma_start3A_104 = tpu.memref_slice %arg5[%arg0, %mul3A_101, %dma_start3A_103] : memref<2x10000x16xf32, #tpu.memory_space<hbm>> -> memref<1x625x16xf32, #tpu.memory_space<hbm>>
      %dma_start3A_105 = tpu.memref_squeeze %dma_start3A_104 : memref<1x625x16xf32, #tpu.memory_space<hbm>> -> memref<625x16xf32, #tpu.memory_space<hbm>>
      %dma_start3A_106 = arith.constant 0 : i32
      %dma_start3A_107 = tpu.memref_slice %arg8[%mul3A_99, %dma_start3A_106] : memref<10000x16xf32, #tpu.memory_space<vmem_shared>> -> memref<625x16xf32, #tpu.memory_space<vmem_shared>>
      tpu.enqueue_dma source(%dma_start3A_107 : memref<625x16xf32, #tpu.memory_space<vmem_shared>>) target(%dma_start3A_105 : memref<625x16xf32, #tpu.memory_space<hbm>>) target_semaphore(%run_scoped3A_102 : memref<!tpu.dma_semaphore, #tpu.memory_space<semaphore_mem>>)
      %dma_wait3A_108 = arith.constant 0 : i32
      %dma_wait3A_109 = tpu.memref_slice %arg5[%arg0, %mul3A_101, %dma_wait3A_108] : memref<2x10000x16xf32, #tpu.memory_space<hbm>> -> memref<1x625x16xf32, #tpu.memory_space<hbm>>
      %dma_wait3A_110 = tpu.memref_squeeze %dma_wait3A_109 : memref<1x625x16xf32, #tpu.memory_space<hbm>> -> memref<625x16xf32, #tpu.memory_space<hbm>>
      %dma_wait3A_111 = arith.constant 0 : i32
      %dma_wait3A_112 = tpu.memref_slice %arg8[%mul3A_99, %dma_wait3A_111] : memref<10000x16xf32, #tpu.memory_space<vmem_shared>> -> memref<625x16xf32, #tpu.memory_space<vmem_shared>>
      tpu.wait_dma2 semaphore(%run_scoped3A_102 : memref<!tpu.dma_semaphore, #tpu.memory_space<semaphore_mem>>) src(%dma_wait3A_112 : memref<625x16xf32, #tpu.memory_space<vmem_shared>>) dst(%dma_wait3A_110 : memref<625x16xf32, #tpu.memory_space<hbm>>)
      tpu.yield
    }) : () -> ()
    return
  }
}

#map = affine_map<(d0, d1) -> (0, 0)>
#map1 = affine_map<(d0, d1) -> (0, 0, 0)>
module attributes {stable_mosaic.version = 14 : i64} {
  func.func @seg_gather(%arg0: i32, %arg1: i32, %arg2: memref<10000x64xf32, #tpu.memory_space<hbm>>, %arg3: memref<4000x80xi32, #tpu.memory_space<hbm>>, %arg4: memref<4000x80xi32, #tpu.memory_space<hbm>>, %arg5: memref<10000x64xf32, #tpu.memory_space<hbm>>, %arg6: memref<2x10000x64xf32, #tpu.memory_space<hbm>>, %arg7: memref<125x80xi32, #tpu.memory_space<vmem>>, %arg8: memref<125x80xi32, #tpu.memory_space<vmem>>, %arg9: memref<3x80x64xf32, #tpu.memory_space<vmem>>, %arg10: memref<10000x64xf32, #tpu.memory_space<vmem_shared>>, %arg11: memref<!tpu.dma_semaphore, #tpu.memory_space<semaphore_mem>>, %arg12: memref<!tpu.dma_semaphore, #tpu.memory_space<semaphore_mem>>, %arg13: memref<!tpu.dma_semaphore, #tpu.memory_space<semaphore_mem>>) attributes {dimension_semantics = [#tpu.dimension_semantics<core_parallel>, #tpu.dimension_semantics<subcore_parallel>], iteration_bounds = array<i64: 2, 16>, scalar_prefetch = 0 : i64, scratch_operands = 7 : i64, tpu.core_type = #tpu.core_type<sc_vector_subcore>, window_params = [{transform_indices = #map}, {transform_indices = #map}, {transform_indices = #map}, {transform_indices = #map}, {transform_indices = #map1}]} {
    %mul3A = arith.constant 16 : i32
    %mul3A_0 = arith.muli %arg0, %mul3A : i32
    %add3A = arith.addi %mul3A_0, %arg1 : i32
    %mul3A_1 = arith.constant 625 : i32
    %mul3A_2 = arith.muli %arg1, %mul3A_1 : i32
    %mul3A_3 = arith.constant 625 : i32
    %mul3A_4 = arith.muli %arg1, %mul3A_3 : i32
    "tpu.region"() ({
      %run_scoped3A_68 = tpu.sem_alloc : memref<!tpu.dma_semaphore, #tpu.memory_space<semaphore_mem>>
      %dma_start3A_69 = arith.constant 0 : i32
      %dma_start3A_70 = tpu.memref_slice %arg10[%mul3A_4, %dma_start3A_69] : memref<10000x64xf32, #tpu.memory_space<vmem_shared>> -> memref<625x64xf32, #tpu.memory_space<vmem_shared>>
      %dma_start3A_71 = arith.constant 0 : i32
      %dma_start3A_72 = tpu.memref_slice %arg5[%mul3A_2, %dma_start3A_71] : memref<10000x64xf32, #tpu.memory_space<hbm>> -> memref<625x64xf32, #tpu.memory_space<hbm>>
      tpu.enqueue_dma source(%dma_start3A_72 : memref<625x64xf32, #tpu.memory_space<hbm>>) target(%dma_start3A_70 : memref<625x64xf32, #tpu.memory_space<vmem_shared>>) target_semaphore(%run_scoped3A_68 : memref<!tpu.dma_semaphore, #tpu.memory_space<semaphore_mem>>)
      %dma_wait3A_73 = arith.constant 0 : i32
      %dma_wait3A_74 = tpu.memref_slice %arg10[%mul3A_4, %dma_wait3A_73] : memref<10000x64xf32, #tpu.memory_space<vmem_shared>> -> memref<625x64xf32, #tpu.memory_space<vmem_shared>>
      %dma_wait3A_75 = arith.constant 0 : i32
      %dma_wait3A_76 = tpu.memref_slice %arg5[%mul3A_2, %dma_wait3A_75] : memref<10000x64xf32, #tpu.memory_space<hbm>> -> memref<625x64xf32, #tpu.memory_space<hbm>>
      tpu.wait_dma2 semaphore(%run_scoped3A_68 : memref<!tpu.dma_semaphore, #tpu.memory_space<semaphore_mem>>) src(%dma_wait3A_76 : memref<625x64xf32, #tpu.memory_space<hbm>>) dst(%dma_wait3A_74 : memref<625x64xf32, #tpu.memory_space<vmem_shared>>)
      tpu.yield
    }) : () -> ()
    %mul3A_5 = arith.constant 125 : i32
    %mul3A_6 = arith.muli %add3A, %mul3A_5 : i32
    "tpu.region"() ({
      %run_scoped3A_68 = tpu.sem_alloc : memref<!tpu.dma_semaphore, #tpu.memory_space<semaphore_mem>>
      %dma_start3A_69 = arith.constant 0 : i32
      %dma_start3A_70 = tpu.memref_slice %arg3[%mul3A_6, %dma_start3A_69] : memref<4000x80xi32, #tpu.memory_space<hbm>> -> memref<125x80xi32, #tpu.memory_space<hbm>>
      %dma_start3A_71 = arith.constant 0 : i32
      %dma_start3A_72 = tpu.memref_slice %arg3[%mul3A_6, %dma_start3A_71] : memref<4000x80xi32, #tpu.memory_space<hbm>> -> memref<125x80xi32, #tpu.memory_space<hbm>>
      tpu.enqueue_dma source(%dma_start3A_72 : memref<125x80xi32, #tpu.memory_space<hbm>>) target(%arg7 : memref<125x80xi32, #tpu.memory_space<vmem>>) target_semaphore(%run_scoped3A_68 : memref<!tpu.dma_semaphore, #tpu.memory_space<semaphore_mem>>)
      %dma_wait3A_73 = arith.constant 0 : i32
      %dma_wait3A_74 = tpu.memref_slice %arg3[%mul3A_6, %dma_wait3A_73] : memref<4000x80xi32, #tpu.memory_space<hbm>> -> memref<125x80xi32, #tpu.memory_space<hbm>>
      %dma_wait3A_75 = arith.constant 0 : i32
      %dma_wait3A_76 = tpu.memref_slice %arg3[%mul3A_6, %dma_wait3A_75] : memref<4000x80xi32, #tpu.memory_space<hbm>> -> memref<125x80xi32, #tpu.memory_space<hbm>>
      tpu.wait_dma2 semaphore(%run_scoped3A_68 : memref<!tpu.dma_semaphore, #tpu.memory_space<semaphore_mem>>) src(%dma_wait3A_76 : memref<125x80xi32, #tpu.memory_space<hbm>>) dst(%arg7 : memref<125x80xi32, #tpu.memory_space<vmem>>)
      tpu.yield
    }) : () -> ()
    %mul3A_7 = arith.constant 125 : i32
    %mul3A_8 = arith.muli %add3A, %mul3A_7 : i32
    "tpu.region"() ({
      %run_scoped3A_68 = tpu.sem_alloc : memref<!tpu.dma_semaphore, #tpu.memory_space<semaphore_mem>>
      %dma_start3A_69 = arith.constant 0 : i32
      %dma_start3A_70 = tpu.memref_slice %arg4[%mul3A_8, %dma_start3A_69] : memref<4000x80xi32, #tpu.memory_space<hbm>> -> memref<125x80xi32, #tpu.memory_space<hbm>>
      %dma_start3A_71 = arith.constant 0 : i32
      %dma_start3A_72 = tpu.memref_slice %arg4[%mul3A_8, %dma_start3A_71] : memref<4000x80xi32, #tpu.memory_space<hbm>> -> memref<125x80xi32, #tpu.memory_space<hbm>>
      tpu.enqueue_dma source(%dma_start3A_72 : memref<125x80xi32, #tpu.memory_space<hbm>>) target(%arg8 : memref<125x80xi32, #tpu.memory_space<vmem>>) target_semaphore(%run_scoped3A_68 : memref<!tpu.dma_semaphore, #tpu.memory_space<semaphore_mem>>)
      %dma_wait3A_73 = arith.constant 0 : i32
      %dma_wait3A_74 = tpu.memref_slice %arg4[%mul3A_8, %dma_wait3A_73] : memref<4000x80xi32, #tpu.memory_space<hbm>> -> memref<125x80xi32, #tpu.memory_space<hbm>>
      %dma_wait3A_75 = arith.constant 0 : i32
      %dma_wait3A_76 = tpu.memref_slice %arg4[%mul3A_8, %dma_wait3A_75] : memref<4000x80xi32, #tpu.memory_space<hbm>> -> memref<125x80xi32, #tpu.memory_space<hbm>>
      tpu.wait_dma2 semaphore(%run_scoped3A_68 : memref<!tpu.dma_semaphore, #tpu.memory_space<semaphore_mem>>) src(%dma_wait3A_76 : memref<125x80xi32, #tpu.memory_space<hbm>>) dst(%arg8 : memref<125x80xi32, #tpu.memory_space<vmem>>)
      tpu.yield
    }) : () -> ()
    %barrier3A = arith.constant 0 : index
    tpu.barrier barrier_id(%barrier3A)
    %dma_start3A = arith.constant 0 : i32
    %dma_start3A_9 = arith.constant 0 : i32
    %dma_start3A_10 = arith.constant 0 : i32
    %dma_start3A_11 = arith.constant 0 : i32
    %dma_start3A_12 = tpu.memref_slice %arg9[%dma_start3A_9, %dma_start3A_10, %dma_start3A_11] : memref<3x80x64xf32, #tpu.memory_space<vmem>> -> memref<1x80x64xf32, #tpu.memory_space<vmem>>
    %dma_start3A_13 = tpu.memref_squeeze %dma_start3A_12 : memref<1x80x64xf32, #tpu.memory_space<vmem>> -> memref<80x64xf32, #tpu.memory_space<vmem>>
    %dma_start3A_14 = arith.constant 0 : i32
    %dma_start3A_15 = tpu.memref_slice %arg7[%dma_start3A, %dma_start3A_14] : memref<125x80xi32, #tpu.memory_space<vmem>> -> memref<1x80xi32, #tpu.memory_space<vmem>>
    %dma_start3A_16 = tpu.memref_squeeze %dma_start3A_15 : memref<1x80xi32, #tpu.memory_space<vmem>> -> memref<80xi32, #tpu.memory_space<vmem>>
    %dma_start3A_17 = arith.constant 0 : i32
    %dma_start3A_18 = arith.constant 0 : i32
    %dma_start3A_19 = tpu.memref_slice %arg2[%dma_start3A_17, %dma_start3A_18] : memref<10000x64xf32, #tpu.memory_space<hbm>> -> memref<10000x64xf32, #tpu.memory_space<hbm>>
    tpu.enqueue_indirect_dma source(%dma_start3A_19 : memref<10000x64xf32, #tpu.memory_space<hbm>>) target(%dma_start3A_13 : memref<80x64xf32, #tpu.memory_space<vmem>>) offsets(%dma_start3A_16 : memref<80xi32, #tpu.memory_space<vmem>>) semaphore(%arg11 : memref<!tpu.dma_semaphore, #tpu.memory_space<semaphore_mem>>)
    %dma_start3A_20 = arith.constant 1 : i32
    %dma_start3A_21 = arith.constant 1 : i32
    %dma_start3A_22 = arith.constant 0 : i32
    %dma_start3A_23 = arith.constant 0 : i32
    %dma_start3A_24 = tpu.memref_slice %arg9[%dma_start3A_21, %dma_start3A_22, %dma_start3A_23] : memref<3x80x64xf32, #tpu.memory_space<vmem>> -> memref<1x80x64xf32, #tpu.memory_space<vmem>>
    %dma_start3A_25 = tpu.memref_squeeze %dma_start3A_24 : memref<1x80x64xf32, #tpu.memory_space<vmem>> -> memref<80x64xf32, #tpu.memory_space<vmem>>
    %dma_start3A_26 = arith.constant 0 : i32
    %dma_start3A_27 = tpu.memref_slice %arg7[%dma_start3A_20, %dma_start3A_26] : memref<125x80xi32, #tpu.memory_space<vmem>> -> memref<1x80xi32, #tpu.memory_space<vmem>>
    %dma_start3A_28 = tpu.memref_squeeze %dma_start3A_27 : memref<1x80xi32, #tpu.memory_space<vmem>> -> memref<80xi32, #tpu.memory_space<vmem>>
    %dma_start3A_29 = arith.constant 0 : i32
    %dma_start3A_30 = arith.constant 0 : i32
    %dma_start3A_31 = tpu.memref_slice %arg2[%dma_start3A_29, %dma_start3A_30] : memref<10000x64xf32, #tpu.memory_space<hbm>> -> memref<10000x64xf32, #tpu.memory_space<hbm>>
    tpu.enqueue_indirect_dma source(%dma_start3A_31 : memref<10000x64xf32, #tpu.memory_space<hbm>>) target(%dma_start3A_25 : memref<80x64xf32, #tpu.memory_space<vmem>>) offsets(%dma_start3A_28 : memref<80xi32, #tpu.memory_space<vmem>>) semaphore(%arg12 : memref<!tpu.dma_semaphore, #tpu.memory_space<semaphore_mem>>)
    %scan3A = arith.constant 0 : i32
    %scan3A_32 = arith.constant 0 : i32
    %scan3A_33 = arith.constant 41 : i32
    %scan3A_34 = arith.addi %scan3A_32, %scan3A_33 : i32
    %scan3A_35 = arith.constant 1 : i32
    scf.for %scan3A_68 = %scan3A_32 to %scan3A_34 step %scan3A_35  : i32 {
      %mul3A_69 = arith.constant 3 : i32
      %mul3A_70 = arith.muli %scan3A_68, %mul3A_69 : i32
      %add3A_71 = arith.constant 0 : i32
      %add3A_72 = arith.addi %mul3A_70, %add3A_71 : i32
      %add3A_73 = arith.constant 2 : i32
      %add3A_74 = arith.addi %add3A_72, %add3A_73 : i32
      %dma_start3A_75 = arith.constant 2 : i32
      %dma_start3A_76 = arith.constant 0 : i32
      %dma_start3A_77 = arith.constant 0 : i32
      %dma_start3A_78 = tpu.memref_slice %arg9[%dma_start3A_75, %dma_start3A_76, %dma_start3A_77] : memref<3x80x64xf32, #tpu.memory_space<vmem>> -> memref<1x80x64xf32, #tpu.memory_space<vmem>>
      %dma_start3A_79 = tpu.memref_squeeze %dma_start3A_78 : memref<1x80x64xf32, #tpu.memory_space<vmem>> -> memref<80x64xf32, #tpu.memory_space<vmem>>
      %dma_start3A_80 = arith.constant 0 : i32
      %dma_start3A_81 = tpu.memref_slice %arg7[%add3A_74, %dma_start3A_80] : memref<125x80xi32, #tpu.memory_space<vmem>> -> memref<1x80xi32, #tpu.memory_space<vmem>>
      %dma_start3A_82 = tpu.memref_squeeze %dma_start3A_81 : memref<1x80xi32, #tpu.memory_space<vmem>> -> memref<80xi32, #tpu.memory_space<vmem>>
      %dma_start3A_83 = arith.constant 0 : i32
      %dma_start3A_84 = arith.constant 0 : i32
      %dma_start3A_85 = tpu.memref_slice %arg2[%dma_start3A_83, %dma_start3A_84] : memref<10000x64xf32, #tpu.memory_space<hbm>> -> memref<10000x64xf32, #tpu.memory_space<hbm>>
      tpu.enqueue_indirect_dma source(%dma_start3A_85 : memref<10000x64xf32, #tpu.memory_space<hbm>>) target(%dma_start3A_79 : memref<80x64xf32, #tpu.memory_space<vmem>>) offsets(%dma_start3A_82 : memref<80xi32, #tpu.memory_space<vmem>>) semaphore(%arg13 : memref<!tpu.dma_semaphore, #tpu.memory_space<semaphore_mem>>)
      %dma_wait3A_86 = arith.constant 0 : i32
      %dma_wait3A_87 = arith.constant 0 : i32
      %dma_wait3A_88 = arith.constant 0 : i32
      %dma_wait3A_89 = tpu.memref_slice %arg9[%dma_wait3A_86, %dma_wait3A_87, %dma_wait3A_88] : memref<3x80x64xf32, #tpu.memory_space<vmem>> -> memref<1x80x64xf32, #tpu.memory_space<vmem>>
      %dma_wait3A_90 = tpu.memref_squeeze %dma_wait3A_89 : memref<1x80x64xf32, #tpu.memory_space<vmem>> -> memref<80x64xf32, #tpu.memory_space<vmem>>
      %dma_wait3A_91 = arith.constant 0 : i32
      %dma_wait3A_92 = tpu.memref_slice %arg7[%add3A_72, %dma_wait3A_91] : memref<125x80xi32, #tpu.memory_space<vmem>> -> memref<1x80xi32, #tpu.memory_space<vmem>>
      %dma_wait3A_93 = tpu.memref_squeeze %dma_wait3A_92 : memref<1x80xi32, #tpu.memory_space<vmem>> -> memref<80xi32, #tpu.memory_space<vmem>>
      %dma_wait3A_94 = arith.constant 0 : i32
      %dma_wait3A_95 = arith.constant 0 : i32
      %dma_wait3A_96 = tpu.memref_slice %arg2[%dma_wait3A_94, %dma_wait3A_95] : memref<10000x64xf32, #tpu.memory_space<hbm>> -> memref<10000x64xf32, #tpu.memory_space<hbm>>
      tpu.wait_indirect_dma semaphore(%arg11 : memref<!tpu.dma_semaphore, #tpu.memory_space<semaphore_mem>>) src(%dma_wait3A_96 : memref<10000x64xf32, #tpu.memory_space<hbm>>) dst(%dma_wait3A_90 : memref<80x64xf32, #tpu.memory_space<vmem>>)
      %run_scoped3A_97 = arith.constant 0 : i32
      "tpu.region"() ({
        %run_scoped3A_156 = tpu.sem_alloc : memref<!tpu.dma_semaphore, #tpu.memory_space<semaphore_mem>>
        %dma_start3A_157 = arith.constant 0 : i32
        %dma_start3A_158 = arith.constant 0 : i32
        %dma_start3A_159 = tpu.memref_slice %arg9[%run_scoped3A_97, %dma_start3A_157, %dma_start3A_158] : memref<3x80x64xf32, #tpu.memory_space<vmem>> -> memref<1x80x64xf32, #tpu.memory_space<vmem>>
        %dma_start3A_160 = tpu.memref_squeeze %dma_start3A_159 : memref<1x80x64xf32, #tpu.memory_space<vmem>> -> memref<80x64xf32, #tpu.memory_space<vmem>>
        %dma_start3A_161 = arith.constant 0 : i32
        %dma_start3A_162 = tpu.memref_slice %arg8[%add3A_72, %dma_start3A_161] : memref<125x80xi32, #tpu.memory_space<vmem>> -> memref<1x80xi32, #tpu.memory_space<vmem>>
        %dma_start3A_163 = tpu.memref_squeeze %dma_start3A_162 : memref<1x80xi32, #tpu.memory_space<vmem>> -> memref<80xi32, #tpu.memory_space<vmem>>
        %dma_start3A_164 = arith.constant 0 : i32
        %dma_start3A_165 = arith.constant 0 : i32
        %dma_start3A_166 = tpu.memref_slice %arg10[%dma_start3A_164, %dma_start3A_165] : memref<10000x64xf32, #tpu.memory_space<vmem_shared>> -> memref<10000x64xf32, #tpu.memory_space<vmem_shared>>
        tpu.enqueue_indirect_dma source(%dma_start3A_160 : memref<80x64xf32, #tpu.memory_space<vmem>>) target(%dma_start3A_166 : memref<10000x64xf32, #tpu.memory_space<vmem_shared>>) offsets(%dma_start3A_163 : memref<80xi32, #tpu.memory_space<vmem>>) semaphore(%run_scoped3A_156 : memref<!tpu.dma_semaphore, #tpu.memory_space<semaphore_mem>>) {add = true}
        %dma_wait3A_167 = arith.constant 0 : i32
        %dma_wait3A_168 = arith.constant 0 : i32
        %dma_wait3A_169 = tpu.memref_slice %arg9[%run_scoped3A_97, %dma_wait3A_167, %dma_wait3A_168] : memref<3x80x64xf32, #tpu.memory_space<vmem>> -> memref<1x80x64xf32, #tpu.memory_space<vmem>>
        %dma_wait3A_170 = tpu.memref_squeeze %dma_wait3A_169 : memref<1x80x64xf32, #tpu.memory_space<vmem>> -> memref<80x64xf32, #tpu.memory_space<vmem>>
        %dma_wait3A_171 = arith.constant 0 : i32
        %dma_wait3A_172 = tpu.memref_slice %arg8[%add3A_72, %dma_wait3A_171] : memref<125x80xi32, #tpu.memory_space<vmem>> -> memref<1x80xi32, #tpu.memory_space<vmem>>
        %dma_wait3A_173 = tpu.memref_squeeze %dma_wait3A_172 : memref<1x80xi32, #tpu.memory_space<vmem>> -> memref<80xi32, #tpu.memory_space<vmem>>
        %dma_wait3A_174 = arith.constant 0 : i32
        %dma_wait3A_175 = arith.constant 0 : i32
        %dma_wait3A_176 = tpu.memref_slice %arg10[%dma_wait3A_174, %dma_wait3A_175] : memref<10000x64xf32, #tpu.memory_space<vmem_shared>> -> memref<10000x64xf32, #tpu.memory_space<vmem_shared>>
        tpu.wait_indirect_dma semaphore(%run_scoped3A_156 : memref<!tpu.dma_semaphore, #tpu.memory_space<semaphore_mem>>) src(%dma_wait3A_170 : memref<80x64xf32, #tpu.memory_space<vmem>>) dst(%dma_wait3A_176 : memref<10000x64xf32, #tpu.memory_space<vmem_shared>>)
        tpu.yield
      }) : () -> ()
      %mul3A_98 = arith.constant 3 : i32
      %mul3A_99 = arith.muli %scan3A_68, %mul3A_98 : i32
      %add3A_100 = arith.constant 1 : i32
      %add3A_101 = arith.addi %mul3A_99, %add3A_100 : i32
      %add3A_102 = arith.constant 2 : i32
      %add3A_103 = arith.addi %add3A_101, %add3A_102 : i32
      %dma_start3A_104 = arith.constant 0 : i32
      %dma_start3A_105 = arith.constant 0 : i32
      %dma_start3A_106 = arith.constant 0 : i32
      %dma_start3A_107 = tpu.memref_slice %arg9[%dma_start3A_104, %dma_start3A_105, %dma_start3A_106] : memref<3x80x64xf32, #tpu.memory_space<vmem>> -> memref<1x80x64xf32, #tpu.memory_space<vmem>>
      %dma_start3A_108 = tpu.memref_squeeze %dma_start3A_107 : memref<1x80x64xf32, #tpu.memory_space<vmem>> -> memref<80x64xf32, #tpu.memory_space<vmem>>
      %dma_start3A_109 = arith.constant 0 : i32
      %dma_start3A_110 = tpu.memref_slice %arg7[%add3A_103, %dma_start3A_109] : memref<125x80xi32, #tpu.memory_space<vmem>> -> memref<1x80xi32, #tpu.memory_space<vmem>>
      %dma_start3A_111 = tpu.memref_squeeze %dma_start3A_110 : memref<1x80xi32, #tpu.memory_space<vmem>> -> memref<80xi32, #tpu.memory_space<vmem>>
      %dma_start3A_112 = arith.constant 0 : i32
      %dma_start3A_113 = arith.constant 0 : i32
      %dma_start3A_114 = tpu.memref_slice %arg2[%dma_start3A_112, %dma_start3A_113] : memref<10000x64xf32, #tpu.memory_space<hbm>> -> memref<10000x64xf32, #tpu.memory_space<hbm>>
      tpu.enqueue_indirect_dma source(%dma_start3A_114 : memref<10000x64xf32, #tpu.memory_space<hbm>>) target(%dma_start3A_108 : memref<80x64xf32, #tpu.memory_space<vmem>>) offsets(%dma_start3A_111 : memref<80xi32, #tpu.memory_space<vmem>>) semaphore(%arg11 : memref<!tpu.dma_semaphore, #tpu.memory_space<semaphore_mem>>)
      %dma_wait3A_115 = arith.constant 1 : i32
      %dma_wait3A_116 = arith.constant 0 : i32
      %dma_wait3A_117 = arith.constant 0 : i32
      %dma_wait3A_118 = tpu.memref_slice %arg9[%dma_wait3A_115, %dma_wait3A_116, %dma_wait3A_117] : memref<3x80x64xf32, #tpu.memory_space<vmem>> -> memref<1x80x64xf32, #tpu.memory_space<vmem>>
      %dma_wait3A_119 = tpu.memref_squeeze %dma_wait3A_118 : memref<1x80x64xf32, #tpu.memory_space<vmem>> -> memref<80x64xf32, #tpu.memory_space<vmem>>
      %dma_wait3A_120 = arith.constant 0 : i32
      %dma_wait3A_121 = tpu.memref_slice %arg7[%add3A_101, %dma_wait3A_120] : memref<125x80xi32, #tpu.memory_space<vmem>> -> memref<1x80xi32, #tpu.memory_space<vmem>>
      %dma_wait3A_122 = tpu.memref_squeeze %dma_wait3A_121 : memref<1x80xi32, #tpu.memory_space<vmem>> -> memref<80xi32, #tpu.memory_space<vmem>>
      %dma_wait3A_123 = arith.constant 0 : i32
      %dma_wait3A_124 = arith.constant 0 : i32
      %dma_wait3A_125 = tpu.memref_slice %arg2[%dma_wait3A_123, %dma_wait3A_124] : memref<10000x64xf32, #tpu.memory_space<hbm>> -> memref<10000x64xf32, #tpu.memory_space<hbm>>
      tpu.wait_indirect_dma semaphore(%arg12 : memref<!tpu.dma_semaphore, #tpu.memory_space<semaphore_mem>>) src(%dma_wait3A_125 : memref<10000x64xf32, #tpu.memory_space<hbm>>) dst(%dma_wait3A_119 : memref<80x64xf32, #tpu.memory_space<vmem>>)
      %run_scoped3A_126 = arith.constant 1 : i32
      "tpu.region"() ({
        %run_scoped3A_156 = tpu.sem_alloc : memref<!tpu.dma_semaphore, #tpu.memory_space<semaphore_mem>>
        %dma_start3A_157 = arith.constant 0 : i32
        %dma_start3A_158 = arith.constant 0 : i32
        %dma_start3A_159 = tpu.memref_slice %arg9[%run_scoped3A_126, %dma_start3A_157, %dma_start3A_158] : memref<3x80x64xf32, #tpu.memory_space<vmem>> -> memref<1x80x64xf32, #tpu.memory_space<vmem>>
        %dma_start3A_160 = tpu.memref_squeeze %dma_start3A_159 : memref<1x80x64xf32, #tpu.memory_space<vmem>> -> memref<80x64xf32, #tpu.memory_space<vmem>>
        %dma_start3A_161 = arith.constant 0 : i32
        %dma_start3A_162 = tpu.memref_slice %arg8[%add3A_101, %dma_start3A_161] : memref<125x80xi32, #tpu.memory_space<vmem>> -> memref<1x80xi32, #tpu.memory_space<vmem>>
        %dma_start3A_163 = tpu.memref_squeeze %dma_start3A_162 : memref<1x80xi32, #tpu.memory_space<vmem>> -> memref<80xi32, #tpu.memory_space<vmem>>
        %dma_start3A_164 = arith.constant 0 : i32
        %dma_start3A_165 = arith.constant 0 : i32
        %dma_start3A_166 = tpu.memref_slice %arg10[%dma_start3A_164, %dma_start3A_165] : memref<10000x64xf32, #tpu.memory_space<vmem_shared>> -> memref<10000x64xf32, #tpu.memory_space<vmem_shared>>
        tpu.enqueue_indirect_dma source(%dma_start3A_160 : memref<80x64xf32, #tpu.memory_space<vmem>>) target(%dma_start3A_166 : memref<10000x64xf32, #tpu.memory_space<vmem_shared>>) offsets(%dma_start3A_163 : memref<80xi32, #tpu.memory_space<vmem>>) semaphore(%run_scoped3A_156 : memref<!tpu.dma_semaphore, #tpu.memory_space<semaphore_mem>>) {add = true}
        %dma_wait3A_167 = arith.constant 0 : i32
        %dma_wait3A_168 = arith.constant 0 : i32
        %dma_wait3A_169 = tpu.memref_slice %arg9[%run_scoped3A_126, %dma_wait3A_167, %dma_wait3A_168] : memref<3x80x64xf32, #tpu.memory_space<vmem>> -> memref<1x80x64xf32, #tpu.memory_space<vmem>>
        %dma_wait3A_170 = tpu.memref_squeeze %dma_wait3A_169 : memref<1x80x64xf32, #tpu.memory_space<vmem>> -> memref<80x64xf32, #tpu.memory_space<vmem>>
        %dma_wait3A_171 = arith.constant 0 : i32
        %dma_wait3A_172 = tpu.memref_slice %arg8[%add3A_101, %dma_wait3A_171] : memref<125x80xi32, #tpu.memory_space<vmem>> -> memref<1x80xi32, #tpu.memory_space<vmem>>
        %dma_wait3A_173 = tpu.memref_squeeze %dma_wait3A_172 : memref<1x80xi32, #tpu.memory_space<vmem>> -> memref<80xi32, #tpu.memory_space<vmem>>
        %dma_wait3A_174 = arith.constant 0 : i32
        %dma_wait3A_175 = arith.constant 0 : i32
        %dma_wait3A_176 = tpu.memref_slice %arg10[%dma_wait3A_174, %dma_wait3A_175] : memref<10000x64xf32, #tpu.memory_space<vmem_shared>> -> memref<10000x64xf32, #tpu.memory_space<vmem_shared>>
        tpu.wait_indirect_dma semaphore(%run_scoped3A_156 : memref<!tpu.dma_semaphore, #tpu.memory_space<semaphore_mem>>) src(%dma_wait3A_170 : memref<80x64xf32, #tpu.memory_space<vmem>>) dst(%dma_wait3A_176 : memref<10000x64xf32, #tpu.memory_space<vmem_shared>>)
        tpu.yield
      }) : () -> ()
      %mul3A_127 = arith.constant 3 : i32
      %mul3A_128 = arith.muli %scan3A_68, %mul3A_127 : i32
      %add3A_129 = arith.constant 2 : i32
      %add3A_130 = arith.addi %mul3A_128, %add3A_129 : i32
      %add3A_131 = arith.constant 2 : i32
      %add3A_132 = arith.addi %add3A_130, %add3A_131 : i32
      %dma_start3A_133 = arith.constant 1 : i32
      %dma_start3A_134 = arith.constant 0 : i32
      %dma_start3A_135 = arith.constant 0 : i32
      %dma_start3A_136 = tpu.memref_slice %arg9[%dma_start3A_133, %dma_start3A_134, %dma_start3A_135] : memref<3x80x64xf32, #tpu.memory_space<vmem>> -> memref<1x80x64xf32, #tpu.memory_space<vmem>>
      %dma_start3A_137 = tpu.memref_squeeze %dma_start3A_136 : memref<1x80x64xf32, #tpu.memory_space<vmem>> -> memref<80x64xf32, #tpu.memory_space<vmem>>
      %dma_start3A_138 = arith.constant 0 : i32
      %dma_start3A_139 = tpu.memref_slice %arg7[%add3A_132, %dma_start3A_138] : memref<125x80xi32, #tpu.memory_space<vmem>> -> memref<1x80xi32, #tpu.memory_space<vmem>>
      %dma_start3A_140 = tpu.memref_squeeze %dma_start3A_139 : memref<1x80xi32, #tpu.memory_space<vmem>> -> memref<80xi32, #tpu.memory_space<vmem>>
      %dma_start3A_141 = arith.constant 0 : i32
      %dma_start3A_142 = arith.constant 0 : i32
      %dma_start3A_143 = tpu.memref_slice %arg2[%dma_start3A_141, %dma_start3A_142] : memref<10000x64xf32, #tpu.memory_space<hbm>> -> memref<10000x64xf32, #tpu.memory_space<hbm>>
      tpu.enqueue_indirect_dma source(%dma_start3A_143 : memref<10000x64xf32, #tpu.memory_space<hbm>>) target(%dma_start3A_137 : memref<80x64xf32, #tpu.memory_space<vmem>>) offsets(%dma_start3A_140 : memref<80xi32, #tpu.memory_space<vmem>>) semaphore(%arg12 : memref<!tpu.dma_semaphore, #tpu.memory_space<semaphore_mem>>)
      %dma_wait3A_144 = arith.constant 2 : i32
      %dma_wait3A_145 = arith.constant 0 : i32
      %dma_wait3A_146 = arith.constant 0 : i32
      %dma_wait3A_147 = tpu.memref_slice %arg9[%dma_wait3A_144, %dma_wait3A_145, %dma_wait3A_146] : memref<3x80x64xf32, #tpu.memory_space<vmem>> -> memref<1x80x64xf32, #tpu.memory_space<vmem>>
      %dma_wait3A_148 = tpu.memref_squeeze %dma_wait3A_147 : memref<1x80x64xf32, #tpu.memory_space<vmem>> -> memref<80x64xf32, #tpu.memory_space<vmem>>
      %dma_wait3A_149 = arith.constant 0 : i32
      %dma_wait3A_150 = tpu.memref_slice %arg7[%add3A_130, %dma_wait3A_149] : memref<125x80xi32, #tpu.memory_space<vmem>> -> memref<1x80xi32, #tpu.memory_space<vmem>>
      %dma_wait3A_151 = tpu.memref_squeeze %dma_wait3A_150 : memref<1x80xi32, #tpu.memory_space<vmem>> -> memref<80xi32, #tpu.memory_space<vmem>>
      %dma_wait3A_152 = arith.constant 0 : i32
      %dma_wait3A_153 = arith.constant 0 : i32
      %dma_wait3A_154 = tpu.memref_slice %arg2[%dma_wait3A_152, %dma_wait3A_153] : memref<10000x64xf32, #tpu.memory_space<hbm>> -> memref<10000x64xf32, #tpu.memory_space<hbm>>
      tpu.wait_indirect_dma semaphore(%arg13 : memref<!tpu.dma_semaphore, #tpu.memory_space<semaphore_mem>>) src(%dma_wait3A_154 : memref<10000x64xf32, #tpu.memory_space<hbm>>) dst(%dma_wait3A_148 : memref<80x64xf32, #tpu.memory_space<vmem>>)
      %run_scoped3A_155 = arith.constant 2 : i32
      "tpu.region"() ({
        %run_scoped3A_156 = tpu.sem_alloc : memref<!tpu.dma_semaphore, #tpu.memory_space<semaphore_mem>>
        %dma_start3A_157 = arith.constant 0 : i32
        %dma_start3A_158 = arith.constant 0 : i32
        %dma_start3A_159 = tpu.memref_slice %arg9[%run_scoped3A_155, %dma_start3A_157, %dma_start3A_158] : memref<3x80x64xf32, #tpu.memory_space<vmem>> -> memref<1x80x64xf32, #tpu.memory_space<vmem>>
        %dma_start3A_160 = tpu.memref_squeeze %dma_start3A_159 : memref<1x80x64xf32, #tpu.memory_space<vmem>> -> memref<80x64xf32, #tpu.memory_space<vmem>>
        %dma_start3A_161 = arith.constant 0 : i32
        %dma_start3A_162 = tpu.memref_slice %arg8[%add3A_130, %dma_start3A_161] : memref<125x80xi32, #tpu.memory_space<vmem>> -> memref<1x80xi32, #tpu.memory_space<vmem>>
        %dma_start3A_163 = tpu.memref_squeeze %dma_start3A_162 : memref<1x80xi32, #tpu.memory_space<vmem>> -> memref<80xi32, #tpu.memory_space<vmem>>
        %dma_start3A_164 = arith.constant 0 : i32
        %dma_start3A_165 = arith.constant 0 : i32
        %dma_start3A_166 = tpu.memref_slice %arg10[%dma_start3A_164, %dma_start3A_165] : memref<10000x64xf32, #tpu.memory_space<vmem_shared>> -> memref<10000x64xf32, #tpu.memory_space<vmem_shared>>
        tpu.enqueue_indirect_dma source(%dma_start3A_160 : memref<80x64xf32, #tpu.memory_space<vmem>>) target(%dma_start3A_166 : memref<10000x64xf32, #tpu.memory_space<vmem_shared>>) offsets(%dma_start3A_163 : memref<80xi32, #tpu.memory_space<vmem>>) semaphore(%run_scoped3A_156 : memref<!tpu.dma_semaphore, #tpu.memory_space<semaphore_mem>>) {add = true}
        %dma_wait3A_167 = arith.constant 0 : i32
        %dma_wait3A_168 = arith.constant 0 : i32
        %dma_wait3A_169 = tpu.memref_slice %arg9[%run_scoped3A_155, %dma_wait3A_167, %dma_wait3A_168] : memref<3x80x64xf32, #tpu.memory_space<vmem>> -> memref<1x80x64xf32, #tpu.memory_space<vmem>>
        %dma_wait3A_170 = tpu.memref_squeeze %dma_wait3A_169 : memref<1x80x64xf32, #tpu.memory_space<vmem>> -> memref<80x64xf32, #tpu.memory_space<vmem>>
        %dma_wait3A_171 = arith.constant 0 : i32
        %dma_wait3A_172 = tpu.memref_slice %arg8[%add3A_130, %dma_wait3A_171] : memref<125x80xi32, #tpu.memory_space<vmem>> -> memref<1x80xi32, #tpu.memory_space<vmem>>
        %dma_wait3A_173 = tpu.memref_squeeze %dma_wait3A_172 : memref<1x80xi32, #tpu.memory_space<vmem>> -> memref<80xi32, #tpu.memory_space<vmem>>
        %dma_wait3A_174 = arith.constant 0 : i32
        %dma_wait3A_175 = arith.constant 0 : i32
        %dma_wait3A_176 = tpu.memref_slice %arg10[%dma_wait3A_174, %dma_wait3A_175] : memref<10000x64xf32, #tpu.memory_space<vmem_shared>> -> memref<10000x64xf32, #tpu.memory_space<vmem_shared>>
        tpu.wait_indirect_dma semaphore(%run_scoped3A_156 : memref<!tpu.dma_semaphore, #tpu.memory_space<semaphore_mem>>) src(%dma_wait3A_170 : memref<80x64xf32, #tpu.memory_space<vmem>>) dst(%dma_wait3A_176 : memref<10000x64xf32, #tpu.memory_space<vmem_shared>>)
        tpu.yield
      }) : () -> ()
    }
    %scan3A_36 = arith.constant 41 : i32
    %dma_wait3A = arith.constant 123 : i32
    %dma_wait3A_37 = arith.constant 0 : i32
    %dma_wait3A_38 = arith.constant 0 : i32
    %dma_wait3A_39 = arith.constant 0 : i32
    %dma_wait3A_40 = tpu.memref_slice %arg9[%dma_wait3A_37, %dma_wait3A_38, %dma_wait3A_39] : memref<3x80x64xf32, #tpu.memory_space<vmem>> -> memref<1x80x64xf32, #tpu.memory_space<vmem>>
    %dma_wait3A_41 = tpu.memref_squeeze %dma_wait3A_40 : memref<1x80x64xf32, #tpu.memory_space<vmem>> -> memref<80x64xf32, #tpu.memory_space<vmem>>
    %dma_wait3A_42 = arith.constant 0 : i32
    %dma_wait3A_43 = tpu.memref_slice %arg7[%dma_wait3A, %dma_wait3A_42] : memref<125x80xi32, #tpu.memory_space<vmem>> -> memref<1x80xi32, #tpu.memory_space<vmem>>
    %dma_wait3A_44 = tpu.memref_squeeze %dma_wait3A_43 : memref<1x80xi32, #tpu.memory_space<vmem>> -> memref<80xi32, #tpu.memory_space<vmem>>
    %dma_wait3A_45 = arith.constant 0 : i32
    %dma_wait3A_46 = arith.constant 0 : i32
    %dma_wait3A_47 = tpu.memref_slice %arg2[%dma_wait3A_45, %dma_wait3A_46] : memref<10000x64xf32, #tpu.memory_space<hbm>> -> memref<10000x64xf32, #tpu.memory_space<hbm>>
    tpu.wait_indirect_dma semaphore(%arg11 : memref<!tpu.dma_semaphore, #tpu.memory_space<semaphore_mem>>) src(%dma_wait3A_47 : memref<10000x64xf32, #tpu.memory_space<hbm>>) dst(%dma_wait3A_41 : memref<80x64xf32, #tpu.memory_space<vmem>>)
    %run_scoped3A = arith.constant 0 : i32
    %run_scoped3A_48 = arith.constant 123 : i32
    "tpu.region"() ({
      %run_scoped3A_68 = tpu.sem_alloc : memref<!tpu.dma_semaphore, #tpu.memory_space<semaphore_mem>>
      %dma_start3A_69 = arith.constant 0 : i32
      %dma_start3A_70 = arith.constant 0 : i32
      %dma_start3A_71 = tpu.memref_slice %arg9[%run_scoped3A, %dma_start3A_69, %dma_start3A_70] : memref<3x80x64xf32, #tpu.memory_space<vmem>> -> memref<1x80x64xf32, #tpu.memory_space<vmem>>
      %dma_start3A_72 = tpu.memref_squeeze %dma_start3A_71 : memref<1x80x64xf32, #tpu.memory_space<vmem>> -> memref<80x64xf32, #tpu.memory_space<vmem>>
      %dma_start3A_73 = arith.constant 0 : i32
      %dma_start3A_74 = tpu.memref_slice %arg8[%run_scoped3A_48, %dma_start3A_73] : memref<125x80xi32, #tpu.memory_space<vmem>> -> memref<1x80xi32, #tpu.memory_space<vmem>>
      %dma_start3A_75 = tpu.memref_squeeze %dma_start3A_74 : memref<1x80xi32, #tpu.memory_space<vmem>> -> memref<80xi32, #tpu.memory_space<vmem>>
      %dma_start3A_76 = arith.constant 0 : i32
      %dma_start3A_77 = arith.constant 0 : i32
      %dma_start3A_78 = tpu.memref_slice %arg10[%dma_start3A_76, %dma_start3A_77] : memref<10000x64xf32, #tpu.memory_space<vmem_shared>> -> memref<10000x64xf32, #tpu.memory_space<vmem_shared>>
      tpu.enqueue_indirect_dma source(%dma_start3A_72 : memref<80x64xf32, #tpu.memory_space<vmem>>) target(%dma_start3A_78 : memref<10000x64xf32, #tpu.memory_space<vmem_shared>>) offsets(%dma_start3A_75 : memref<80xi32, #tpu.memory_space<vmem>>) semaphore(%run_scoped3A_68 : memref<!tpu.dma_semaphore, #tpu.memory_space<semaphore_mem>>) {add = true}
      %dma_wait3A_79 = arith.constant 0 : i32
      %dma_wait3A_80 = arith.constant 0 : i32
      %dma_wait3A_81 = tpu.memref_slice %arg9[%run_scoped3A, %dma_wait3A_79, %dma_wait3A_80] : memref<3x80x64xf32, #tpu.memory_space<vmem>> -> memref<1x80x64xf32, #tpu.memory_space<vmem>>
      %dma_wait3A_82 = tpu.memref_squeeze %dma_wait3A_81 : memref<1x80x64xf32, #tpu.memory_space<vmem>> -> memref<80x64xf32, #tpu.memory_space<vmem>>
      %dma_wait3A_83 = arith.constant 0 : i32
      %dma_wait3A_84 = tpu.memref_slice %arg8[%run_scoped3A_48, %dma_wait3A_83] : memref<125x80xi32, #tpu.memory_space<vmem>> -> memref<1x80xi32, #tpu.memory_space<vmem>>
      %dma_wait3A_85 = tpu.memref_squeeze %dma_wait3A_84 : memref<1x80xi32, #tpu.memory_space<vmem>> -> memref<80xi32, #tpu.memory_space<vmem>>
      %dma_wait3A_86 = arith.constant 0 : i32
      %dma_wait3A_87 = arith.constant 0 : i32
      %dma_wait3A_88 = tpu.memref_slice %arg10[%dma_wait3A_86, %dma_wait3A_87] : memref<10000x64xf32, #tpu.memory_space<vmem_shared>> -> memref<10000x64xf32, #tpu.memory_space<vmem_shared>>
      tpu.wait_indirect_dma semaphore(%run_scoped3A_68 : memref<!tpu.dma_semaphore, #tpu.memory_space<semaphore_mem>>) src(%dma_wait3A_82 : memref<80x64xf32, #tpu.memory_space<vmem>>) dst(%dma_wait3A_88 : memref<10000x64xf32, #tpu.memory_space<vmem_shared>>)
      tpu.yield
    }) : () -> ()
    %dma_wait3A_49 = arith.constant 124 : i32
    %dma_wait3A_50 = arith.constant 1 : i32
    %dma_wait3A_51 = arith.constant 0 : i32
    %dma_wait3A_52 = arith.constant 0 : i32
    %dma_wait3A_53 = tpu.memref_slice %arg9[%dma_wait3A_50, %dma_wait3A_51, %dma_wait3A_52] : memref<3x80x64xf32, #tpu.memory_space<vmem>> -> memref<1x80x64xf32, #tpu.memory_space<vmem>>
    %dma_wait3A_54 = tpu.memref_squeeze %dma_wait3A_53 : memref<1x80x64xf32, #tpu.memory_space<vmem>> -> memref<80x64xf32, #tpu.memory_space<vmem>>
    %dma_wait3A_55 = arith.constant 0 : i32
    %dma_wait3A_56 = tpu.memref_slice %arg7[%dma_wait3A_49, %dma_wait3A_55] : memref<125x80xi32, #tpu.memory_space<vmem>> -> memref<1x80xi32, #tpu.memory_space<vmem>>
    %dma_wait3A_57 = tpu.memref_squeeze %dma_wait3A_56 : memref<1x80xi32, #tpu.memory_space<vmem>> -> memref<80xi32, #tpu.memory_space<vmem>>
    %dma_wait3A_58 = arith.constant 0 : i32
    %dma_wait3A_59 = arith.constant 0 : i32
    %dma_wait3A_60 = tpu.memref_slice %arg2[%dma_wait3A_58, %dma_wait3A_59] : memref<10000x64xf32, #tpu.memory_space<hbm>> -> memref<10000x64xf32, #tpu.memory_space<hbm>>
    tpu.wait_indirect_dma semaphore(%arg12 : memref<!tpu.dma_semaphore, #tpu.memory_space<semaphore_mem>>) src(%dma_wait3A_60 : memref<10000x64xf32, #tpu.memory_space<hbm>>) dst(%dma_wait3A_54 : memref<80x64xf32, #tpu.memory_space<vmem>>)
    %run_scoped3A_61 = arith.constant 1 : i32
    %run_scoped3A_62 = arith.constant 124 : i32
    "tpu.region"() ({
      %run_scoped3A_68 = tpu.sem_alloc : memref<!tpu.dma_semaphore, #tpu.memory_space<semaphore_mem>>
      %dma_start3A_69 = arith.constant 0 : i32
      %dma_start3A_70 = arith.constant 0 : i32
      %dma_start3A_71 = tpu.memref_slice %arg9[%run_scoped3A_61, %dma_start3A_69, %dma_start3A_70] : memref<3x80x64xf32, #tpu.memory_space<vmem>> -> memref<1x80x64xf32, #tpu.memory_space<vmem>>
      %dma_start3A_72 = tpu.memref_squeeze %dma_start3A_71 : memref<1x80x64xf32, #tpu.memory_space<vmem>> -> memref<80x64xf32, #tpu.memory_space<vmem>>
      %dma_start3A_73 = arith.constant 0 : i32
      %dma_start3A_74 = tpu.memref_slice %arg8[%run_scoped3A_62, %dma_start3A_73] : memref<125x80xi32, #tpu.memory_space<vmem>> -> memref<1x80xi32, #tpu.memory_space<vmem>>
      %dma_start3A_75 = tpu.memref_squeeze %dma_start3A_74 : memref<1x80xi32, #tpu.memory_space<vmem>> -> memref<80xi32, #tpu.memory_space<vmem>>
      %dma_start3A_76 = arith.constant 0 : i32
      %dma_start3A_77 = arith.constant 0 : i32
      %dma_start3A_78 = tpu.memref_slice %arg10[%dma_start3A_76, %dma_start3A_77] : memref<10000x64xf32, #tpu.memory_space<vmem_shared>> -> memref<10000x64xf32, #tpu.memory_space<vmem_shared>>
      tpu.enqueue_indirect_dma source(%dma_start3A_72 : memref<80x64xf32, #tpu.memory_space<vmem>>) target(%dma_start3A_78 : memref<10000x64xf32, #tpu.memory_space<vmem_shared>>) offsets(%dma_start3A_75 : memref<80xi32, #tpu.memory_space<vmem>>) semaphore(%run_scoped3A_68 : memref<!tpu.dma_semaphore, #tpu.memory_space<semaphore_mem>>) {add = true}
      %dma_wait3A_79 = arith.constant 0 : i32
      %dma_wait3A_80 = arith.constant 0 : i32
      %dma_wait3A_81 = tpu.memref_slice %arg9[%run_scoped3A_61, %dma_wait3A_79, %dma_wait3A_80] : memref<3x80x64xf32, #tpu.memory_space<vmem>> -> memref<1x80x64xf32, #tpu.memory_space<vmem>>
      %dma_wait3A_82 = tpu.memref_squeeze %dma_wait3A_81 : memref<1x80x64xf32, #tpu.memory_space<vmem>> -> memref<80x64xf32, #tpu.memory_space<vmem>>
      %dma_wait3A_83 = arith.constant 0 : i32
      %dma_wait3A_84 = tpu.memref_slice %arg8[%run_scoped3A_62, %dma_wait3A_83] : memref<125x80xi32, #tpu.memory_space<vmem>> -> memref<1x80xi32, #tpu.memory_space<vmem>>
      %dma_wait3A_85 = tpu.memref_squeeze %dma_wait3A_84 : memref<1x80xi32, #tpu.memory_space<vmem>> -> memref<80xi32, #tpu.memory_space<vmem>>
      %dma_wait3A_86 = arith.constant 0 : i32
      %dma_wait3A_87 = arith.constant 0 : i32
      %dma_wait3A_88 = tpu.memref_slice %arg10[%dma_wait3A_86, %dma_wait3A_87] : memref<10000x64xf32, #tpu.memory_space<vmem_shared>> -> memref<10000x64xf32, #tpu.memory_space<vmem_shared>>
      tpu.wait_indirect_dma semaphore(%run_scoped3A_68 : memref<!tpu.dma_semaphore, #tpu.memory_space<semaphore_mem>>) src(%dma_wait3A_82 : memref<80x64xf32, #tpu.memory_space<vmem>>) dst(%dma_wait3A_88 : memref<10000x64xf32, #tpu.memory_space<vmem_shared>>)
      tpu.yield
    }) : () -> ()
    %barrier3A_63 = arith.constant 0 : index
    tpu.barrier barrier_id(%barrier3A_63)
    %mul3A_64 = arith.constant 625 : i32
    %mul3A_65 = arith.muli %arg1, %mul3A_64 : i32
    %mul3A_66 = arith.constant 625 : i32
    %mul3A_67 = arith.muli %arg1, %mul3A_66 : i32
    "tpu.region"() ({
      %run_scoped3A_68 = tpu.sem_alloc : memref<!tpu.dma_semaphore, #tpu.memory_space<semaphore_mem>>
      %dma_start3A_69 = arith.constant 0 : i32
      %dma_start3A_70 = tpu.memref_slice %arg6[%arg0, %mul3A_67, %dma_start3A_69] : memref<2x10000x64xf32, #tpu.memory_space<hbm>> -> memref<1x625x64xf32, #tpu.memory_space<hbm>>
      %dma_start3A_71 = tpu.memref_squeeze %dma_start3A_70 : memref<1x625x64xf32, #tpu.memory_space<hbm>> -> memref<625x64xf32, #tpu.memory_space<hbm>>
      %dma_start3A_72 = arith.constant 0 : i32
      %dma_start3A_73 = tpu.memref_slice %arg10[%mul3A_65, %dma_start3A_72] : memref<10000x64xf32, #tpu.memory_space<vmem_shared>> -> memref<625x64xf32, #tpu.memory_space<vmem_shared>>
      tpu.enqueue_dma source(%dma_start3A_73 : memref<625x64xf32, #tpu.memory_space<vmem_shared>>) target(%dma_start3A_71 : memref<625x64xf32, #tpu.memory_space<hbm>>) target_semaphore(%run_scoped3A_68 : memref<!tpu.dma_semaphore, #tpu.memory_space<semaphore_mem>>)
      %dma_wait3A_74 = arith.constant 0 : i32
      %dma_wait3A_75 = tpu.memref_slice %arg6[%arg0, %mul3A_67, %dma_wait3A_74] : memref<2x10000x64xf32, #tpu.memory_space<hbm>> -> memref<1x625x64xf32, #tpu.memory_space<hbm>>
      %dma_wait3A_76 = tpu.memref_squeeze %dma_wait3A_75 : memref<1x625x64xf32, #tpu.memory_space<hbm>> -> memref<625x64xf32, #tpu.memory_space<hbm>>
      %dma_wait3A_77 = arith.constant 0 : i32
      %dma_wait3A_78 = tpu.memref_slice %arg10[%mul3A_65, %dma_wait3A_77] : memref<10000x64xf32, #tpu.memory_space<vmem_shared>> -> memref<625x64xf32, #tpu.memory_space<vmem_shared>>
      tpu.wait_dma2 semaphore(%run_scoped3A_68 : memref<!tpu.dma_semaphore, #tpu.memory_space<semaphore_mem>>) src(%dma_wait3A_78 : memref<625x64xf32, #tpu.memory_space<vmem_shared>>) dst(%dma_wait3A_76 : memref<625x64xf32, #tpu.memory_space<hbm>>)
      tpu.yield
    }) : () -> ()
    return
  }
}

#map = affine_map<(d0, d1) -> (0, 0)>
#map1 = affine_map<(d0, d1) -> (0, 0, 0)>
module attributes {stable_mosaic.version = 14 : i64} {
  func.func @seg_gather(%arg0: i32, %arg1: i32, %arg2: memref<10000x64xf32, #tpu.memory_space<hbm>>, %arg3: memref<4000x80xi32, #tpu.memory_space<hbm>>, %arg4: memref<4000x80xi32, #tpu.memory_space<hbm>>, %arg5: memref<10000x64xf32, #tpu.memory_space<hbm>>, %arg6: memref<2x10000x64xf32, #tpu.memory_space<hbm>>, %arg7: memref<125x80xi32, #tpu.memory_space<vmem>>, %arg8: memref<125x80xi32, #tpu.memory_space<vmem>>, %arg9: memref<3x80x64xf32, #tpu.memory_space<vmem>>, %arg10: memref<10000x64xf32, #tpu.memory_space<vmem_shared>>, %arg11: memref<!tpu.dma_semaphore, #tpu.memory_space<semaphore_mem>>, %arg12: memref<!tpu.dma_semaphore, #tpu.memory_space<semaphore_mem>>, %arg13: memref<!tpu.dma_semaphore, #tpu.memory_space<semaphore_mem>>) attributes {dimension_semantics = [#tpu.dimension_semantics<core_parallel>, #tpu.dimension_semantics<subcore_parallel>], iteration_bounds = array<i64: 2, 16>, scalar_prefetch = 0 : i64, scratch_operands = 7 : i64, tpu.core_type = #tpu.core_type<sc_vector_subcore>, window_params = [{transform_indices = #map}, {transform_indices = #map}, {transform_indices = #map}, {transform_indices = #map}, {transform_indices = #map1}]} {
    %mul3A = arith.constant 16 : i32
    %mul3A_0 = arith.muli %arg0, %mul3A : i32
    %add3A = arith.addi %mul3A_0, %arg1 : i32
    %mul3A_1 = arith.constant 625 : i32
    %mul3A_2 = arith.muli %arg1, %mul3A_1 : i32
    %mul3A_3 = arith.constant 625 : i32
    %mul3A_4 = arith.muli %arg1, %mul3A_3 : i32
    "tpu.region"() ({
      %run_scoped3A_68 = tpu.sem_alloc : memref<!tpu.dma_semaphore, #tpu.memory_space<semaphore_mem>>
      %dma_start3A_69 = arith.constant 0 : i32
      %dma_start3A_70 = tpu.memref_slice %arg10[%mul3A_4, %dma_start3A_69] : memref<10000x64xf32, #tpu.memory_space<vmem_shared>> -> memref<625x64xf32, #tpu.memory_space<vmem_shared>>
      %dma_start3A_71 = arith.constant 0 : i32
      %dma_start3A_72 = tpu.memref_slice %arg5[%mul3A_2, %dma_start3A_71] : memref<10000x64xf32, #tpu.memory_space<hbm>> -> memref<625x64xf32, #tpu.memory_space<hbm>>
      tpu.enqueue_dma source(%dma_start3A_72 : memref<625x64xf32, #tpu.memory_space<hbm>>) target(%dma_start3A_70 : memref<625x64xf32, #tpu.memory_space<vmem_shared>>) target_semaphore(%run_scoped3A_68 : memref<!tpu.dma_semaphore, #tpu.memory_space<semaphore_mem>>)
      %dma_wait3A_73 = arith.constant 0 : i32
      %dma_wait3A_74 = tpu.memref_slice %arg10[%mul3A_4, %dma_wait3A_73] : memref<10000x64xf32, #tpu.memory_space<vmem_shared>> -> memref<625x64xf32, #tpu.memory_space<vmem_shared>>
      %dma_wait3A_75 = arith.constant 0 : i32
      %dma_wait3A_76 = tpu.memref_slice %arg5[%mul3A_2, %dma_wait3A_75] : memref<10000x64xf32, #tpu.memory_space<hbm>> -> memref<625x64xf32, #tpu.memory_space<hbm>>
      tpu.wait_dma2 semaphore(%run_scoped3A_68 : memref<!tpu.dma_semaphore, #tpu.memory_space<semaphore_mem>>) src(%dma_wait3A_76 : memref<625x64xf32, #tpu.memory_space<hbm>>) dst(%dma_wait3A_74 : memref<625x64xf32, #tpu.memory_space<vmem_shared>>)
      tpu.yield
    }) : () -> ()
    %mul3A_5 = arith.constant 125 : i32
    %mul3A_6 = arith.muli %add3A, %mul3A_5 : i32
    "tpu.region"() ({
      %run_scoped3A_68 = tpu.sem_alloc : memref<!tpu.dma_semaphore, #tpu.memory_space<semaphore_mem>>
      %dma_start3A_69 = arith.constant 0 : i32
      %dma_start3A_70 = tpu.memref_slice %arg3[%mul3A_6, %dma_start3A_69] : memref<4000x80xi32, #tpu.memory_space<hbm>> -> memref<125x80xi32, #tpu.memory_space<hbm>>
      %dma_start3A_71 = arith.constant 0 : i32
      %dma_start3A_72 = tpu.memref_slice %arg3[%mul3A_6, %dma_start3A_71] : memref<4000x80xi32, #tpu.memory_space<hbm>> -> memref<125x80xi32, #tpu.memory_space<hbm>>
      tpu.enqueue_dma source(%dma_start3A_72 : memref<125x80xi32, #tpu.memory_space<hbm>>) target(%arg7 : memref<125x80xi32, #tpu.memory_space<vmem>>) target_semaphore(%run_scoped3A_68 : memref<!tpu.dma_semaphore, #tpu.memory_space<semaphore_mem>>)
      %dma_wait3A_73 = arith.constant 0 : i32
      %dma_wait3A_74 = tpu.memref_slice %arg3[%mul3A_6, %dma_wait3A_73] : memref<4000x80xi32, #tpu.memory_space<hbm>> -> memref<125x80xi32, #tpu.memory_space<hbm>>
      %dma_wait3A_75 = arith.constant 0 : i32
      %dma_wait3A_76 = tpu.memref_slice %arg3[%mul3A_6, %dma_wait3A_75] : memref<4000x80xi32, #tpu.memory_space<hbm>> -> memref<125x80xi32, #tpu.memory_space<hbm>>
      tpu.wait_dma2 semaphore(%run_scoped3A_68 : memref<!tpu.dma_semaphore, #tpu.memory_space<semaphore_mem>>) src(%dma_wait3A_76 : memref<125x80xi32, #tpu.memory_space<hbm>>) dst(%arg7 : memref<125x80xi32, #tpu.memory_space<vmem>>)
      tpu.yield
    }) : () -> ()
    %mul3A_7 = arith.constant 125 : i32
    %mul3A_8 = arith.muli %add3A, %mul3A_7 : i32
    "tpu.region"() ({
      %run_scoped3A_68 = tpu.sem_alloc : memref<!tpu.dma_semaphore, #tpu.memory_space<semaphore_mem>>
      %dma_start3A_69 = arith.constant 0 : i32
      %dma_start3A_70 = tpu.memref_slice %arg4[%mul3A_8, %dma_start3A_69] : memref<4000x80xi32, #tpu.memory_space<hbm>> -> memref<125x80xi32, #tpu.memory_space<hbm>>
      %dma_start3A_71 = arith.constant 0 : i32
      %dma_start3A_72 = tpu.memref_slice %arg4[%mul3A_8, %dma_start3A_71] : memref<4000x80xi32, #tpu.memory_space<hbm>> -> memref<125x80xi32, #tpu.memory_space<hbm>>
      tpu.enqueue_dma source(%dma_start3A_72 : memref<125x80xi32, #tpu.memory_space<hbm>>) target(%arg8 : memref<125x80xi32, #tpu.memory_space<vmem>>) target_semaphore(%run_scoped3A_68 : memref<!tpu.dma_semaphore, #tpu.memory_space<semaphore_mem>>)
      %dma_wait3A_73 = arith.constant 0 : i32
      %dma_wait3A_74 = tpu.memref_slice %arg4[%mul3A_8, %dma_wait3A_73] : memref<4000x80xi32, #tpu.memory_space<hbm>> -> memref<125x80xi32, #tpu.memory_space<hbm>>
      %dma_wait3A_75 = arith.constant 0 : i32
      %dma_wait3A_76 = tpu.memref_slice %arg4[%mul3A_8, %dma_wait3A_75] : memref<4000x80xi32, #tpu.memory_space<hbm>> -> memref<125x80xi32, #tpu.memory_space<hbm>>
      tpu.wait_dma2 semaphore(%run_scoped3A_68 : memref<!tpu.dma_semaphore, #tpu.memory_space<semaphore_mem>>) src(%dma_wait3A_76 : memref<125x80xi32, #tpu.memory_space<hbm>>) dst(%arg8 : memref<125x80xi32, #tpu.memory_space<vmem>>)
      tpu.yield
    }) : () -> ()
    %barrier3A = arith.constant 0 : index
    tpu.barrier barrier_id(%barrier3A)
    %dma_start3A = arith.constant 0 : i32
    %dma_start3A_9 = arith.constant 0 : i32
    %dma_start3A_10 = arith.constant 0 : i32
    %dma_start3A_11 = arith.constant 0 : i32
    %dma_start3A_12 = tpu.memref_slice %arg9[%dma_start3A_9, %dma_start3A_10, %dma_start3A_11] : memref<3x80x64xf32, #tpu.memory_space<vmem>> -> memref<1x80x64xf32, #tpu.memory_space<vmem>>
    %dma_start3A_13 = tpu.memref_squeeze %dma_start3A_12 : memref<1x80x64xf32, #tpu.memory_space<vmem>> -> memref<80x64xf32, #tpu.memory_space<vmem>>
    %dma_start3A_14 = arith.constant 0 : i32
    %dma_start3A_15 = tpu.memref_slice %arg7[%dma_start3A, %dma_start3A_14] : memref<125x80xi32, #tpu.memory_space<vmem>> -> memref<1x80xi32, #tpu.memory_space<vmem>>
    %dma_start3A_16 = tpu.memref_squeeze %dma_start3A_15 : memref<1x80xi32, #tpu.memory_space<vmem>> -> memref<80xi32, #tpu.memory_space<vmem>>
    %dma_start3A_17 = arith.constant 0 : i32
    %dma_start3A_18 = arith.constant 0 : i32
    %dma_start3A_19 = tpu.memref_slice %arg2[%dma_start3A_17, %dma_start3A_18] : memref<10000x64xf32, #tpu.memory_space<hbm>> -> memref<10000x64xf32, #tpu.memory_space<hbm>>
    tpu.enqueue_indirect_dma source(%dma_start3A_19 : memref<10000x64xf32, #tpu.memory_space<hbm>>) target(%dma_start3A_13 : memref<80x64xf32, #tpu.memory_space<vmem>>) offsets(%dma_start3A_16 : memref<80xi32, #tpu.memory_space<vmem>>) semaphore(%arg11 : memref<!tpu.dma_semaphore, #tpu.memory_space<semaphore_mem>>)
    %dma_start3A_20 = arith.constant 1 : i32
    %dma_start3A_21 = arith.constant 1 : i32
    %dma_start3A_22 = arith.constant 0 : i32
    %dma_start3A_23 = arith.constant 0 : i32
    %dma_start3A_24 = tpu.memref_slice %arg9[%dma_start3A_21, %dma_start3A_22, %dma_start3A_23] : memref<3x80x64xf32, #tpu.memory_space<vmem>> -> memref<1x80x64xf32, #tpu.memory_space<vmem>>
    %dma_start3A_25 = tpu.memref_squeeze %dma_start3A_24 : memref<1x80x64xf32, #tpu.memory_space<vmem>> -> memref<80x64xf32, #tpu.memory_space<vmem>>
    %dma_start3A_26 = arith.constant 0 : i32
    %dma_start3A_27 = tpu.memref_slice %arg7[%dma_start3A_20, %dma_start3A_26] : memref<125x80xi32, #tpu.memory_space<vmem>> -> memref<1x80xi32, #tpu.memory_space<vmem>>
    %dma_start3A_28 = tpu.memref_squeeze %dma_start3A_27 : memref<1x80xi32, #tpu.memory_space<vmem>> -> memref<80xi32, #tpu.memory_space<vmem>>
    %dma_start3A_29 = arith.constant 0 : i32
    %dma_start3A_30 = arith.constant 0 : i32
    %dma_start3A_31 = tpu.memref_slice %arg2[%dma_start3A_29, %dma_start3A_30] : memref<10000x64xf32, #tpu.memory_space<hbm>> -> memref<10000x64xf32, #tpu.memory_space<hbm>>
    tpu.enqueue_indirect_dma source(%dma_start3A_31 : memref<10000x64xf32, #tpu.memory_space<hbm>>) target(%dma_start3A_25 : memref<80x64xf32, #tpu.memory_space<vmem>>) offsets(%dma_start3A_28 : memref<80xi32, #tpu.memory_space<vmem>>) semaphore(%arg12 : memref<!tpu.dma_semaphore, #tpu.memory_space<semaphore_mem>>)
    %scan3A = arith.constant 0 : i32
    %scan3A_32 = arith.constant 0 : i32
    %scan3A_33 = arith.constant 41 : i32
    %scan3A_34 = arith.addi %scan3A_32, %scan3A_33 : i32
    %scan3A_35 = arith.constant 1 : i32
    scf.for %scan3A_68 = %scan3A_32 to %scan3A_34 step %scan3A_35  : i32 {
      %mul3A_69 = arith.constant 3 : i32
      %mul3A_70 = arith.muli %scan3A_68, %mul3A_69 : i32
      %add3A_71 = arith.constant 0 : i32
      %add3A_72 = arith.addi %mul3A_70, %add3A_71 : i32
      %add3A_73 = arith.constant 2 : i32
      %add3A_74 = arith.addi %add3A_72, %add3A_73 : i32
      %dma_start3A_75 = arith.constant 2 : i32
      %dma_start3A_76 = arith.constant 0 : i32
      %dma_start3A_77 = arith.constant 0 : i32
      %dma_start3A_78 = tpu.memref_slice %arg9[%dma_start3A_75, %dma_start3A_76, %dma_start3A_77] : memref<3x80x64xf32, #tpu.memory_space<vmem>> -> memref<1x80x64xf32, #tpu.memory_space<vmem>>
      %dma_start3A_79 = tpu.memref_squeeze %dma_start3A_78 : memref<1x80x64xf32, #tpu.memory_space<vmem>> -> memref<80x64xf32, #tpu.memory_space<vmem>>
      %dma_start3A_80 = arith.constant 0 : i32
      %dma_start3A_81 = tpu.memref_slice %arg7[%add3A_74, %dma_start3A_80] : memref<125x80xi32, #tpu.memory_space<vmem>> -> memref<1x80xi32, #tpu.memory_space<vmem>>
      %dma_start3A_82 = tpu.memref_squeeze %dma_start3A_81 : memref<1x80xi32, #tpu.memory_space<vmem>> -> memref<80xi32, #tpu.memory_space<vmem>>
      %dma_start3A_83 = arith.constant 0 : i32
      %dma_start3A_84 = arith.constant 0 : i32
      %dma_start3A_85 = tpu.memref_slice %arg2[%dma_start3A_83, %dma_start3A_84] : memref<10000x64xf32, #tpu.memory_space<hbm>> -> memref<10000x64xf32, #tpu.memory_space<hbm>>
      tpu.enqueue_indirect_dma source(%dma_start3A_85 : memref<10000x64xf32, #tpu.memory_space<hbm>>) target(%dma_start3A_79 : memref<80x64xf32, #tpu.memory_space<vmem>>) offsets(%dma_start3A_82 : memref<80xi32, #tpu.memory_space<vmem>>) semaphore(%arg13 : memref<!tpu.dma_semaphore, #tpu.memory_space<semaphore_mem>>)
      %dma_wait3A_86 = arith.constant 0 : i32
      %dma_wait3A_87 = arith.constant 0 : i32
      %dma_wait3A_88 = arith.constant 0 : i32
      %dma_wait3A_89 = tpu.memref_slice %arg9[%dma_wait3A_86, %dma_wait3A_87, %dma_wait3A_88] : memref<3x80x64xf32, #tpu.memory_space<vmem>> -> memref<1x80x64xf32, #tpu.memory_space<vmem>>
      %dma_wait3A_90 = tpu.memref_squeeze %dma_wait3A_89 : memref<1x80x64xf32, #tpu.memory_space<vmem>> -> memref<80x64xf32, #tpu.memory_space<vmem>>
      %dma_wait3A_91 = arith.constant 0 : i32
      %dma_wait3A_92 = tpu.memref_slice %arg7[%add3A_72, %dma_wait3A_91] : memref<125x80xi32, #tpu.memory_space<vmem>> -> memref<1x80xi32, #tpu.memory_space<vmem>>
      %dma_wait3A_93 = tpu.memref_squeeze %dma_wait3A_92 : memref<1x80xi32, #tpu.memory_space<vmem>> -> memref<80xi32, #tpu.memory_space<vmem>>
      %dma_wait3A_94 = arith.constant 0 : i32
      %dma_wait3A_95 = arith.constant 0 : i32
      %dma_wait3A_96 = tpu.memref_slice %arg2[%dma_wait3A_94, %dma_wait3A_95] : memref<10000x64xf32, #tpu.memory_space<hbm>> -> memref<10000x64xf32, #tpu.memory_space<hbm>>
      tpu.wait_indirect_dma semaphore(%arg11 : memref<!tpu.dma_semaphore, #tpu.memory_space<semaphore_mem>>) src(%dma_wait3A_96 : memref<10000x64xf32, #tpu.memory_space<hbm>>) dst(%dma_wait3A_90 : memref<80x64xf32, #tpu.memory_space<vmem>>)
      %run_scoped3A_97 = arith.constant 0 : i32
      "tpu.region"() ({
        %run_scoped3A_156 = tpu.sem_alloc : memref<!tpu.dma_semaphore, #tpu.memory_space<semaphore_mem>>
        %dma_start3A_157 = arith.constant 0 : i32
        %dma_start3A_158 = arith.constant 0 : i32
        %dma_start3A_159 = tpu.memref_slice %arg9[%run_scoped3A_97, %dma_start3A_157, %dma_start3A_158] : memref<3x80x64xf32, #tpu.memory_space<vmem>> -> memref<1x80x64xf32, #tpu.memory_space<vmem>>
        %dma_start3A_160 = tpu.memref_squeeze %dma_start3A_159 : memref<1x80x64xf32, #tpu.memory_space<vmem>> -> memref<80x64xf32, #tpu.memory_space<vmem>>
        %dma_start3A_161 = arith.constant 0 : i32
        %dma_start3A_162 = tpu.memref_slice %arg8[%add3A_72, %dma_start3A_161] : memref<125x80xi32, #tpu.memory_space<vmem>> -> memref<1x80xi32, #tpu.memory_space<vmem>>
        %dma_start3A_163 = tpu.memref_squeeze %dma_start3A_162 : memref<1x80xi32, #tpu.memory_space<vmem>> -> memref<80xi32, #tpu.memory_space<vmem>>
        %dma_start3A_164 = arith.constant 0 : i32
        %dma_start3A_165 = arith.constant 0 : i32
        %dma_start3A_166 = tpu.memref_slice %arg10[%dma_start3A_164, %dma_start3A_165] : memref<10000x64xf32, #tpu.memory_space<vmem_shared>> -> memref<10000x64xf32, #tpu.memory_space<vmem_shared>>
        tpu.enqueue_indirect_dma source(%dma_start3A_160 : memref<80x64xf32, #tpu.memory_space<vmem>>) target(%dma_start3A_166 : memref<10000x64xf32, #tpu.memory_space<vmem_shared>>) offsets(%dma_start3A_163 : memref<80xi32, #tpu.memory_space<vmem>>) semaphore(%run_scoped3A_156 : memref<!tpu.dma_semaphore, #tpu.memory_space<semaphore_mem>>) {add = true}
        %dma_wait3A_167 = arith.constant 0 : i32
        %dma_wait3A_168 = arith.constant 0 : i32
        %dma_wait3A_169 = tpu.memref_slice %arg9[%run_scoped3A_97, %dma_wait3A_167, %dma_wait3A_168] : memref<3x80x64xf32, #tpu.memory_space<vmem>> -> memref<1x80x64xf32, #tpu.memory_space<vmem>>
        %dma_wait3A_170 = tpu.memref_squeeze %dma_wait3A_169 : memref<1x80x64xf32, #tpu.memory_space<vmem>> -> memref<80x64xf32, #tpu.memory_space<vmem>>
        %dma_wait3A_171 = arith.constant 0 : i32
        %dma_wait3A_172 = tpu.memref_slice %arg8[%add3A_72, %dma_wait3A_171] : memref<125x80xi32, #tpu.memory_space<vmem>> -> memref<1x80xi32, #tpu.memory_space<vmem>>
        %dma_wait3A_173 = tpu.memref_squeeze %dma_wait3A_172 : memref<1x80xi32, #tpu.memory_space<vmem>> -> memref<80xi32, #tpu.memory_space<vmem>>
        %dma_wait3A_174 = arith.constant 0 : i32
        %dma_wait3A_175 = arith.constant 0 : i32
        %dma_wait3A_176 = tpu.memref_slice %arg10[%dma_wait3A_174, %dma_wait3A_175] : memref<10000x64xf32, #tpu.memory_space<vmem_shared>> -> memref<10000x64xf32, #tpu.memory_space<vmem_shared>>
        tpu.wait_indirect_dma semaphore(%run_scoped3A_156 : memref<!tpu.dma_semaphore, #tpu.memory_space<semaphore_mem>>) src(%dma_wait3A_170 : memref<80x64xf32, #tpu.memory_space<vmem>>) dst(%dma_wait3A_176 : memref<10000x64xf32, #tpu.memory_space<vmem_shared>>)
        tpu.yield
      }) : () -> ()
      %mul3A_98 = arith.constant 3 : i32
      %mul3A_99 = arith.muli %scan3A_68, %mul3A_98 : i32
      %add3A_100 = arith.constant 1 : i32
      %add3A_101 = arith.addi %mul3A_99, %add3A_100 : i32
      %add3A_102 = arith.constant 2 : i32
      %add3A_103 = arith.addi %add3A_101, %add3A_102 : i32
      %dma_start3A_104 = arith.constant 0 : i32
      %dma_start3A_105 = arith.constant 0 : i32
      %dma_start3A_106 = arith.constant 0 : i32
      %dma_start3A_107 = tpu.memref_slice %arg9[%dma_start3A_104, %dma_start3A_105, %dma_start3A_106] : memref<3x80x64xf32, #tpu.memory_space<vmem>> -> memref<1x80x64xf32, #tpu.memory_space<vmem>>
      %dma_start3A_108 = tpu.memref_squeeze %dma_start3A_107 : memref<1x80x64xf32, #tpu.memory_space<vmem>> -> memref<80x64xf32, #tpu.memory_space<vmem>>
      %dma_start3A_109 = arith.constant 0 : i32
      %dma_start3A_110 = tpu.memref_slice %arg7[%add3A_103, %dma_start3A_109] : memref<125x80xi32, #tpu.memory_space<vmem>> -> memref<1x80xi32, #tpu.memory_space<vmem>>
      %dma_start3A_111 = tpu.memref_squeeze %dma_start3A_110 : memref<1x80xi32, #tpu.memory_space<vmem>> -> memref<80xi32, #tpu.memory_space<vmem>>
      %dma_start3A_112 = arith.constant 0 : i32
      %dma_start3A_113 = arith.constant 0 : i32
      %dma_start3A_114 = tpu.memref_slice %arg2[%dma_start3A_112, %dma_start3A_113] : memref<10000x64xf32, #tpu.memory_space<hbm>> -> memref<10000x64xf32, #tpu.memory_space<hbm>>
      tpu.enqueue_indirect_dma source(%dma_start3A_114 : memref<10000x64xf32, #tpu.memory_space<hbm>>) target(%dma_start3A_108 : memref<80x64xf32, #tpu.memory_space<vmem>>) offsets(%dma_start3A_111 : memref<80xi32, #tpu.memory_space<vmem>>) semaphore(%arg11 : memref<!tpu.dma_semaphore, #tpu.memory_space<semaphore_mem>>)
      %dma_wait3A_115 = arith.constant 1 : i32
      %dma_wait3A_116 = arith.constant 0 : i32
      %dma_wait3A_117 = arith.constant 0 : i32
      %dma_wait3A_118 = tpu.memref_slice %arg9[%dma_wait3A_115, %dma_wait3A_116, %dma_wait3A_117] : memref<3x80x64xf32, #tpu.memory_space<vmem>> -> memref<1x80x64xf32, #tpu.memory_space<vmem>>
      %dma_wait3A_119 = tpu.memref_squeeze %dma_wait3A_118 : memref<1x80x64xf32, #tpu.memory_space<vmem>> -> memref<80x64xf32, #tpu.memory_space<vmem>>
      %dma_wait3A_120 = arith.constant 0 : i32
      %dma_wait3A_121 = tpu.memref_slice %arg7[%add3A_101, %dma_wait3A_120] : memref<125x80xi32, #tpu.memory_space<vmem>> -> memref<1x80xi32, #tpu.memory_space<vmem>>
      %dma_wait3A_122 = tpu.memref_squeeze %dma_wait3A_121 : memref<1x80xi32, #tpu.memory_space<vmem>> -> memref<80xi32, #tpu.memory_space<vmem>>
      %dma_wait3A_123 = arith.constant 0 : i32
      %dma_wait3A_124 = arith.constant 0 : i32
      %dma_wait3A_125 = tpu.memref_slice %arg2[%dma_wait3A_123, %dma_wait3A_124] : memref<10000x64xf32, #tpu.memory_space<hbm>> -> memref<10000x64xf32, #tpu.memory_space<hbm>>
      tpu.wait_indirect_dma semaphore(%arg12 : memref<!tpu.dma_semaphore, #tpu.memory_space<semaphore_mem>>) src(%dma_wait3A_125 : memref<10000x64xf32, #tpu.memory_space<hbm>>) dst(%dma_wait3A_119 : memref<80x64xf32, #tpu.memory_space<vmem>>)
      %run_scoped3A_126 = arith.constant 1 : i32
      "tpu.region"() ({
        %run_scoped3A_156 = tpu.sem_alloc : memref<!tpu.dma_semaphore, #tpu.memory_space<semaphore_mem>>
        %dma_start3A_157 = arith.constant 0 : i32
        %dma_start3A_158 = arith.constant 0 : i32
        %dma_start3A_159 = tpu.memref_slice %arg9[%run_scoped3A_126, %dma_start3A_157, %dma_start3A_158] : memref<3x80x64xf32, #tpu.memory_space<vmem>> -> memref<1x80x64xf32, #tpu.memory_space<vmem>>
        %dma_start3A_160 = tpu.memref_squeeze %dma_start3A_159 : memref<1x80x64xf32, #tpu.memory_space<vmem>> -> memref<80x64xf32, #tpu.memory_space<vmem>>
        %dma_start3A_161 = arith.constant 0 : i32
        %dma_start3A_162 = tpu.memref_slice %arg8[%add3A_101, %dma_start3A_161] : memref<125x80xi32, #tpu.memory_space<vmem>> -> memref<1x80xi32, #tpu.memory_space<vmem>>
        %dma_start3A_163 = tpu.memref_squeeze %dma_start3A_162 : memref<1x80xi32, #tpu.memory_space<vmem>> -> memref<80xi32, #tpu.memory_space<vmem>>
        %dma_start3A_164 = arith.constant 0 : i32
        %dma_start3A_165 = arith.constant 0 : i32
        %dma_start3A_166 = tpu.memref_slice %arg10[%dma_start3A_164, %dma_start3A_165] : memref<10000x64xf32, #tpu.memory_space<vmem_shared>> -> memref<10000x64xf32, #tpu.memory_space<vmem_shared>>
        tpu.enqueue_indirect_dma source(%dma_start3A_160 : memref<80x64xf32, #tpu.memory_space<vmem>>) target(%dma_start3A_166 : memref<10000x64xf32, #tpu.memory_space<vmem_shared>>) offsets(%dma_start3A_163 : memref<80xi32, #tpu.memory_space<vmem>>) semaphore(%run_scoped3A_156 : memref<!tpu.dma_semaphore, #tpu.memory_space<semaphore_mem>>) {add = true}
        %dma_wait3A_167 = arith.constant 0 : i32
        %dma_wait3A_168 = arith.constant 0 : i32
        %dma_wait3A_169 = tpu.memref_slice %arg9[%run_scoped3A_126, %dma_wait3A_167, %dma_wait3A_168] : memref<3x80x64xf32, #tpu.memory_space<vmem>> -> memref<1x80x64xf32, #tpu.memory_space<vmem>>
        %dma_wait3A_170 = tpu.memref_squeeze %dma_wait3A_169 : memref<1x80x64xf32, #tpu.memory_space<vmem>> -> memref<80x64xf32, #tpu.memory_space<vmem>>
        %dma_wait3A_171 = arith.constant 0 : i32
        %dma_wait3A_172 = tpu.memref_slice %arg8[%add3A_101, %dma_wait3A_171] : memref<125x80xi32, #tpu.memory_space<vmem>> -> memref<1x80xi32, #tpu.memory_space<vmem>>
        %dma_wait3A_173 = tpu.memref_squeeze %dma_wait3A_172 : memref<1x80xi32, #tpu.memory_space<vmem>> -> memref<80xi32, #tpu.memory_space<vmem>>
        %dma_wait3A_174 = arith.constant 0 : i32
        %dma_wait3A_175 = arith.constant 0 : i32
        %dma_wait3A_176 = tpu.memref_slice %arg10[%dma_wait3A_174, %dma_wait3A_175] : memref<10000x64xf32, #tpu.memory_space<vmem_shared>> -> memref<10000x64xf32, #tpu.memory_space<vmem_shared>>
        tpu.wait_indirect_dma semaphore(%run_scoped3A_156 : memref<!tpu.dma_semaphore, #tpu.memory_space<semaphore_mem>>) src(%dma_wait3A_170 : memref<80x64xf32, #tpu.memory_space<vmem>>) dst(%dma_wait3A_176 : memref<10000x64xf32, #tpu.memory_space<vmem_shared>>)
        tpu.yield
      }) : () -> ()
      %mul3A_127 = arith.constant 3 : i32
      %mul3A_128 = arith.muli %scan3A_68, %mul3A_127 : i32
      %add3A_129 = arith.constant 2 : i32
      %add3A_130 = arith.addi %mul3A_128, %add3A_129 : i32
      %add3A_131 = arith.constant 2 : i32
      %add3A_132 = arith.addi %add3A_130, %add3A_131 : i32
      %dma_start3A_133 = arith.constant 1 : i32
      %dma_start3A_134 = arith.constant 0 : i32
      %dma_start3A_135 = arith.constant 0 : i32
      %dma_start3A_136 = tpu.memref_slice %arg9[%dma_start3A_133, %dma_start3A_134, %dma_start3A_135] : memref<3x80x64xf32, #tpu.memory_space<vmem>> -> memref<1x80x64xf32, #tpu.memory_space<vmem>>
      %dma_start3A_137 = tpu.memref_squeeze %dma_start3A_136 : memref<1x80x64xf32, #tpu.memory_space<vmem>> -> memref<80x64xf32, #tpu.memory_space<vmem>>
      %dma_start3A_138 = arith.constant 0 : i32
      %dma_start3A_139 = tpu.memref_slice %arg7[%add3A_132, %dma_start3A_138] : memref<125x80xi32, #tpu.memory_space<vmem>> -> memref<1x80xi32, #tpu.memory_space<vmem>>
      %dma_start3A_140 = tpu.memref_squeeze %dma_start3A_139 : memref<1x80xi32, #tpu.memory_space<vmem>> -> memref<80xi32, #tpu.memory_space<vmem>>
      %dma_start3A_141 = arith.constant 0 : i32
      %dma_start3A_142 = arith.constant 0 : i32
      %dma_start3A_143 = tpu.memref_slice %arg2[%dma_start3A_141, %dma_start3A_142] : memref<10000x64xf32, #tpu.memory_space<hbm>> -> memref<10000x64xf32, #tpu.memory_space<hbm>>
      tpu.enqueue_indirect_dma source(%dma_start3A_143 : memref<10000x64xf32, #tpu.memory_space<hbm>>) target(%dma_start3A_137 : memref<80x64xf32, #tpu.memory_space<vmem>>) offsets(%dma_start3A_140 : memref<80xi32, #tpu.memory_space<vmem>>) semaphore(%arg12 : memref<!tpu.dma_semaphore, #tpu.memory_space<semaphore_mem>>)
      %dma_wait3A_144 = arith.constant 2 : i32
      %dma_wait3A_145 = arith.constant 0 : i32
      %dma_wait3A_146 = arith.constant 0 : i32
      %dma_wait3A_147 = tpu.memref_slice %arg9[%dma_wait3A_144, %dma_wait3A_145, %dma_wait3A_146] : memref<3x80x64xf32, #tpu.memory_space<vmem>> -> memref<1x80x64xf32, #tpu.memory_space<vmem>>
      %dma_wait3A_148 = tpu.memref_squeeze %dma_wait3A_147 : memref<1x80x64xf32, #tpu.memory_space<vmem>> -> memref<80x64xf32, #tpu.memory_space<vmem>>
      %dma_wait3A_149 = arith.constant 0 : i32
      %dma_wait3A_150 = tpu.memref_slice %arg7[%add3A_130, %dma_wait3A_149] : memref<125x80xi32, #tpu.memory_space<vmem>> -> memref<1x80xi32, #tpu.memory_space<vmem>>
      %dma_wait3A_151 = tpu.memref_squeeze %dma_wait3A_150 : memref<1x80xi32, #tpu.memory_space<vmem>> -> memref<80xi32, #tpu.memory_space<vmem>>
      %dma_wait3A_152 = arith.constant 0 : i32
      %dma_wait3A_153 = arith.constant 0 : i32
      %dma_wait3A_154 = tpu.memref_slice %arg2[%dma_wait3A_152, %dma_wait3A_153] : memref<10000x64xf32, #tpu.memory_space<hbm>> -> memref<10000x64xf32, #tpu.memory_space<hbm>>
      tpu.wait_indirect_dma semaphore(%arg13 : memref<!tpu.dma_semaphore, #tpu.memory_space<semaphore_mem>>) src(%dma_wait3A_154 : memref<10000x64xf32, #tpu.memory_space<hbm>>) dst(%dma_wait3A_148 : memref<80x64xf32, #tpu.memory_space<vmem>>)
      %run_scoped3A_155 = arith.constant 2 : i32
      "tpu.region"() ({
        %run_scoped3A_156 = tpu.sem_alloc : memref<!tpu.dma_semaphore, #tpu.memory_space<semaphore_mem>>
        %dma_start3A_157 = arith.constant 0 : i32
        %dma_start3A_158 = arith.constant 0 : i32
        %dma_start3A_159 = tpu.memref_slice %arg9[%run_scoped3A_155, %dma_start3A_157, %dma_start3A_158] : memref<3x80x64xf32, #tpu.memory_space<vmem>> -> memref<1x80x64xf32, #tpu.memory_space<vmem>>
        %dma_start3A_160 = tpu.memref_squeeze %dma_start3A_159 : memref<1x80x64xf32, #tpu.memory_space<vmem>> -> memref<80x64xf32, #tpu.memory_space<vmem>>
        %dma_start3A_161 = arith.constant 0 : i32
        %dma_start3A_162 = tpu.memref_slice %arg8[%add3A_130, %dma_start3A_161] : memref<125x80xi32, #tpu.memory_space<vmem>> -> memref<1x80xi32, #tpu.memory_space<vmem>>
        %dma_start3A_163 = tpu.memref_squeeze %dma_start3A_162 : memref<1x80xi32, #tpu.memory_space<vmem>> -> memref<80xi32, #tpu.memory_space<vmem>>
        %dma_start3A_164 = arith.constant 0 : i32
        %dma_start3A_165 = arith.constant 0 : i32
        %dma_start3A_166 = tpu.memref_slice %arg10[%dma_start3A_164, %dma_start3A_165] : memref<10000x64xf32, #tpu.memory_space<vmem_shared>> -> memref<10000x64xf32, #tpu.memory_space<vmem_shared>>
        tpu.enqueue_indirect_dma source(%dma_start3A_160 : memref<80x64xf32, #tpu.memory_space<vmem>>) target(%dma_start3A_166 : memref<10000x64xf32, #tpu.memory_space<vmem_shared>>) offsets(%dma_start3A_163 : memref<80xi32, #tpu.memory_space<vmem>>) semaphore(%run_scoped3A_156 : memref<!tpu.dma_semaphore, #tpu.memory_space<semaphore_mem>>) {add = true}
        %dma_wait3A_167 = arith.constant 0 : i32
        %dma_wait3A_168 = arith.constant 0 : i32
        %dma_wait3A_169 = tpu.memref_slice %arg9[%run_scoped3A_155, %dma_wait3A_167, %dma_wait3A_168] : memref<3x80x64xf32, #tpu.memory_space<vmem>> -> memref<1x80x64xf32, #tpu.memory_space<vmem>>
        %dma_wait3A_170 = tpu.memref_squeeze %dma_wait3A_169 : memref<1x80x64xf32, #tpu.memory_space<vmem>> -> memref<80x64xf32, #tpu.memory_space<vmem>>
        %dma_wait3A_171 = arith.constant 0 : i32
        %dma_wait3A_172 = tpu.memref_slice %arg8[%add3A_130, %dma_wait3A_171] : memref<125x80xi32, #tpu.memory_space<vmem>> -> memref<1x80xi32, #tpu.memory_space<vmem>>
        %dma_wait3A_173 = tpu.memref_squeeze %dma_wait3A_172 : memref<1x80xi32, #tpu.memory_space<vmem>> -> memref<80xi32, #tpu.memory_space<vmem>>
        %dma_wait3A_174 = arith.constant 0 : i32
        %dma_wait3A_175 = arith.constant 0 : i32
        %dma_wait3A_176 = tpu.memref_slice %arg10[%dma_wait3A_174, %dma_wait3A_175] : memref<10000x64xf32, #tpu.memory_space<vmem_shared>> -> memref<10000x64xf32, #tpu.memory_space<vmem_shared>>
        tpu.wait_indirect_dma semaphore(%run_scoped3A_156 : memref<!tpu.dma_semaphore, #tpu.memory_space<semaphore_mem>>) src(%dma_wait3A_170 : memref<80x64xf32, #tpu.memory_space<vmem>>) dst(%dma_wait3A_176 : memref<10000x64xf32, #tpu.memory_space<vmem_shared>>)
        tpu.yield
      }) : () -> ()
    }
    %scan3A_36 = arith.constant 41 : i32
    %dma_wait3A = arith.constant 123 : i32
    %dma_wait3A_37 = arith.constant 0 : i32
    %dma_wait3A_38 = arith.constant 0 : i32
    %dma_wait3A_39 = arith.constant 0 : i32
    %dma_wait3A_40 = tpu.memref_slice %arg9[%dma_wait3A_37, %dma_wait3A_38, %dma_wait3A_39] : memref<3x80x64xf32, #tpu.memory_space<vmem>> -> memref<1x80x64xf32, #tpu.memory_space<vmem>>
    %dma_wait3A_41 = tpu.memref_squeeze %dma_wait3A_40 : memref<1x80x64xf32, #tpu.memory_space<vmem>> -> memref<80x64xf32, #tpu.memory_space<vmem>>
    %dma_wait3A_42 = arith.constant 0 : i32
    %dma_wait3A_43 = tpu.memref_slice %arg7[%dma_wait3A, %dma_wait3A_42] : memref<125x80xi32, #tpu.memory_space<vmem>> -> memref<1x80xi32, #tpu.memory_space<vmem>>
    %dma_wait3A_44 = tpu.memref_squeeze %dma_wait3A_43 : memref<1x80xi32, #tpu.memory_space<vmem>> -> memref<80xi32, #tpu.memory_space<vmem>>
    %dma_wait3A_45 = arith.constant 0 : i32
    %dma_wait3A_46 = arith.constant 0 : i32
    %dma_wait3A_47 = tpu.memref_slice %arg2[%dma_wait3A_45, %dma_wait3A_46] : memref<10000x64xf32, #tpu.memory_space<hbm>> -> memref<10000x64xf32, #tpu.memory_space<hbm>>
    tpu.wait_indirect_dma semaphore(%arg11 : memref<!tpu.dma_semaphore, #tpu.memory_space<semaphore_mem>>) src(%dma_wait3A_47 : memref<10000x64xf32, #tpu.memory_space<hbm>>) dst(%dma_wait3A_41 : memref<80x64xf32, #tpu.memory_space<vmem>>)
    %run_scoped3A = arith.constant 0 : i32
    %run_scoped3A_48 = arith.constant 123 : i32
    "tpu.region"() ({
      %run_scoped3A_68 = tpu.sem_alloc : memref<!tpu.dma_semaphore, #tpu.memory_space<semaphore_mem>>
      %dma_start3A_69 = arith.constant 0 : i32
      %dma_start3A_70 = arith.constant 0 : i32
      %dma_start3A_71 = tpu.memref_slice %arg9[%run_scoped3A, %dma_start3A_69, %dma_start3A_70] : memref<3x80x64xf32, #tpu.memory_space<vmem>> -> memref<1x80x64xf32, #tpu.memory_space<vmem>>
      %dma_start3A_72 = tpu.memref_squeeze %dma_start3A_71 : memref<1x80x64xf32, #tpu.memory_space<vmem>> -> memref<80x64xf32, #tpu.memory_space<vmem>>
      %dma_start3A_73 = arith.constant 0 : i32
      %dma_start3A_74 = tpu.memref_slice %arg8[%run_scoped3A_48, %dma_start3A_73] : memref<125x80xi32, #tpu.memory_space<vmem>> -> memref<1x80xi32, #tpu.memory_space<vmem>>
      %dma_start3A_75 = tpu.memref_squeeze %dma_start3A_74 : memref<1x80xi32, #tpu.memory_space<vmem>> -> memref<80xi32, #tpu.memory_space<vmem>>
      %dma_start3A_76 = arith.constant 0 : i32
      %dma_start3A_77 = arith.constant 0 : i32
      %dma_start3A_78 = tpu.memref_slice %arg10[%dma_start3A_76, %dma_start3A_77] : memref<10000x64xf32, #tpu.memory_space<vmem_shared>> -> memref<10000x64xf32, #tpu.memory_space<vmem_shared>>
      tpu.enqueue_indirect_dma source(%dma_start3A_72 : memref<80x64xf32, #tpu.memory_space<vmem>>) target(%dma_start3A_78 : memref<10000x64xf32, #tpu.memory_space<vmem_shared>>) offsets(%dma_start3A_75 : memref<80xi32, #tpu.memory_space<vmem>>) semaphore(%run_scoped3A_68 : memref<!tpu.dma_semaphore, #tpu.memory_space<semaphore_mem>>) {add = true}
      %dma_wait3A_79 = arith.constant 0 : i32
      %dma_wait3A_80 = arith.constant 0 : i32
      %dma_wait3A_81 = tpu.memref_slice %arg9[%run_scoped3A, %dma_wait3A_79, %dma_wait3A_80] : memref<3x80x64xf32, #tpu.memory_space<vmem>> -> memref<1x80x64xf32, #tpu.memory_space<vmem>>
      %dma_wait3A_82 = tpu.memref_squeeze %dma_wait3A_81 : memref<1x80x64xf32, #tpu.memory_space<vmem>> -> memref<80x64xf32, #tpu.memory_space<vmem>>
      %dma_wait3A_83 = arith.constant 0 : i32
      %dma_wait3A_84 = tpu.memref_slice %arg8[%run_scoped3A_48, %dma_wait3A_83] : memref<125x80xi32, #tpu.memory_space<vmem>> -> memref<1x80xi32, #tpu.memory_space<vmem>>
      %dma_wait3A_85 = tpu.memref_squeeze %dma_wait3A_84 : memref<1x80xi32, #tpu.memory_space<vmem>> -> memref<80xi32, #tpu.memory_space<vmem>>
      %dma_wait3A_86 = arith.constant 0 : i32
      %dma_wait3A_87 = arith.constant 0 : i32
      %dma_wait3A_88 = tpu.memref_slice %arg10[%dma_wait3A_86, %dma_wait3A_87] : memref<10000x64xf32, #tpu.memory_space<vmem_shared>> -> memref<10000x64xf32, #tpu.memory_space<vmem_shared>>
      tpu.wait_indirect_dma semaphore(%run_scoped3A_68 : memref<!tpu.dma_semaphore, #tpu.memory_space<semaphore_mem>>) src(%dma_wait3A_82 : memref<80x64xf32, #tpu.memory_space<vmem>>) dst(%dma_wait3A_88 : memref<10000x64xf32, #tpu.memory_space<vmem_shared>>)
      tpu.yield
    }) : () -> ()
    %dma_wait3A_49 = arith.constant 124 : i32
    %dma_wait3A_50 = arith.constant 1 : i32
    %dma_wait3A_51 = arith.constant 0 : i32
    %dma_wait3A_52 = arith.constant 0 : i32
    %dma_wait3A_53 = tpu.memref_slice %arg9[%dma_wait3A_50, %dma_wait3A_51, %dma_wait3A_52] : memref<3x80x64xf32, #tpu.memory_space<vmem>> -> memref<1x80x64xf32, #tpu.memory_space<vmem>>
    %dma_wait3A_54 = tpu.memref_squeeze %dma_wait3A_53 : memref<1x80x64xf32, #tpu.memory_space<vmem>> -> memref<80x64xf32, #tpu.memory_space<vmem>>
    %dma_wait3A_55 = arith.constant 0 : i32
    %dma_wait3A_56 = tpu.memref_slice %arg7[%dma_wait3A_49, %dma_wait3A_55] : memref<125x80xi32, #tpu.memory_space<vmem>> -> memref<1x80xi32, #tpu.memory_space<vmem>>
    %dma_wait3A_57 = tpu.memref_squeeze %dma_wait3A_56 : memref<1x80xi32, #tpu.memory_space<vmem>> -> memref<80xi32, #tpu.memory_space<vmem>>
    %dma_wait3A_58 = arith.constant 0 : i32
    %dma_wait3A_59 = arith.constant 0 : i32
    %dma_wait3A_60 = tpu.memref_slice %arg2[%dma_wait3A_58, %dma_wait3A_59] : memref<10000x64xf32, #tpu.memory_space<hbm>> -> memref<10000x64xf32, #tpu.memory_space<hbm>>
    tpu.wait_indirect_dma semaphore(%arg12 : memref<!tpu.dma_semaphore, #tpu.memory_space<semaphore_mem>>) src(%dma_wait3A_60 : memref<10000x64xf32, #tpu.memory_space<hbm>>) dst(%dma_wait3A_54 : memref<80x64xf32, #tpu.memory_space<vmem>>)
    %run_scoped3A_61 = arith.constant 1 : i32
    %run_scoped3A_62 = arith.constant 124 : i32
    "tpu.region"() ({
      %run_scoped3A_68 = tpu.sem_alloc : memref<!tpu.dma_semaphore, #tpu.memory_space<semaphore_mem>>
      %dma_start3A_69 = arith.constant 0 : i32
      %dma_start3A_70 = arith.constant 0 : i32
      %dma_start3A_71 = tpu.memref_slice %arg9[%run_scoped3A_61, %dma_start3A_69, %dma_start3A_70] : memref<3x80x64xf32, #tpu.memory_space<vmem>> -> memref<1x80x64xf32, #tpu.memory_space<vmem>>
      %dma_start3A_72 = tpu.memref_squeeze %dma_start3A_71 : memref<1x80x64xf32, #tpu.memory_space<vmem>> -> memref<80x64xf32, #tpu.memory_space<vmem>>
      %dma_start3A_73 = arith.constant 0 : i32
      %dma_start3A_74 = tpu.memref_slice %arg8[%run_scoped3A_62, %dma_start3A_73] : memref<125x80xi32, #tpu.memory_space<vmem>> -> memref<1x80xi32, #tpu.memory_space<vmem>>
      %dma_start3A_75 = tpu.memref_squeeze %dma_start3A_74 : memref<1x80xi32, #tpu.memory_space<vmem>> -> memref<80xi32, #tpu.memory_space<vmem>>
      %dma_start3A_76 = arith.constant 0 : i32
      %dma_start3A_77 = arith.constant 0 : i32
      %dma_start3A_78 = tpu.memref_slice %arg10[%dma_start3A_76, %dma_start3A_77] : memref<10000x64xf32, #tpu.memory_space<vmem_shared>> -> memref<10000x64xf32, #tpu.memory_space<vmem_shared>>
      tpu.enqueue_indirect_dma source(%dma_start3A_72 : memref<80x64xf32, #tpu.memory_space<vmem>>) target(%dma_start3A_78 : memref<10000x64xf32, #tpu.memory_space<vmem_shared>>) offsets(%dma_start3A_75 : memref<80xi32, #tpu.memory_space<vmem>>) semaphore(%run_scoped3A_68 : memref<!tpu.dma_semaphore, #tpu.memory_space<semaphore_mem>>) {add = true}
      %dma_wait3A_79 = arith.constant 0 : i32
      %dma_wait3A_80 = arith.constant 0 : i32
      %dma_wait3A_81 = tpu.memref_slice %arg9[%run_scoped3A_61, %dma_wait3A_79, %dma_wait3A_80] : memref<3x80x64xf32, #tpu.memory_space<vmem>> -> memref<1x80x64xf32, #tpu.memory_space<vmem>>
      %dma_wait3A_82 = tpu.memref_squeeze %dma_wait3A_81 : memref<1x80x64xf32, #tpu.memory_space<vmem>> -> memref<80x64xf32, #tpu.memory_space<vmem>>
      %dma_wait3A_83 = arith.constant 0 : i32
      %dma_wait3A_84 = tpu.memref_slice %arg8[%run_scoped3A_62, %dma_wait3A_83] : memref<125x80xi32, #tpu.memory_space<vmem>> -> memref<1x80xi32, #tpu.memory_space<vmem>>
      %dma_wait3A_85 = tpu.memref_squeeze %dma_wait3A_84 : memref<1x80xi32, #tpu.memory_space<vmem>> -> memref<80xi32, #tpu.memory_space<vmem>>
      %dma_wait3A_86 = arith.constant 0 : i32
      %dma_wait3A_87 = arith.constant 0 : i32
      %dma_wait3A_88 = tpu.memref_slice %arg10[%dma_wait3A_86, %dma_wait3A_87] : memref<10000x64xf32, #tpu.memory_space<vmem_shared>> -> memref<10000x64xf32, #tpu.memory_space<vmem_shared>>
      tpu.wait_indirect_dma semaphore(%run_scoped3A_68 : memref<!tpu.dma_semaphore, #tpu.memory_space<semaphore_mem>>) src(%dma_wait3A_82 : memref<80x64xf32, #tpu.memory_space<vmem>>) dst(%dma_wait3A_88 : memref<10000x64xf32, #tpu.memory_space<vmem_shared>>)
      tpu.yield
    }) : () -> ()
    %barrier3A_63 = arith.constant 0 : index
    tpu.barrier barrier_id(%barrier3A_63)
    %mul3A_64 = arith.constant 625 : i32
    %mul3A_65 = arith.muli %arg1, %mul3A_64 : i32
    %mul3A_66 = arith.constant 625 : i32
    %mul3A_67 = arith.muli %arg1, %mul3A_66 : i32
    "tpu.region"() ({
      %run_scoped3A_68 = tpu.sem_alloc : memref<!tpu.dma_semaphore, #tpu.memory_space<semaphore_mem>>
      %dma_start3A_69 = arith.constant 0 : i32
      %dma_start3A_70 = tpu.memref_slice %arg6[%arg0, %mul3A_67, %dma_start3A_69] : memref<2x10000x64xf32, #tpu.memory_space<hbm>> -> memref<1x625x64xf32, #tpu.memory_space<hbm>>
      %dma_start3A_71 = tpu.memref_squeeze %dma_start3A_70 : memref<1x625x64xf32, #tpu.memory_space<hbm>> -> memref<625x64xf32, #tpu.memory_space<hbm>>
      %dma_start3A_72 = arith.constant 0 : i32
      %dma_start3A_73 = tpu.memref_slice %arg10[%mul3A_65, %dma_start3A_72] : memref<10000x64xf32, #tpu.memory_space<vmem_shared>> -> memref<625x64xf32, #tpu.memory_space<vmem_shared>>
      tpu.enqueue_dma source(%dma_start3A_73 : memref<625x64xf32, #tpu.memory_space<vmem_shared>>) target(%dma_start3A_71 : memref<625x64xf32, #tpu.memory_space<hbm>>) target_semaphore(%run_scoped3A_68 : memref<!tpu.dma_semaphore, #tpu.memory_space<semaphore_mem>>)
      %dma_wait3A_74 = arith.constant 0 : i32
      %dma_wait3A_75 = tpu.memref_slice %arg6[%arg0, %mul3A_67, %dma_wait3A_74] : memref<2x10000x64xf32, #tpu.memory_space<hbm>> -> memref<1x625x64xf32, #tpu.memory_space<hbm>>
      %dma_wait3A_76 = tpu.memref_squeeze %dma_wait3A_75 : memref<1x625x64xf32, #tpu.memory_space<hbm>> -> memref<625x64xf32, #tpu.memory_space<hbm>>
      %dma_wait3A_77 = arith.constant 0 : i32
      %dma_wait3A_78 = tpu.memref_slice %arg10[%mul3A_65, %dma_wait3A_77] : memref<10000x64xf32, #tpu.memory_space<vmem_shared>> -> memref<625x64xf32, #tpu.memory_space<vmem_shared>>
      tpu.wait_dma2 semaphore(%run_scoped3A_68 : memref<!tpu.dma_semaphore, #tpu.memory_space<semaphore_mem>>) src(%dma_wait3A_78 : memref<625x64xf32, #tpu.memory_space<vmem_shared>>) dst(%dma_wait3A_76 : memref<625x64xf32, #tpu.memory_space<hbm>>)
      tpu.yield
    }) : () -> ()
    return
  }
}

module attributes {stable_mosaic.version = 14 : i64} {
  func.func @_hv0_body(%arg0: i32, %arg1: memref<2000x128xf32, #tpu.memory_space<vmem>>, %arg2: memref<128x64xf32, #tpu.memory_space<vmem>>, %arg3: memref<1x64xf32, #tpu.memory_space<vmem>>, %arg4: memref<2000x64xf32, #tpu.memory_space<vmem>>) attributes {dimension_semantics = [#tpu.dimension_semantics<arbitrary>], iteration_bounds = array<i64: 5>, scalar_prefetch = 0 : i64, scratch_operands = 0 : i64, tpu.core_type = #tpu.core_type<tc>, window_params = [{transform_indices = @transform_0, window_bounds = array<i64: 2000, 128>}, {pipeline_mode = #tpu.pipeline_mode<synchronous>, transform_indices = @transform_1, window_bounds = array<i64: 128, 64>}, {pipeline_mode = #tpu.pipeline_mode<synchronous>, transform_indices = @transform_2, window_bounds = array<i64: 1, 64>}, {transform_indices = @transform_3, window_bounds = array<i64: 2000, 64>}]} {
    %get3A = arith.constant 0 : index
    %get3A_0 = arith.constant 0 : index
    %get3A_1 = vector.load %arg1[%get3A, %get3A_0] : memref<2000x128xf32, #tpu.memory_space<vmem>>, vector<2000x128xf32>
    %get3A_2 = arith.constant 0 : index
    %get3A_3 = arith.constant 0 : index
    %get3A_4 = vector.load %arg2[%get3A_2, %get3A_3] : memref<128x64xf32, #tpu.memory_space<vmem>>, vector<128x64xf32>
    %dot_general3A = arith.constant dense<0.000000e+00> : vector<2000x64xf32>
    %dot_general3A_5 = tpu.matmul %get3A_1, %get3A_4, %dot_general3A {dimension_numbers = #tpu.dot_dimension_numbers<[1], [0], [0], [1], [0, 0, 1, 1], [], []>, precision = #tpu.contract_precision<fp32>, transpose_lhs_hint = false} : vector<2000x128xf32>, vector<128x64xf32>, vector<2000x64xf32> -> vector<2000x64xf32>
    %get3A_6 = arith.constant 0 : index
    %get3A_7 = arith.constant 0 : index
    %get3A_8 = vector.load %arg3[%get3A_6, %get3A_7] : memref<1x64xf32, #tpu.memory_space<vmem>>, vector<1x64xf32>
    %add3A = vector.broadcast %get3A_8 : vector<1x64xf32> to vector<2000x64xf32>
    %add3A_9 = arith.addf %dot_general3A_5, %add3A : vector<2000x64xf32>
    %swap3A = arith.constant 0 : index
    %swap3A_10 = arith.constant 0 : index
    %swap3A_11 = vector.load %arg4[%swap3A, %swap3A_10] : memref<2000x64xf32, #tpu.memory_space<vmem>>, vector<2000x64xf32>
    tpu.vector_store %arg4[%swap3A, %swap3A_10], %add3A_9 {strides = array<i32>} : memref<2000x64xf32, #tpu.memory_space<vmem>>, vector<2000x64xf32>,
    return
  }
  func.func @transform_0(%arg0: i32) -> (i32, i32) {
    %c0_i32 = arith.constant 0 : i32
    %c0_i32_0 = arith.constant 0 : i32
    return %arg0, %c0_i32 : i32, i32
  }
  func.func @transform_1(%arg0: i32) -> (i32, i32) {
    %c0_i32 = arith.constant 0 : i32
    %c0_i32_0 = arith.constant 0 : i32
    %c0_i32_1 = arith.constant 0 : i32
    return %c0_i32, %c0_i32_0 : i32, i32
  }
  func.func @transform_2(%arg0: i32) -> (i32, i32) {
    %c0_i32 = arith.constant 0 : i32
    %c0_i32_0 = arith.constant 0 : i32
    %c0_i32_1 = arith.constant 0 : i32
    return %c0_i32, %c0_i32_0 : i32, i32
  }
  func.func @transform_3(%arg0: i32) -> (i32, i32) {
    %c0_i32 = arith.constant 0 : i32
    %c0_i32_0 = arith.constant 0 : i32
    return %arg0, %c0_i32 : i32, i32
  }
}

module attributes {stable_mosaic.version = 14 : i64} {
  func.func @_me_body(%arg0: i32, %arg1: memref<4000x128xf32, #tpu.memory_space<vmem>>, %arg2: memref<128x128xf32, #tpu.memory_space<vmem>>, %arg3: memref<1x128xf32, #tpu.memory_space<vmem>>, %arg4: memref<4000x128xf32, #tpu.memory_space<vmem>>) attributes {dimension_semantics = [#tpu.dimension_semantics<arbitrary>], iteration_bounds = array<i64: 10>, scalar_prefetch = 0 : i64, scratch_operands = 0 : i64, tpu.core_type = #tpu.core_type<tc>, window_params = [{transform_indices = @transform_0, window_bounds = array<i64: 4000, 128>}, {pipeline_mode = #tpu.pipeline_mode<synchronous>, transform_indices = @transform_1, window_bounds = array<i64: 128, 128>}, {pipeline_mode = #tpu.pipeline_mode<synchronous>, transform_indices = @transform_2, window_bounds = array<i64: 1, 128>}, {transform_indices = @transform_3, window_bounds = array<i64: 4000, 128>}]} {
    %get3A = arith.constant 0 : index
    %get3A_0 = arith.constant 0 : index
    %get3A_1 = vector.load %arg1[%get3A, %get3A_0] : memref<4000x128xf32, #tpu.memory_space<vmem>>, vector<4000x128xf32>
    %get3A_2 = arith.constant 0 : index
    %get3A_3 = arith.constant 0 : index
    %get3A_4 = vector.load %arg2[%get3A_2, %get3A_3] : memref<128x128xf32, #tpu.memory_space<vmem>>, vector<128x128xf32>
    %dot_general3A = arith.constant dense<0.000000e+00> : vector<4000x128xf32>
    %dot_general3A_5 = tpu.matmul %get3A_1, %get3A_4, %dot_general3A {dimension_numbers = #tpu.dot_dimension_numbers<[1], [0], [0], [1], [0, 0, 1, 1], [], []>, precision = #tpu.contract_precision<fp32>, transpose_lhs_hint = false} : vector<4000x128xf32>, vector<128x128xf32>, vector<4000x128xf32> -> vector<4000x128xf32>
    %get3A_6 = arith.constant 0 : index
    %get3A_7 = arith.constant 0 : index
    %get3A_8 = vector.load %arg3[%get3A_6, %get3A_7] : memref<1x128xf32, #tpu.memory_space<vmem>>, vector<1x128xf32>
    %add3A = vector.broadcast %get3A_8 : vector<1x128xf32> to vector<4000x128xf32>
    %add3A_9 = arith.addf %dot_general3A_5, %add3A : vector<4000x128xf32>
    %swap3A = arith.constant 0 : index
    %swap3A_10 = arith.constant 0 : index
    %swap3A_11 = vector.load %arg4[%swap3A, %swap3A_10] : memref<4000x128xf32, #tpu.memory_space<vmem>>, vector<4000x128xf32>
    tpu.vector_store %arg4[%swap3A, %swap3A_10], %add3A_9 {strides = array<i32>} : memref<4000x128xf32, #tpu.memory_space<vmem>>, vector<4000x128xf32>,
    return
  }
  func.func @transform_0(%arg0: i32) -> (i32, i32) {
    %c0_i32 = arith.constant 0 : i32
    %c0_i32_0 = arith.constant 0 : i32
    return %arg0, %c0_i32 : i32, i32
  }
  func.func @transform_1(%arg0: i32) -> (i32, i32) {
    %c0_i32 = arith.constant 0 : i32
    %c0_i32_0 = arith.constant 0 : i32
    %c0_i32_1 = arith.constant 0 : i32
    return %c0_i32, %c0_i32_0 : i32, i32
  }
  func.func @transform_2(%arg0: i32) -> (i32, i32) {
    %c0_i32 = arith.constant 0 : i32
    %c0_i32_0 = arith.constant 0 : i32
    %c0_i32_1 = arith.constant 0 : i32
    return %c0_i32, %c0_i32_0 : i32, i32
  }
  func.func @transform_3(%arg0: i32) -> (i32, i32) {
    %c0_i32 = arith.constant 0 : i32
    %c0_i32_0 = arith.constant 0 : i32
    return %arg0, %c0_i32 : i32, i32
  }
}

module attributes {stable_mosaic.version = 14 : i64} {
  func.func @_layer_body(%arg0: i32, %arg1: memref<2000x128xf32, #tpu.memory_space<vmem>>, %arg2: memref<2x2000x64xf32, #tpu.memory_space<vmem>>, %arg3: memref<2x2000x16xf32, #tpu.memory_space<vmem>>, %arg4: memref<128x128xf32, #tpu.memory_space<vmem>>, %arg5: memref<64x128xf32, #tpu.memory_space<vmem>>, %arg6: memref<16x128xf32, #tpu.memory_space<vmem>>, %arg7: memref<1x128xf32, #tpu.memory_space<vmem>>, %arg8: memref<128x64xf32, #tpu.memory_space<vmem>>, %arg9: memref<1x64xf32, #tpu.memory_space<vmem>>, %arg10: memref<2000x128xf32, #tpu.memory_space<vmem>>, %arg11: memref<2000x64xf32, #tpu.memory_space<vmem>>) attributes {dimension_semantics = [#tpu.dimension_semantics<arbitrary>], iteration_bounds = array<i64: 5>, scalar_prefetch = 0 : i64, scratch_operands = 0 : i64, tpu.core_type = #tpu.core_type<tc>, window_params = [{transform_indices = @transform_0, window_bounds = array<i64: 2000, 128>}, {transform_indices = @transform_1, window_bounds = array<i64: 2, 2000, 64>}, {transform_indices = @transform_2, window_bounds = array<i64: 2, 2000, 16>}, {pipeline_mode = #tpu.pipeline_mode<synchronous>, transform_indices = @transform_3, window_bounds = array<i64: 128, 128>}, {pipeline_mode = #tpu.pipeline_mode<synchronous>, transform_indices = @transform_4, window_bounds = array<i64: 64, 128>}, {pipeline_mode = #tpu.pipeline_mode<synchronous>, transform_indices = @transform_5, window_bounds = array<i64: 16, 128>}, {pipeline_mode = #tpu.pipeline_mode<synchronous>, transform_indices = @transform_6, window_bounds = array<i64: 1, 128>}, {pipeline_mode = #tpu.pipeline_mode<synchronous>, transform_indices = @transform_7, window_bounds = array<i64: 128, 64>}, {pipeline_mode = #tpu.pipeline_mode<synchronous>, transform_indices = @transform_8, window_bounds = array<i64: 1, 64>}, {transform_indices = @transform_9, window_bounds = array<i64: 2000, 128>}, {transform_indices = @transform_10, window_bounds = array<i64: 2000, 64>}]} {
    %get3A = arith.constant 0 : index
    %get3A_0 = arith.constant 0 : index
    %get3A_1 = arith.constant 0 : index
    %get3A_2 = vector.load %arg2[%get3A, %get3A_0, %get3A_1] : memref<2x2000x64xf32, #tpu.memory_space<vmem>>, vector<1x2000x64xf32>
    %get3A_3 = vector.shape_cast %get3A_2 : vector<1x2000x64xf32> to vector<2000x64xf32>
    %get3A_4 = arith.constant 1 : index
    %get3A_5 = arith.constant 0 : index
    %get3A_6 = arith.constant 0 : index
    %get3A_7 = vector.load %arg2[%get3A_4, %get3A_5, %get3A_6] : memref<2x2000x64xf32, #tpu.memory_space<vmem>>, vector<1x2000x64xf32>
    %get3A_8 = vector.shape_cast %get3A_7 : vector<1x2000x64xf32> to vector<2000x64xf32>
    %add3A = arith.addf %get3A_3, %get3A_8 : vector<2000x64xf32>
    %get3A_9 = arith.constant 0 : index
    %get3A_10 = arith.constant 0 : index
    %get3A_11 = arith.constant 0 : index
    %get3A_12 = vector.load %arg3[%get3A_9, %get3A_10, %get3A_11] : memref<2x2000x16xf32, #tpu.memory_space<vmem>>, vector<1x2000x16xf32>
    %get3A_13 = vector.shape_cast %get3A_12 : vector<1x2000x16xf32> to vector<2000x16xf32>
    %get3A_14 = arith.constant 1 : index
    %get3A_15 = arith.constant 0 : index
    %get3A_16 = arith.constant 0 : index
    %get3A_17 = vector.load %arg3[%get3A_14, %get3A_15, %get3A_16] : memref<2x2000x16xf32, #tpu.memory_space<vmem>>, vector<1x2000x16xf32>
    %get3A_18 = vector.shape_cast %get3A_17 : vector<1x2000x16xf32> to vector<2000x16xf32>
    %add3A_19 = arith.addf %get3A_13, %get3A_18 : vector<2000x16xf32>
    %get3A_20 = arith.constant 0 : index
    %get3A_21 = arith.constant 0 : index
    %get3A_22 = vector.load %arg1[%get3A_20, %get3A_21] : memref<2000x128xf32, #tpu.memory_space<vmem>>, vector<2000x128xf32>
    %get3A_23 = arith.constant 0 : index
    %get3A_24 = arith.constant 0 : index
    %get3A_25 = vector.load %arg4[%get3A_23, %get3A_24] : memref<128x128xf32, #tpu.memory_space<vmem>>, vector<128x128xf32>
    %dot_general3A = arith.constant dense<0.000000e+00> : vector<2000x128xf32>
    %dot_general3A_26 = tpu.matmul %get3A_22, %get3A_25, %dot_general3A {dimension_numbers = #tpu.dot_dimension_numbers<[1], [0], [0], [1], [0, 0, 1, 1], [], []>, precision = #tpu.contract_precision<fp32>, transpose_lhs_hint = false} : vector<2000x128xf32>, vector<128x128xf32>, vector<2000x128xf32> -> vector<2000x128xf32>
    %get3A_27 = arith.constant 0 : index
    %get3A_28 = arith.constant 0 : index
    %get3A_29 = vector.load %arg5[%get3A_27, %get3A_28] : memref<64x128xf32, #tpu.memory_space<vmem>>, vector<64x128xf32>
    %dot_general3A_30 = arith.constant dense<0.000000e+00> : vector<2000x128xf32>
    %dot_general3A_31 = tpu.matmul %add3A, %get3A_29, %dot_general3A_30 {dimension_numbers = #tpu.dot_dimension_numbers<[1], [0], [0], [1], [0, 0, 1, 1], [], []>, precision = #tpu.contract_precision<fp32>, transpose_lhs_hint = false} : vector<2000x64xf32>, vector<64x128xf32>, vector<2000x128xf32> -> vector<2000x128xf32>
    %add3A_32 = arith.addf %dot_general3A_26, %dot_general3A_31 : vector<2000x128xf32>
    %get3A_33 = arith.constant 0 : index
    %get3A_34 = arith.constant 0 : index
    %get3A_35 = vector.load %arg6[%get3A_33, %get3A_34] : memref<16x128xf32, #tpu.memory_space<vmem>>, vector<16x128xf32>
    %dot_general3A_36 = arith.constant dense<0.000000e+00> : vector<2000x128xf32>
    %dot_general3A_37 = tpu.matmul %add3A_19, %get3A_35, %dot_general3A_36 {dimension_numbers = #tpu.dot_dimension_numbers<[1], [0], [0], [1], [0, 0, 1, 1], [], []>, precision = #tpu.contract_precision<fp32>, transpose_lhs_hint = false} : vector<2000x16xf32>, vector<16x128xf32>, vector<2000x128xf32> -> vector<2000x128xf32>
    %add3A_38 = arith.addf %add3A_32, %dot_general3A_37 : vector<2000x128xf32>
    %get3A_39 = arith.constant 0 : index
    %get3A_40 = arith.constant 0 : index
    %get3A_41 = vector.load %arg7[%get3A_39, %get3A_40] : memref<1x128xf32, #tpu.memory_space<vmem>>, vector<1x128xf32>
    %add3A_42 = vector.broadcast %get3A_41 : vector<1x128xf32> to vector<2000x128xf32>
    %add3A_43 = arith.addf %add3A_38, %add3A_42 : vector<2000x128xf32>
    %gt3A = arith.constant 0.000000e+00 : f32
    %gt3A_44 = vector.broadcast %gt3A : f32 to vector<2000x128xf32>
    %gt3A_45 = arith.cmpf ogt, %add3A_43, %gt3A_44 : vector<2000x128xf32>
    %exp3A = math.exp %add3A_43 : vector<2000x128xf32>
    %sub3A = arith.constant 1.000000e+00 : f32
    %sub3A_46 = vector.broadcast %sub3A : f32 to vector<2000x128xf32>
    %sub3A_47 = arith.subf %exp3A, %sub3A_46 : vector<2000x128xf32>
    %mul3A = arith.constant 1.67326319 : f32
    %mul3A_48 = vector.broadcast %mul3A : f32 to vector<2000x128xf32>
    %mul3A_49 = arith.mulf %mul3A_48, %sub3A_47 : vector<2000x128xf32>
    %select_n3A = arith.select %gt3A_45, %add3A_43, %mul3A_49 : vector<2000x128xi1>, vector<2000x128xf32>
    %mul3A_50 = arith.constant 1.05070102 : f32
    %mul3A_51 = vector.broadcast %mul3A_50 : f32 to vector<2000x128xf32>
    %mul3A_52 = arith.mulf %mul3A_51, %select_n3A : vector<2000x128xf32>
    %swap3A = arith.constant 0 : index
    %swap3A_53 = arith.constant 0 : index
    %swap3A_54 = vector.load %arg10[%swap3A, %swap3A_53] : memref<2000x128xf32, #tpu.memory_space<vmem>>, vector<2000x128xf32>
    tpu.vector_store %arg10[%swap3A, %swap3A_53], %mul3A_52 {strides = array<i32>} : memref<2000x128xf32, #tpu.memory_space<vmem>>, vector<2000x128xf32>,
    %get3A_55 = arith.constant 0 : index
    %get3A_56 = arith.constant 0 : index
    %get3A_57 = vector.load %arg8[%get3A_55, %get3A_56] : memref<128x64xf32, #tpu.memory_space<vmem>>, vector<128x64xf32>
    %dot_general3A_58 = arith.constant dense<0.000000e+00> : vector<2000x64xf32>
    %dot_general3A_59 = tpu.matmul %mul3A_52, %get3A_57, %dot_general3A_58 {dimension_numbers = #tpu.dot_dimension_numbers<[1], [0], [0], [1], [0, 0, 1, 1], [], []>, precision = #tpu.contract_precision<fp32>, transpose_lhs_hint = false} : vector<2000x128xf32>, vector<128x64xf32>, vector<2000x64xf32> -> vector<2000x64xf32>
    %get3A_60 = arith.constant 0 : index
    %get3A_61 = arith.constant 0 : index
    %get3A_62 = vector.load %arg9[%get3A_60, %get3A_61] : memref<1x64xf32, #tpu.memory_space<vmem>>, vector<1x64xf32>
    %add3A_63 = vector.broadcast %get3A_62 : vector<1x64xf32> to vector<2000x64xf32>
    %add3A_64 = arith.addf %dot_general3A_59, %add3A_63 : vector<2000x64xf32>
    %swap3A_65 = arith.constant 0 : index
    %swap3A_66 = arith.constant 0 : index
    %swap3A_67 = vector.load %arg11[%swap3A_65, %swap3A_66] : memref<2000x64xf32, #tpu.memory_space<vmem>>, vector<2000x64xf32>
    tpu.vector_store %arg11[%swap3A_65, %swap3A_66], %add3A_64 {strides = array<i32>} : memref<2000x64xf32, #tpu.memory_space<vmem>>, vector<2000x64xf32>,
    return
  }
  func.func @transform_0(%arg0: i32) -> (i32, i32) {
    %c0_i32 = arith.constant 0 : i32
    %c0_i32_0 = arith.constant 0 : i32
    return %arg0, %c0_i32 : i32, i32
  }
  func.func @transform_1(%arg0: i32) -> (i32, i32, i32) {
    %c0_i32 = arith.constant 0 : i32
    %c0_i32_0 = arith.constant 0 : i32
    %c0_i32_1 = arith.constant 0 : i32
    return %c0_i32, %arg0, %c0_i32_0 : i32, i32, i32
  }
  func.func @transform_2(%arg0: i32) -> (i32, i32, i32) {
    %c0_i32 = arith.constant 0 : i32
    %c0_i32_0 = arith.constant 0 : i32
    %c0_i32_1 = arith.constant 0 : i32
    return %c0_i32, %arg0, %c0_i32_0 : i32, i32, i32
  }
  func.func @transform_3(%arg0: i32) -> (i32, i32) {
    %c0_i32 = arith.constant 0 : i32
    %c0_i32_0 = arith.constant 0 : i32
    %c0_i32_1 = arith.constant 0 : i32
    return %c0_i32, %c0_i32_0 : i32, i32
  }
  func.func @transform_4(%arg0: i32) -> (i32, i32) {
    %c0_i32 = arith.constant 0 : i32
    %c0_i32_0 = arith.constant 0 : i32
    %c0_i32_1 = arith.constant 0 : i32
    return %c0_i32, %c0_i32_0 : i32, i32
  }
  func.func @transform_5(%arg0: i32) -> (i32, i32) {
    %c0_i32 = arith.constant 0 : i32
    %c0_i32_0 = arith.constant 0 : i32
    %c0_i32_1 = arith.constant 0 : i32
    return %c0_i32, %c0_i32_0 : i32, i32
  }
  func.func @transform_6(%arg0: i32) -> (i32, i32) {
    %c0_i32 = arith.constant 0 : i32
    %c0_i32_0 = arith.constant 0 : i32
    %c0_i32_1 = arith.constant 0 : i32
    return %c0_i32, %c0_i32_0 : i32, i32
  }
  func.func @transform_7(%arg0: i32) -> (i32, i32) {
    %c0_i32 = arith.constant 0 : i32
    %c0_i32_0 = arith.constant 0 : i32
    %c0_i32_1 = arith.constant 0 : i32
    return %c0_i32, %c0_i32_0 : i32, i32
  }
  func.func @transform_8(%arg0: i32) -> (i32, i32) {
    %c0_i32 = arith.constant 0 : i32
    %c0_i32_0 = arith.constant 0 : i32
    %c0_i32_1 = arith.constant 0 : i32
    return %c0_i32, %c0_i32_0 : i32, i32
  }
  func.func @transform_9(%arg0: i32) -> (i32, i32) {
    %c0_i32 = arith.constant 0 : i32
    %c0_i32_0 = arith.constant 0 : i32
    return %arg0, %c0_i32 : i32, i32
  }
  func.func @transform_10(%arg0: i32) -> (i32, i32) {
    %c0_i32 = arith.constant 0 : i32
    %c0_i32_0 = arith.constant 0 : i32
    return %arg0, %c0_i32 : i32, i32
  }
}

module attributes {stable_mosaic.version = 14 : i64} {
  func.func @_final_body(%arg0: i32, %arg1: memref<2000x128xf32, #tpu.memory_space<vmem>>, %arg2: memref<2000x128xf32, #tpu.memory_space<vmem>>, %arg3: memref<2x2000x64xf32, #tpu.memory_space<vmem>>, %arg4: memref<2x2000x16xf32, #tpu.memory_space<vmem>>, %arg5: memref<128x128xf32, #tpu.memory_space<vmem>>, %arg6: memref<64x128xf32, #tpu.memory_space<vmem>>, %arg7: memref<16x128xf32, #tpu.memory_space<vmem>>, %arg8: memref<1x128xf32, #tpu.memory_space<vmem>>, %arg9: memref<128x128xf32, #tpu.memory_space<vmem>>, %arg10: memref<128x128xf32, #tpu.memory_space<vmem>>, %arg11: memref<1x128xf32, #tpu.memory_space<vmem>>, %arg12: memref<128x128xf32, #tpu.memory_space<vmem>>, %arg13: memref<1x128xf32, #tpu.memory_space<vmem>>, %arg14: memref<1x128xf32, #tpu.memory_space<vmem>>, %arg15: memref<1x128xf32, #tpu.memory_space<vmem>>) attributes {dimension_semantics = [#tpu.dimension_semantics<arbitrary>], iteration_bounds = array<i64: 5>, scalar_prefetch = 0 : i64, scratch_operands = 0 : i64, tpu.core_type = #tpu.core_type<tc>, window_params = [{transform_indices = @transform_0, window_bounds = array<i64: 2000, 128>}, {transform_indices = @transform_1, window_bounds = array<i64: 2000, 128>}, {transform_indices = @transform_2, window_bounds = array<i64: 2, 2000, 64>}, {transform_indices = @transform_3, window_bounds = array<i64: 2, 2000, 16>}, {pipeline_mode = #tpu.pipeline_mode<synchronous>, transform_indices = @transform_4, window_bounds = array<i64: 128, 128>}, {pipeline_mode = #tpu.pipeline_mode<synchronous>, transform_indices = @transform_5, window_bounds = array<i64: 64, 128>}, {pipeline_mode = #tpu.pipeline_mode<synchronous>, transform_indices = @transform_6, window_bounds = array<i64: 16, 128>}, {pipeline_mode = #tpu.pipeline_mode<synchronous>, transform_indices = @transform_7, window_bounds = array<i64: 1, 128>}, {pipeline_mode = #tpu.pipeline_mode<synchronous>, transform_indices = @transform_8, window_bounds = array<i64: 128, 128>}, {pipeline_mode = #tpu.pipeline_mode<synchronous>, transform_indices = @transform_9, window_bounds = array<i64: 128, 128>}, {pipeline_mode = #tpu.pipeline_mode<synchronous>, transform_indices = @transform_10, window_bounds = array<i64: 1, 128>}, {pipeline_mode = #tpu.pipeline_mode<synchronous>, transform_indices = @transform_11, window_bounds = array<i64: 128, 128>}, {pipeline_mode = #tpu.pipeline_mode<synchronous>, transform_indices = @transform_12, window_bounds = array<i64: 1, 128>}, {pipeline_mode = #tpu.pipeline_mode<synchronous>, transform_indices = @transform_13, window_bounds = array<i64: 1, 128>}, {pipeline_mode = #tpu.pipeline_mode<synchronous>, transform_indices = @transform_14, window_bounds = array<i64: 1, 128>}]} {
    %get3A = arith.constant 0 : index
    %get3A_0 = arith.constant 0 : index
    %get3A_1 = arith.constant 0 : index
    %get3A_2 = vector.load %arg3[%get3A, %get3A_0, %get3A_1] : memref<2x2000x64xf32, #tpu.memory_space<vmem>>, vector<1x2000x64xf32>
    %get3A_3 = vector.shape_cast %get3A_2 : vector<1x2000x64xf32> to vector<2000x64xf32>
    %get3A_4 = arith.constant 1 : index
    %get3A_5 = arith.constant 0 : index
    %get3A_6 = arith.constant 0 : index
    %get3A_7 = vector.load %arg3[%get3A_4, %get3A_5, %get3A_6] : memref<2x2000x64xf32, #tpu.memory_space<vmem>>, vector<1x2000x64xf32>
    %get3A_8 = vector.shape_cast %get3A_7 : vector<1x2000x64xf32> to vector<2000x64xf32>
    %add3A = arith.addf %get3A_3, %get3A_8 : vector<2000x64xf32>
    %get3A_9 = arith.constant 0 : index
    %get3A_10 = arith.constant 0 : index
    %get3A_11 = arith.constant 0 : index
    %get3A_12 = vector.load %arg4[%get3A_9, %get3A_10, %get3A_11] : memref<2x2000x16xf32, #tpu.memory_space<vmem>>, vector<1x2000x16xf32>
    %get3A_13 = vector.shape_cast %get3A_12 : vector<1x2000x16xf32> to vector<2000x16xf32>
    %get3A_14 = arith.constant 1 : index
    %get3A_15 = arith.constant 0 : index
    %get3A_16 = arith.constant 0 : index
    %get3A_17 = vector.load %arg4[%get3A_14, %get3A_15, %get3A_16] : memref<2x2000x16xf32, #tpu.memory_space<vmem>>, vector<1x2000x16xf32>
    %get3A_18 = vector.shape_cast %get3A_17 : vector<1x2000x16xf32> to vector<2000x16xf32>
    %add3A_19 = arith.addf %get3A_13, %get3A_18 : vector<2000x16xf32>
    %get3A_20 = arith.constant 0 : index
    %get3A_21 = arith.constant 0 : index
    %get3A_22 = vector.load %arg1[%get3A_20, %get3A_21] : memref<2000x128xf32, #tpu.memory_space<vmem>>, vector<2000x128xf32>
    %get3A_23 = arith.constant 0 : index
    %get3A_24 = arith.constant 0 : index
    %get3A_25 = vector.load %arg5[%get3A_23, %get3A_24] : memref<128x128xf32, #tpu.memory_space<vmem>>, vector<128x128xf32>
    %dot_general3A = arith.constant dense<0.000000e+00> : vector<2000x128xf32>
    %dot_general3A_26 = tpu.matmul %get3A_22, %get3A_25, %dot_general3A {dimension_numbers = #tpu.dot_dimension_numbers<[1], [0], [0], [1], [0, 0, 1, 1], [], []>, precision = #tpu.contract_precision<fp32>, transpose_lhs_hint = false} : vector<2000x128xf32>, vector<128x128xf32>, vector<2000x128xf32> -> vector<2000x128xf32>
    %get3A_27 = arith.constant 0 : index
    %get3A_28 = arith.constant 0 : index
    %get3A_29 = vector.load %arg6[%get3A_27, %get3A_28] : memref<64x128xf32, #tpu.memory_space<vmem>>, vector<64x128xf32>
    %dot_general3A_30 = arith.constant dense<0.000000e+00> : vector<2000x128xf32>
    %dot_general3A_31 = tpu.matmul %add3A, %get3A_29, %dot_general3A_30 {dimension_numbers = #tpu.dot_dimension_numbers<[1], [0], [0], [1], [0, 0, 1, 1], [], []>, precision = #tpu.contract_precision<fp32>, transpose_lhs_hint = false} : vector<2000x64xf32>, vector<64x128xf32>, vector<2000x128xf32> -> vector<2000x128xf32>
    %add3A_32 = arith.addf %dot_general3A_26, %dot_general3A_31 : vector<2000x128xf32>
    %get3A_33 = arith.constant 0 : index
    %get3A_34 = arith.constant 0 : index
    %get3A_35 = vector.load %arg7[%get3A_33, %get3A_34] : memref<16x128xf32, #tpu.memory_space<vmem>>, vector<16x128xf32>
    %dot_general3A_36 = arith.constant dense<0.000000e+00> : vector<2000x128xf32>
    %dot_general3A_37 = tpu.matmul %add3A_19, %get3A_35, %dot_general3A_36 {dimension_numbers = #tpu.dot_dimension_numbers<[1], [0], [0], [1], [0, 0, 1, 1], [], []>, precision = #tpu.contract_precision<fp32>, transpose_lhs_hint = false} : vector<2000x16xf32>, vector<16x128xf32>, vector<2000x128xf32> -> vector<2000x128xf32>
    %add3A_38 = arith.addf %add3A_32, %dot_general3A_37 : vector<2000x128xf32>
    %get3A_39 = arith.constant 0 : index
    %get3A_40 = arith.constant 0 : index
    %get3A_41 = vector.load %arg8[%get3A_39, %get3A_40] : memref<1x128xf32, #tpu.memory_space<vmem>>, vector<1x128xf32>
    %add3A_42 = vector.broadcast %get3A_41 : vector<1x128xf32> to vector<2000x128xf32>
    %add3A_43 = arith.addf %add3A_38, %add3A_42 : vector<2000x128xf32>
    %gt3A = arith.constant 0.000000e+00 : f32
    %gt3A_44 = vector.broadcast %gt3A : f32 to vector<2000x128xf32>
    %gt3A_45 = arith.cmpf ogt, %add3A_43, %gt3A_44 : vector<2000x128xf32>
    %exp3A = math.exp %add3A_43 : vector<2000x128xf32>
    %sub3A = arith.constant 1.000000e+00 : f32
    %sub3A_46 = vector.broadcast %sub3A : f32 to vector<2000x128xf32>
    %sub3A_47 = arith.subf %exp3A, %sub3A_46 : vector<2000x128xf32>
    %mul3A = arith.constant 1.67326319 : f32
    %mul3A_48 = vector.broadcast %mul3A : f32 to vector<2000x128xf32>
    %mul3A_49 = arith.mulf %mul3A_48, %sub3A_47 : vector<2000x128xf32>
    %select_n3A = arith.select %gt3A_45, %add3A_43, %mul3A_49 : vector<2000x128xi1>, vector<2000x128xf32>
    %mul3A_50 = arith.constant 1.05070102 : f32
    %mul3A_51 = vector.broadcast %mul3A_50 : f32 to vector<2000x128xf32>
    %mul3A_52 = arith.mulf %mul3A_51, %select_n3A : vector<2000x128xf32>
    %get3A_53 = arith.constant 0 : index
    %get3A_54 = arith.constant 0 : index
    %get3A_55 = vector.load %arg9[%get3A_53, %get3A_54] : memref<128x128xf32, #tpu.memory_space<vmem>>, vector<128x128xf32>
    %dot_general3A_56 = arith.constant dense<0.000000e+00> : vector<2000x128xf32>
    %dot_general3A_57 = tpu.matmul %mul3A_52, %get3A_55, %dot_general3A_56 {dimension_numbers = #tpu.dot_dimension_numbers<[1], [0], [0], [1], [0, 0, 1, 1], [], []>, precision = #tpu.contract_precision<fp32>, transpose_lhs_hint = false} : vector<2000x128xf32>, vector<128x128xf32>, vector<2000x128xf32> -> vector<2000x128xf32>
    %get3A_58 = arith.constant 0 : index
    %get3A_59 = arith.constant 0 : index
    %get3A_60 = vector.load %arg2[%get3A_58, %get3A_59] : memref<2000x128xf32, #tpu.memory_space<vmem>>, vector<2000x128xf32>
    %get3A_61 = arith.constant 0 : index
    %get3A_62 = arith.constant 0 : index
    %get3A_63 = vector.load %arg10[%get3A_61, %get3A_62] : memref<128x128xf32, #tpu.memory_space<vmem>>, vector<128x128xf32>
    %dot_general3A_64 = arith.constant dense<0.000000e+00> : vector<2000x128xf32>
    %dot_general3A_65 = tpu.matmul %get3A_60, %get3A_63, %dot_general3A_64 {dimension_numbers = #tpu.dot_dimension_numbers<[1], [0], [0], [1], [0, 0, 1, 1], [], []>, precision = #tpu.contract_precision<fp32>, transpose_lhs_hint = false} : vector<2000x128xf32>, vector<128x128xf32>, vector<2000x128xf32> -> vector<2000x128xf32>
    %add3A_66 = arith.addf %dot_general3A_57, %dot_general3A_65 : vector<2000x128xf32>
    %get3A_67 = arith.constant 0 : index
    %get3A_68 = arith.constant 0 : index
    %get3A_69 = vector.load %arg11[%get3A_67, %get3A_68] : memref<1x128xf32, #tpu.memory_space<vmem>>, vector<1x128xf32>
    %add3A_70 = vector.broadcast %get3A_69 : vector<1x128xf32> to vector<2000x128xf32>
    %add3A_71 = arith.addf %add3A_66, %add3A_70 : vector<2000x128xf32>
    %gt3A_72 = arith.constant 0.000000e+00 : f32
    %gt3A_73 = vector.broadcast %gt3A_72 : f32 to vector<2000x128xf32>
    %gt3A_74 = arith.cmpf ogt, %add3A_71, %gt3A_73 : vector<2000x128xf32>
    %exp3A_75 = math.exp %add3A_71 : vector<2000x128xf32>
    %sub3A_76 = arith.constant 1.000000e+00 : f32
    %sub3A_77 = vector.broadcast %sub3A_76 : f32 to vector<2000x128xf32>
    %sub3A_78 = arith.subf %exp3A_75, %sub3A_77 : vector<2000x128xf32>
    %mul3A_79 = arith.constant 1.67326319 : f32
    %mul3A_80 = vector.broadcast %mul3A_79 : f32 to vector<2000x128xf32>
    %mul3A_81 = arith.mulf %mul3A_80, %sub3A_78 : vector<2000x128xf32>
    %select_n3A_82 = arith.select %gt3A_74, %add3A_71, %mul3A_81 : vector<2000x128xi1>, vector<2000x128xf32>
    %mul3A_83 = arith.constant 1.05070102 : f32
    %mul3A_84 = vector.broadcast %mul3A_83 : f32 to vector<2000x128xf32>
    %mul3A_85 = arith.mulf %mul3A_84, %select_n3A_82 : vector<2000x128xf32>
    %reduce_sum3A = arith.constant dense<0.000000e+00> : vector<128xf32>
    %reduce_sum3A_86 = vector.multi_reduction <add>, %mul3A_85, %reduce_sum3A [0] : vector<2000x128xf32> to vector<128xf32>
    %broadcast_in_dim3A = vector.shape_cast %reduce_sum3A_86 : vector<128xf32> to vector<1x128xf32>
    %eq3A = arith.constant 0 : i32
    %eq3A_87 = arith.cmpi eq, %arg0, %eq3A : i32
    %convert_element_type3A = arith.extui %eq3A_87 : i1 to i32
    %cond3A = arith.constant 0 : i32
    %cond3A_88 = arith.cmpi ne, %convert_element_type3A, %cond3A : i32
    scf.if %cond3A_88 {
      %swap3A_108 = arith.constant 0 : index
      %swap3A_109 = arith.constant 0 : index
      %swap3A_110 = vector.load %arg14[%swap3A_108, %swap3A_109] : memref<1x128xf32, #tpu.memory_space<vmem>>, vector<1x128xf32>
      tpu.vector_store %arg14[%swap3A_108, %swap3A_109], %broadcast_in_dim3A {strides = array<i32>} : memref<1x128xf32, #tpu.memory_space<vmem>>, vector<1x128xf32>,
    } else {
    }
    %gt3A_89 = arith.constant 0 : i32
    %gt3A_90 = arith.cmpi sgt, %arg0, %gt3A_89 : i32
    %convert_element_type3A_91 = arith.extui %gt3A_90 : i1 to i32
    %cond3A_92 = arith.constant 0 : i32
    %cond3A_93 = arith.cmpi ne, %convert_element_type3A_91, %cond3A_92 : i32
    scf.if %cond3A_93 {
      %get3A_108 = arith.constant 0 : index
      %get3A_109 = arith.constant 0 : index
      %get3A_110 = vector.load %arg14[%get3A_108, %get3A_109] : memref<1x128xf32, #tpu.memory_space<vmem>>, vector<1x128xf32>
      %add3A_111 = arith.addf %get3A_110, %broadcast_in_dim3A : vector<1x128xf32>
      %swap3A_112 = arith.constant 0 : index
      %swap3A_113 = arith.constant 0 : index
      %swap3A_114 = vector.load %arg14[%swap3A_112, %swap3A_113] : memref<1x128xf32, #tpu.memory_space<vmem>>, vector<1x128xf32>
      tpu.vector_store %arg14[%swap3A_112, %swap3A_113], %add3A_111 {strides = array<i32>} : memref<1x128xf32, #tpu.memory_space<vmem>>, vector<1x128xf32>,
    } else {
    }
    %get3A_94 = arith.constant 0 : index
    %get3A_95 = arith.constant 0 : index
    %get3A_96 = vector.load %arg14[%get3A_94, %get3A_95] : memref<1x128xf32, #tpu.memory_space<vmem>>, vector<1x128xf32>
    %tanh3A = math.tanh %get3A_96 : vector<1x128xf32>
    %get3A_97 = arith.constant 0 : index
    %get3A_98 = arith.constant 0 : index
    %get3A_99 = vector.load %arg12[%get3A_97, %get3A_98] : memref<128x128xf32, #tpu.memory_space<vmem>>, vector<128x128xf32>
    %dot_general3A_100 = arith.constant dense<0.000000e+00> : vector<1x128xf32>
    %dot_general3A_101 = tpu.matmul %tanh3A, %get3A_99, %dot_general3A_100 {dimension_numbers = #tpu.dot_dimension_numbers<[1], [0], [0], [1], [0, 0, 1, 1], [], []>, precision = #tpu.contract_precision<fp32>, transpose_lhs_hint = false} : vector<1x128xf32>, vector<128x128xf32>, vector<1x128xf32> -> vector<1x128xf32>
    %get3A_102 = arith.constant 0 : index
    %get3A_103 = arith.constant 0 : index
    %get3A_104 = vector.load %arg13[%get3A_102, %get3A_103] : memref<1x128xf32, #tpu.memory_space<vmem>>, vector<1x128xf32>
    %add3A_105 = arith.addf %dot_general3A_101, %get3A_104 : vector<1x128xf32>
    %swap3A = arith.constant 0 : index
    %swap3A_106 = arith.constant 0 : index
    %swap3A_107 = vector.load %arg15[%swap3A, %swap3A_106] : memref<1x128xf32, #tpu.memory_space<vmem>>, vector<1x128xf32>
    tpu.vector_store %arg15[%swap3A, %swap3A_106], %add3A_105 {strides = array<i32>} : memref<1x128xf32, #tpu.memory_space<vmem>>, vector<1x128xf32>,
    return
  }
  func.func @transform_0(%arg0: i32) -> (i32, i32) {
    %c0_i32 = arith.constant 0 : i32
    %c0_i32_0 = arith.constant 0 : i32
    return %arg0, %c0_i32 : i32, i32
  }
  func.func @transform_1(%arg0: i32) -> (i32, i32) {
    %c0_i32 = arith.constant 0 : i32
    %c0_i32_0 = arith.constant 0 : i32
    return %arg0, %c0_i32 : i32, i32
  }
  func.func @transform_2(%arg0: i32) -> (i32, i32, i32) {
    %c0_i32 = arith.constant 0 : i32
    %c0_i32_0 = arith.constant 0 : i32
    %c0_i32_1 = arith.constant 0 : i32
    return %c0_i32, %arg0, %c0_i32_0 : i32, i32, i32
  }
  func.func @transform_3(%arg0: i32) -> (i32, i32, i32) {
    %c0_i32 = arith.constant 0 : i32
    %c0_i32_0 = arith.constant 0 : i32
    %c0_i32_1 = arith.constant 0 : i32
    return %c0_i32, %arg0, %c0_i32_0 : i32, i32, i32
  }
  func.func @transform_4(%arg0: i32) -> (i32, i32) {
    %c0_i32 = arith.constant 0 : i32
    %c0_i32_0 = arith.constant 0 : i32
    %c0_i32_1 = arith.constant 0 : i32
    return %c0_i32, %c0_i32_0 : i32, i32
  }
  func.func @transform_5(%arg0: i32) -> (i32, i32) {
    %c0_i32 = arith.constant 0 : i32
    %c0_i32_0 = arith.constant 0 : i32
    %c0_i32_1 = arith.constant 0 : i32
    return %c0_i32, %c0_i32_0 : i32, i32
  }
  func.func @transform_6(%arg0: i32) -> (i32, i32) {
    %c0_i32 = arith.constant 0 : i32
    %c0_i32_0 = arith.constant 0 : i32
    %c0_i32_1 = arith.constant 0 : i32
    return %c0_i32, %c0_i32_0 : i32, i32
  }
  func.func @transform_7(%arg0: i32) -> (i32, i32) {
    %c0_i32 = arith.constant 0 : i32
    %c0_i32_0 = arith.constant 0 : i32
    %c0_i32_1 = arith.constant 0 : i32
    return %c0_i32, %c0_i32_0 : i32, i32
  }
  func.func @transform_8(%arg0: i32) -> (i32, i32) {
    %c0_i32 = arith.constant 0 : i32
    %c0_i32_0 = arith.constant 0 : i32
    %c0_i32_1 = arith.constant 0 : i32
    return %c0_i32, %c0_i32_0 : i32, i32
  }
  func.func @transform_9(%arg0: i32) -> (i32, i32) {
    %c0_i32 = arith.constant 0 : i32
    %c0_i32_0 = arith.constant 0 : i32
    %c0_i32_1 = arith.constant 0 : i32
    return %c0_i32, %c0_i32_0 : i32, i32
  }
  func.func @transform_10(%arg0: i32) -> (i32, i32) {
    %c0_i32 = arith.constant 0 : i32
    %c0_i32_0 = arith.constant 0 : i32
    %c0_i32_1 = arith.constant 0 : i32
    return %c0_i32, %c0_i32_0 : i32, i32
  }
  func.func @transform_11(%arg0: i32) -> (i32, i32) {
    %c0_i32 = arith.constant 0 : i32
    %c0_i32_0 = arith.constant 0 : i32
    %c0_i32_1 = arith.constant 0 : i32
    return %c0_i32, %c0_i32_0 : i32, i32
  }
  func.func @transform_12(%arg0: i32) -> (i32, i32) {
    %c0_i32 = arith.constant 0 : i32
    %c0_i32_0 = arith.constant 0 : i32
    %c0_i32_1 = arith.constant 0 : i32
    return %c0_i32, %c0_i32_0 : i32, i32
  }
  func.func @transform_13(%arg0: i32) -> (i32, i32) {
    %c0_i32 = arith.constant 0 : i32
    %c0_i32_0 = arith.constant 0 : i32
    %c0_i32_1 = arith.constant 0 : i32
    return %c0_i32, %c0_i32_0 : i32, i32
  }
  func.func @transform_14(%arg0: i32) -> (i32, i32) {
    %c0_i32 = arith.constant 0 : i32
    %c0_i32_0 = arith.constant 0 : i32
    %c0_i32_1 = arith.constant 0 : i32
    return %c0_i32, %c0_i32_0 : i32, i32
  }
}

</mosaic_0001>

<sc_bundles>
// kernel: kernel.11.cloned.1.call-start
scs
__scs_entry_jumppad:
0x0: {  	(pc) =	sbr.rel $0x88, $3  }
0x1: {  	(tag) =	ssettag $0x0;
	lr =	simm.s32 $0x1  }
0x2: {  	[smem:$0x3F94] =	sst lr;
	_ =	strace $0xD0000000  }
0x3: {  	_ = 	snop  }
0x4: {  	_ = 	snop  }
0x5: {  	_ = 	snop  }
0x6: {  	_ = 	snop  }
0x7: {  	_ = 	snop  }
__scs_overlays_trampoline_lowered:
0x8: {  	[smem:$0x3FA3] =	sst s0  }
0x9: {  	[smem:$0x3FA4] =	sst s1  }
0xa: {  	[smem:$0x3FA5] =	sst s2  }
0xb: {  	[smem:$0x3FA6] =	sst s3  }
0xc: {  	[smem:$0x3FA7] =	sst s4  }
0xd: {  	[smem:$0x3FA8] =	sst s5  }
0xe: {  	[smem:$0x3FA9] =	sst s6  }
0xf: {  	[smem:$0x3FAA] =	sst s7  }
0x10: {  	[smem:$0x3FAB] =	sst s8  }
0x11: {  	[smem:$0x3FAC] =	sst s9;
	s0 =	simm.s32 @!p0 $0x0  }
0x12: {  	s1 =	sld [smem:$0x3F92];
	s0 =	simm.s32 @p0 $0x1  }
0x13: {  	[smem:$0x3FAD] =	sst s0;
	s0 =	simm.s32 @!p1 $0x0  }
0x14: {  	s2 =	sld [smem:$0x3F91];
	s0 =	simm.s32 @p1 $0x1  }
0x15: {  	[smem:$0x3FAE] =	sst s0;
	s0 =	simm.s32 @!p2 $0x0  }
0x16: {  	s3 =	sld [smem:$0x3FDB];
	s0 =	simm.s32 @p2 $0x1  }
0x17: {  	s4 =	simm.s32 $0x1BF5;
	[smem:$0x3FB0] =	sst s0  }
0x18: {  	s0 =	sld [smem:$0x3F93];
	_ =	swait.ge [sflag:s4], $0x0  }
0x19: {  	s7 =	sld [smem:$0x3F94]  }
0x1a: {  	s8 =	sadd.s32 $0xFFFFE003, lr  }
0x1b: {  	s9 =	sadd.s32 $0xFFFFFEF7, lr;
	s5 =	simm.s32 $0xFFFFFFFF;
	p2 =	slt.u32 s8, $0xFFFFF086  }
0x1c: {  	p1 =	slt.u32 s9, $0xF7A;
	s5 =	simm.s32 @!p2 $0x0  }
0x1d: {  	s5 =	simm.s32 @p1 $0x1;
	p0 =	seq.s32 s7, s2  }
0x1e: {  	s7 =	smul.u32 @!p0 $0xF7A, s2;
	p2 =	seq.s32 @!p0 s5, $0x0  }
0x1f: {  	s9 =	smul.u32 $0xF7A, s1;
	s8 =	simm.s32 @!p0 $0x1BF5;
	p2 =	por !p2, p0  }
0x20: {  	[sflag:s8] =	ssyncset.s32 @!p0 $0xFFFFF086;
	s6 =	sadd.s32 @!p0 s3, s7;
	s7 =	simm.s32 @!p0 $0x108  }
0x21: {  	s3 =	sadd.s32 s3, s9;
	s6 =	sadd.s32 @!p0 $0x88, s6;
	s7 =	simm.s32 @p2 $0x1082  }
0x22: {  	[simem:s7], [sflag:s8] =	dma.local @!p0 [hbm:s6], $0xF7A  }
0x23: {  	s9 =	sor.u32 $0xD0000000, s2;
	s6 =	simm.s32 $0x108;
	_ =	swait.ge @!p0 [sflag:s8], $0x0  }
0x24: {  	s3 =	sadd.s32 $0x88, s3;
	s6 =	simm.s32 @!p1 $0x1082;
	[sflag:s4] =	ssyncset.s32 $0xFFFFF086  }
0x25: {  	[simem:s6], [sflag:s4] =	dma.local [hbm:s3], $0xF7A  }
0x26: {  	[smem:$0x3F94] =	sst s1;
	(tag) =	ssettag s2;
	_ =	strace s9  }
0x27: {  	s1 =	sld [smem:$0x3FA4]  }
0x28: {  	s2 =	sld [smem:$0x3FA5]  }
0x29: {  	s4 =	sld [smem:$0x3FA7]  }
0x2a: {  	p0 =	seq.s32 s5, $0x0;
	s5 =	sld [smem:$0x3FA8]  }
0x2b: {  	s6 =	sld [smem:$0x3FA9]  }
0x2c: {  	s7 =	sld [smem:$0x3FAA]  }
0x2d: {  	s3 =	simm.s32 $0x108;
	s8 =	sld [smem:$0x3FAB]  }
0x2e: {  	s3 =	simm.s32 @!p0 $0x1082;
	s9 =	sld [smem:$0x3FAC]  }
0x2f: {  	lr =	sadd.s32 s0, s3;
	s0 =	sld [smem:$0x3FA3]  }
0x30: {  	s3 =	sld [smem:$0x3FA6]  }
0x31: {  	[smem:$0x3FAF] =	sst s10  }
0x32: {  	s10 =	sld [smem:$0x3FAD];
	_ =	sdelay $0x3  }
0x33: {  	p0 =	seq.s32 s10, $0x1;
	s10 =	sld [smem:$0x3FAF];
	_ =	sdelay $0x3  }
0x34: {  	[smem:$0x3FAF] =	sst s10  }
0x35: {  	s10 =	sld [smem:$0x3FAE];
	_ =	sdelay $0x3  }
0x36: {  	p1 =	seq.s32 s10, $0x1;
	s10 =	sld [smem:$0x3FAF];
	_ =	sdelay $0x3  }
0x37: {  	[smem:$0x3FAF] =	sst s10  }
0x38: {  	s10 =	sld [smem:$0x3FB0]  }
0x39: {  	_ = 	snop;
	(pc) =	sbr.ind lr, $3  }
0x3a: {  	_ = 	snop  }
0x3b: {  	_ = 	snop  }
0x3c: {  	p2 =	seq.s32 s10, $0x1;
	s10 =	sld [smem:$0x3FAF]  }
0x3d: {  	_ =	shalt  }
0x3e: {  	_ =	shalt  }
0x3f: {  	_ =	shalt  }
0x40: {  	_ =	shalt  }
0x41: {  	_ =	shalt  }
0x42: {  	_ =	shalt  }
0x43: {  	_ =	shalt  }
0x44: {  	_ =	shalt  }
0x45: {  	_ =	shalt  }
0x46: {  	_ =	shalt  }
0x47: {  	_ =	shalt  }
0x48: {  	_ =	shalt  }
0x49: {  	_ =	shalt  }
0x4a: {  	_ =	shalt  }
0x4b: {  	_ =	shalt  }
0x4c: {  	_ =	shalt  }
0x4d: {  	_ =	shalt  }
0x4e: {  	_ =	shalt  }
0x4f: {  	_ =	shalt  }
0x50: {  	_ =	shalt  }
0x51: {  	_ =	shalt  }
0x52: {  	_ =	shalt  }
0x53: {  	_ =	shalt  }
0x54: {  	_ =	shalt  }
0x55: {  	_ =	shalt  }
0x56: {  	_ =	shalt  }
0x57: {  	_ =	shalt  }
0x58: {  	_ =	shalt  }
0x59: {  	_ =	shalt  }
0x5a: {  	_ =	shalt  }
0x5b: {  	_ =	shalt  }
0x5c: {  	_ =	shalt  }
0x5d: {  	_ =	shalt  }
0x5e: {  	_ =	shalt  }
0x5f: {  	_ =	shalt  }
0x60: {  	_ =	shalt  }
0x61: {  	_ =	shalt  }
0x62: {  	_ =	shalt  }
0x63: {  	_ =	shalt  }
0x64: {  	_ =	shalt  }
0x65: {  	_ =	shalt  }
0x66: {  	_ =	shalt  }
0x67: {  	_ =	shalt  }
0x68: {  	_ =	shalt  }
0x69: {  	_ =	shalt  }
0x6a: {  	_ =	shalt  }
0x6b: {  	_ =	shalt  }
0x6c: {  	_ =	shalt  }
0x6d: {  	_ =	shalt  }
0x6e: {  	_ =	shalt  }
0x6f: {  	_ =	shalt  }
0x70: {  	_ =	shalt  }
0x71: {  	_ =	shalt  }
0x72: {  	_ =	shalt  }
0x73: {  	_ =	shalt  }
0x74: {  	_ =	shalt  }
0x75: {  	_ =	shalt  }
0x76: {  	_ =	shalt  }
0x77: {  	_ =	shalt  }
0x78: {  	_ =	shalt  }
0x79: {  	_ =	shalt  }
0x7a: {  	_ =	shalt  }
0x7b: {  	_ =	shalt  }
0x7c: {  	_ =	shalt  }
0x7d: {  	_ =	shalt  }
0x7e: {  	_ =	shalt  }
0x7f: {  	_ =	shalt  }
0x80: {  	_ =	shalt  }
0x81: {  	_ =	shalt  }
0x82: {  	_ =	shalt  }
0x83: {  	_ =	shalt  }
0x84: {  	_ =	shalt  }
0x85: {  	_ =	shalt  }
0x86: {  	_ =	shalt  }
0x87: {  	_ =	shalt  }
.Lfunc_end0:
.L_simem_size_0:
called_computation_lowered:
.L_overlay_start_0:
0x88: {  	s2 =	sld [smem:$0x3FD9]  }
0x89: {  	s3 =	sld [smem:$0x3FFE];
	_ =	sdelay $0x1  }
0x8a: {  	s1 =	srdreg.scid  }
0x8b: {  	s0 =	sand.u32 $0x1, s1  }
0x8c: {  	s17 =	sshll.u32 s0, $0xA;
	s2 =	sadd.s32 s3, s2  }
0x8d: {  	s2 =	sadd.s32 s2, s17  }
0x8e: {  	[smem:$0x3FBB] =	sst s2  }
0x8f: {  	_ = 	snop  }
0x90: {  	(tm) =	ssettm $0x1  }
0x91: {  	s18 =	sld [smem:$0x3FFB];
	_ =	sdelay $0x3  }
0x92: {  	_ =	strace s18  }
0x93: {  	s2 =	sld [smem:$0x3FFC];
	_ =	sdelay $0x3  }
0x94: {  	_ =	strace s2  }
0x95: {  	s2 =	sld [smem:$0x3FFD];
	_ =	sdelay $0x3  }
0x96: {  	_ =	strace s2  }
0x97: {  	_ =	strace $0x8FFFFFFF  }
0x98: {  	s19 =	sld [smem:$0x3FDB];
	_ =	sdelay $0x1  }
0x99: {  	s20 =	simm.s32 $_scs_section_size  }
0x9a: {  	s4 =	simm.s32 $_size__tile_overlayer_lowered;
	s5 =	simm.s32 $_tile_overlayer_lowered  }
0x9b: {  	s6 =	simm.s32 $0x1BFF;
	s21 =	sshll.u32 s5, $0x1;
	s3 =	sadd.s32 s20, s19  }
0x9c: {  	s22 =	simm.s32 $0x0;
	s4 =	sshll.u32 s4, $0x1;
	s5 =	sadd.s32 s21, s3  }
0x9d: {  	[timem:s22], [sflag:s6] =	dma.local [hbm:s5], s4  }
0x9e: {  	_ =	swait.ge [sflag:s6], s4  }
0x9f: {  	s4 =	ssub.s32 $0x0, s4;
	[sflag:s6] =	ssyncset.done $0x0  }
0xa0: {  	[sflag:s6] =	ssyncadd.s32 s4;
	_ =	sdelay $0x1  }
0xa1: {  	s23 =	simm.s32 $0x1B8B  }
0xa2: {  	_ =	swait.ge [sflag:s23], $0x1  }
0xa3: {  	[sflag:s23] =	ssyncset.done $0x0  }
0xa4: {  	[sflag:s23] =	ssyncadd.s32 $0xFFFFFFFF  }
0xa5: {  	s4 =	sld [smem:$0x0]  }
0xa6: {  	s5 =	sand.u32 $0xFFFFFFFE, s1  }
0xa7: {  	p0 =	sne.s32 s1, s5  }
0xa8: {  	s5 =	sshll.u32 @p0 s5, $0xE  }
0xa9: {  	s5 =	sadd.s32 @p0 $0x11B8D, s5;
	s6 =	sshll.u32 @p0 s4, $0x11  }
0xaa: {  	s5 =	sor.u32 @p0 s6, s5  }
0xab: {  	[sflag:s5] =	ssyncadd.remote.s32 @p0 $0x1;
	_ =	sdelay $0x1  }
0xac: {  	s5 =	simm.s32 @p0 $0x1B8D  }
0xad: {  	_ =	swait.eq @p0 [sflag:s5], $0x1  }
0xae: {  	[sflag:s5] =	ssyncadd.s32 @p0 $0xFFFFFFFF  }
0xaf: {  	s6 =	sshll.u32 @!p0 s1, $0xE  }
0xb0: {  	s6 =	sor.u32 @!p0 $0x4000, s6;
	s5 =	simm.s32 @!p0 $0x1B8D  }
0xb1: {  	s4 =	sshll.u32 @!p0 s4, $0x11;
	s6 =	sadd.s32 @!p0 $0x11B8D, s6;
	_ =	swait.eq @!p0 [sflag:s5], $0x1  }
0xb2: {  	s4 =	sor.u32 @!p0 s4, s6;
	[sflag:s5] =	ssyncadd.s32 @!p0 $0xFFFFFFFF  }
0xb3: {  	s25 =	simm.s32 $0x1B8E;
	s24 =	sld [smem:$0x3FFE];
	[sflag:s4] =	ssyncadd.remote.s32 @!p0 $0x1  }
0xb4: {  	s26 =	simm.s32 $execute0_lowered;
	[smem:$0x3FD2] =	sst s25  }
0xb5: {  	s5 =	sshll.u32 s26, $0x1;
	_ =	strace $0x80000049;
	[dreg:$0x1] =	wrdreg $0xFFFFFFFF  }
0xb6: {  	s28 =	simm.s32 $_size_execute0_lowered;
	s3 =	sadd.s32 s3, s5;
	[dreg:$0x0] =	wrdreg $0x0  }
0xb7: {  	s5 =	sshll.u32 s28, $0x1;
	[dreg:$0x2] =	wrdreg s3  }
0xb8: {  	[dreg:$0x3] =	wrdreg s5  }
0xb9: {  	[dreg:$0x4] =	wrdreg $0xC0  }
0xba: {  	_ =	task [dreg:s22], $0x5FFFF  }
0xbb: {  	[dreg:$0x1] =	wrdreg $0xFFFFFFFF  }
0xbc: {  	[dreg:$0x0] =	wrdreg $0x60  }
0xbd: {  	[dreg:$0x2] =	wrdreg s24  }
0xbe: {  	[dreg:$0x3] =	wrdreg $0x36100  }
0xbf: {  	[dreg:$0x4] =	wrdreg $0x9  }
0xc0: {  	_ =	task.clear_ibuf [dreg:s22], $0x5FFFF;
	_ =	strace $0x90000049  }
0xc1: {  	s29 =	simm.s32 $0x9;
	_ =	strace $0x8000004B  }
0xc2: {  	_ =	swait.ge [sflag:s29], $0x1  }
0xc3: {  	[sflag:s29] =	ssyncadd.s32 $0xFFFFFFFF  }
0xc4: {  	_ =	strace $0x9000004B  }
0xc5: {  	_ =	sfence  }
0xc6: {  	s30 =	sld [smem:$0x0];
	_ =	sdelay $0x2  }
0xc7: {  	s31 =	sshll.u32 s1, $0xD;
	s1 =	sshrl.u32 s1, $0x2  }
0xc8: {  	s4 =	sand.u32 $0x4000, s31;
	s1 =	sadd.s32 s1, s30  }
0xc9: {  	s0 =	sor.u32 s4, s0;
	s1 =	sshll.u32 s1, $0x11  }
0xca: {  	s0 =	sor.u32 s1, s0  }
0xcb: {  	s0 =	sadd.s32 $0x8F2B, s0  }
0xcc: {  	[sflag:s0] =	ssyncadd.remote.s32 $0x1  }
0xcd: {  	_ =	sfence.sel $0xFFFF  }
0xce: {  	[dreg:$0x0] =	wrdreg $0xFFFFFFFF;
	(pc) =	sbr.abs _section_cstart, $3  }
0xcf: {  	[dreg:$0x1] =	wrdreg $0xFFFFFFFF  }
0xd0: {  	_ =	task.clear_ibuf [dreg:s22], $0x2FFFF;
	_ =	strace $0x9FFFFFFF  }
0xd1: {  	(tm) =	ssettm $0x7FFFFFFF  }
tec
execute0_lowered:
.L_overlay_start_1:
0x0: {  	(tag) =	ssettag $0x1  }
0x1: {  	s4 =	rddreg [dreg:$0x0]  }
0x2: {  	s0 =	srdreg.scid;
	s2 =	rddreg [dreg:$0x1]  }
0x3: {  	s3 =	simm.s32 $0x0;
	s16 =	simm.s32 $0x3110;
	s17 =	simm.s32 $0x1  }
0x4: {  	s18 =	simm.s32 $0x50;
	s19 =	simm.s32 $0x2;
	s20 =	simm.s32 $0x3  }
0x5: {  	s21 =	simm.s32 $0x2670;
	s5 =	sand.u32 $0x1, s0;
	s0 =	stileid.u32  }
0x6: {  	s22 =	simm.s32 $0x26C0;
	s23 =	simm.s32 $0x0;
	s8 =	smul.u32 $0x2710, s0  }
0x7: {  	[smem:$0x7FF] =	sst s3;
	s10 =	sadd.s32 $0x68C00, s4;
	s9 =	smul.u32 $0x27100, s5  }
0x8: {  	s1 =	sshll.u32 s5, $0x4;
	s12 =	ssub.s32 $0x2, s5;
	s30 =	smul.u32 $0x4E200, s5  }
0x9: {  	s29 =	sshll.u32 s0, $0x6;
	s15 =	smul.u32 $0x4E20, s0;
	s6 =	sor.u32 s0, s1  }
0xa: {  	s1 =	rddreg [dreg:$0x2];
	_ =	strace $0x8000004A;
	s28 =	sshrl.u32 s12, $0x1  }
0xb: {  	s5 =	sor.u32 $0x1C04, s29;
	s7 =	smul.u32 $0x4E2, s6;
	s11 =	sshrl.u32 s8, $0x3  }
0xc: {  	s9 =	sadd.s32 s8, s9;
	s13 =	smul.u32 $0x4E20, s6;
	s12 =	ssub.s32 s12, s28  }
0xd: {  	s14 =	sadd.s32 s8, s2;
	s6 =	smul.u32 $0x27100, s6;
	s9 =	sshrl.u32 s9, $0x3  }
0xe: {  	s11 =	sadd.s32 s11, s4;
	s7 =	sadd.s32 s7, s4;
	s9 =	sadd.s32 s9, s4  }
0xf: {  	s4 =	sadd.s32 $0x105000, s11;
	s31 =	sshrl.u32 s6, $0x3;
	s11 =	sadd.s32 s30, s10  }
0x10: {  	s6 =	sadd.s32 $0x5A00, s7;
	s8 =	sadd.s32 s10, s31;
	s7 =	sadd.s32 s10, s13  }
0x11: {  	s11 =	sadd.s32 s15, s11;
	s9 =	sadd.s32 $0x10A000, s9;
	s10 =	smax.u32 s12, $0x1  }
0x12: {  	s12 =	sshrl.u32 s14, $0x3;
	s13 =	simm.s32 $0x4;
	s14 =	simm.s32 $0x2710  }
0x13: {  	s15 =	simm.s32 $0x2C10;
	s8 =	sadd.s32 $0xA0, s8;
	s11 =	sadd.s32 $0x280, s11  }
.LBB2_1:
0x14: {  	[spmem:s12], [sflag:s5] =	dma.local [hbm:s4], $0x4E2  }
0x15: {  	_ =	swait.ge [sflag:s13], $0x4E2  }
0x16: {  	[sflag:s13] =	ssyncset.done $0x0  }
0x17: {  	[sflag:s13] =	ssyncadd.s32 $0xFFFFFB1E  }
0x18: {  	[tilespmem:s3], [sflag:$0x4] =	stream.linear.gather [hbm4b:s6+s3], $0x2710, $0x38;
	[tilespmem:$0x5D20] =	vst v63  }
0x19: {  	_ =	swait.ge [sflag:s13], $0x2710  }
0x1a: {  	[sflag:s13] =	ssyncset.done $0x0  }
0x1b: {  	[sflag:s13] =	ssyncadd.s32 $0xFFFFD8F0  }
0x1c: {  	[bflag:$0x0] =	sbarrier.arrive $0xFFFF  }
0x1d: {  	[tilespmem:s14], [sflag:$0x1] =	stream.linear.gather [hbm4b:s7+s3], $0x500, $0x38;
	[tilespmem:$0x5D20] =	vst v63  }
0x1e: {  	_ = 	snop  }
0x1f: {  	[tilespmem:s15], [sflag:$0x2] =	stream.linear.gather [hbm4b:s8+s3], $0x500, $0x38;
	[tilespmem:$0x5D20] =	vst v63  }
0x20: {  	s24 =	sadd.s32 $0xFFFFFEC0, s11  }
0x21: {  	[tilespmem:s16], [sflag:$0x3] =	stream.linear.gather [hbm4b:s24+s3], $0x500, $0x38;
	[tilespmem:$0x5D20] =	vst v63  }
0x22: {  	_ =	swait.ge [sflag:s17], $0x500  }
0x23: {  	[sflag:s17] =	ssyncset.done $0x0  }
0x24: {  	s28 =	simm.s32 $0x0;
	[sflag:s17] =	ssyncadd.s32 $0xFFFFFB00  }
0x25: {  	[spmem:s2] =	stream.indirect.scatter.add.f32 [tilespmem:s14], [sflag:$0x4], $0x10, s28, s18, $0xb8;
	[tilespmem:$0x5D20] =	vst v63  }
0x26: {  	_ =	swait.ge [sflag:s13], $0x500  }
0x27: {  	[sflag:s13] =	ssyncset.done $0x0  }
0x28: {  	s29 =	sadd.s32 $0xFFFFFF60, s11;
	[sflag:s13] =	ssyncadd.s32 $0xFFFFFB00  }
0x29: {  	[tilespmem:s14], [sflag:$0x1] =	stream.linear.gather [hbm4b:s29+s3], $0x500, $0x38;
	[tilespmem:$0x5D20] =	vst v63  }
0x2a: {  	_ =	swait.ge [sflag:s19], $0x500  }
0x2b: {  	[sflag:s19] =	ssyncset.done $0x0  }
0x2c: {  	s30 =	simm.s32 $0x50;
	[sflag:s19] =	ssyncadd.s32 $0xFFFFFB00  }
0x2d: {  	[spmem:s2] =	stream.indirect.scatter.add.f32 [tilespmem:s15], [sflag:$0x4], $0x10, s30, s18, $0xb8;
	[tilespmem:$0x5D20] =	vst v63  }
0x2e: {  	_ =	swait.ge [sflag:s13], $0x500  }
0x2f: {  	[sflag:s13] =	ssyncset.done $0x0  }
0x30: {  	[sflag:s13] =	ssyncadd.s32 $0xFFFFFB00  }
0x31: {  	[tilespmem:s15], [sflag:$0x2] =	stream.linear.gather [hbm4b:s11+s3], $0x500, $0x38;
	[tilespmem:$0x5D20] =	vst v63  }
0x32: {  	_ =	swait.ge [sflag:s20], $0x500  }
0x33: {  	[sflag:s20] =	ssyncset.done $0x0  }
0x34: {  	s31 =	simm.s32 $0xA0;
	[sflag:s20] =	ssyncadd.s32 $0xFFFFFB00  }
0x35: {  	[spmem:s2] =	stream.indirect.scatter.add.f32 [tilespmem:s16], [sflag:$0x4], $0x10, s31, s18, $0xb8;
	[tilespmem:$0x5D20] =	vst v63  }
0x36: {  	s25 =	simm.s32 $0x3C0;
	_ =	swait.ge [sflag:s13], $0x500  }
0x37: {  	s26 =	simm.s32 $0x780;
	s24 =	sadd.s32 $0x1E0, s11;
	[sflag:s13] =	ssyncset.done $0x0  }
.LBB2_2:
0x38: {  	p0 =	sne.s32 s26, $0x9600;
	s28 =	sadd.s32 $0xFFFFFEC0, s24;
	[sflag:s13] =	ssyncadd.s32 $0xFFFFFB00  }
0x39: {  	[tilespmem:s16], [sflag:$0x3] =	stream.linear.gather [hbm4b:s28+s3], $0x500, $0x38;
	[tilespmem:$0x5D20] =	vst v63  }
0x3a: {  	s28 =	smov.u32 s26;
	s26 =	sadd.s32 $0x3C0, s26;
	_ =	swait.ge [sflag:s17], $0x500  }
0x3b: {  	[sflag:s17] =	ssyncset.done $0x0  }
0x3c: {  	s29 =	sshra.s32 s25, $0x2;
	s25 =	smov.u32 s28;
	[sflag:s17] =	ssyncadd.s32 $0xFFFFFB00  }
0x3d: {  	[spmem:s2] =	stream.indirect.scatter.add.f32 [tilespmem:s14], [sflag:$0x4], $0x10, s29, s18, $0xb8;
	[tilespmem:$0x5D20] =	vst v63  }
0x3e: {  	_ =	swait.ge [sflag:s13], $0x500  }
0x3f: {  	[sflag:s13] =	ssyncset.done $0x0  }
0x40: {  	s28 =	sadd.s32 $0xFFFFFF60, s24;
	[sflag:s13] =	ssyncadd.s32 $0xFFFFFB00  }
0x41: {  	[tilespmem:s14], [sflag:$0x1] =	stream.linear.gather [hbm4b:s28+s3], $0x500, $0x38;
	[tilespmem:$0x5D20] =	vst v63  }
0x42: {  	_ =	swait.ge [sflag:s19], $0x500  }
0x43: {  	[sflag:s19] =	ssyncset.done $0x0  }
0x44: {  	s28 =	sadd.s32 $0x50, s29;
	[sflag:s19] =	ssyncadd.s32 $0xFFFFFB00  }
0x45: {  	[spmem:s2] =	stream.indirect.scatter.add.f32 [tilespmem:s15], [sflag:$0x4], $0x10, s28, s18, $0xb8;
	[tilespmem:$0x5D20] =	vst v63  }
0x46: {  	_ =	swait.ge [sflag:s13], $0x500  }
0x47: {  	[sflag:s13] =	ssyncset.done $0x0  }
0x48: {  	[sflag:s13] =	ssyncadd.s32 $0xFFFFFB00  }
0x49: {  	[tilespmem:s15], [sflag:$0x2] =	stream.linear.gather [hbm4b:s24+s3], $0x500, $0x38;
	[tilespmem:$0x5D20] =	vst v63  }
0x4a: {  	_ =	swait.ge [sflag:s20], $0x500  }
.Ltmp0:
0x4b: {  	[sflag:s20] =	ssyncset.done $0x0;
	(pc) =	sbr.rel @p0 .LBB2_2-.Ltmp0, $4  }
0x4c: {  	s28 =	sadd.s32 $0xA0, s29;
	[sflag:s20] =	ssyncadd.s32 $0xFFFFFB00  }
0x4d: {  	[spmem:s2] =	stream.indirect.scatter.add.f32 [tilespmem:s16], [sflag:$0x4], $0x10, s28, s18, $0xb8;
	[tilespmem:$0x5D20] =	vst v63  }
0x4e: {  	_ =	swait.ge [sflag:s13], $0x500  }
0x4f: {  	s24 =	sadd.s32 $0x1E0, s24;
	[sflag:s13] =	ssyncset.done $0x0  }
0x50: {  	s26 =	sadd.s32 $0xFFFFFEC0, s24;
	[sflag:s13] =	ssyncadd.s32 $0xFFFFFB00  }
0x51: {  	[tilespmem:s16], [sflag:$0x3] =	stream.linear.gather [hbm4b:s26+s3], $0x500, $0x38;
	[tilespmem:$0x5D20] =	vst v63  }
0x52: {  	_ =	swait.ge [sflag:s17], $0x500  }
0x53: {  	[sflag:s17] =	ssyncset.done $0x0  }
0x54: {  	s25 =	sshra.s32 s25, $0x2;
	[sflag:s17] =	ssyncadd.s32 $0xFFFFFB00  }
0x55: {  	[spmem:s2] =	stream.indirect.scatter.add.f32 [tilespmem:s14], [sflag:$0x4], $0x10, s25, s18, $0xb8;
	[tilespmem:$0x5D20] =	vst v63  }
0x56: {  	_ =	swait.ge [sflag:s13], $0x500  }
0x57: {  	[sflag:s13] =	ssyncset.done $0x0  }
0x58: {  	s29 =	sadd.s32 $0xFFFFFF60, s24;
	[sflag:s13] =	ssyncadd.s32 $0xFFFFFB00  }
0x59: {  	[tilespmem:s14], [sflag:$0x1] =	stream.linear.gather [hbm4b:s29+s3], $0x500, $0x38;
	[tilespmem:$0x5D20] =	vst v63  }
0x5a: {  	_ =	swait.ge [sflag:s19], $0x500  }
0x5b: {  	[sflag:s19] =	ssyncset.done $0x0  }
0x5c: {  	s30 =	sadd.s32 $0x50, s25;
	[sflag:s19] =	ssyncadd.s32 $0xFFFFFB00  }
0x5d: {  	[spmem:s2] =	stream.indirect.scatter.add.f32 [tilespmem:s15], [sflag:$0x4], $0x10, s30, s18, $0xb8;
	[tilespmem:$0x5D20] =	vst v63  }
0x5e: {  	_ =	swait.ge [sflag:s13], $0x500  }
0x5f: {  	[sflag:s13] =	ssyncset.done $0x0  }
0x60: {  	[sflag:s13] =	ssyncadd.s32 $0xFFFFFB00  }
0x61: {  	[tilespmem:s15], [sflag:$0x2] =	stream.linear.gather [hbm4b:s24+s3], $0x500, $0x38;
	[tilespmem:$0x5D20] =	vst v63  }
0x62: {  	_ =	swait.ge [sflag:s20], $0x500  }
0x63: {  	[sflag:s20] =	ssyncset.done $0x0  }
0x64: {  	s31 =	sadd.s32 $0xA0, s25;
	[sflag:s20] =	ssyncadd.s32 $0xFFFFFB00  }
0x65: {  	[spmem:s2] =	stream.indirect.scatter.add.f32 [tilespmem:s16], [sflag:$0x4], $0x10, s31, s18, $0xb8;
	[tilespmem:$0x5D20] =	vst v63  }
0x66: {  	_ =	swait.ge [sflag:s13], $0x500  }
0x67: {  	[sflag:s13] =	ssyncset.done $0x0  }
0x68: {  	[sflag:s13] =	ssyncadd.s32 $0xFFFFFB00  }
0x69: {  	_ =	swait.ge [sflag:s17], $0x500  }
0x6a: {  	[sflag:s17] =	ssyncset.done $0x0  }
0x6b: {  	[sflag:s17] =	ssyncadd.s32 $0xFFFFFB00  }
0x6c: {  	[spmem:s2] =	stream.indirect.scatter.add.f32 [tilespmem:s14], [sflag:$0x4], $0x10, s21, s18, $0xb8;
	[tilespmem:$0x5D20] =	vst v63  }
0x6d: {  	_ =	swait.ge [sflag:s13], $0x500  }
0x6e: {  	[sflag:s13] =	ssyncset.done $0x0  }
0x6f: {  	[sflag:s13] =	ssyncadd.s32 $0xFFFFFB00  }
0x70: {  	_ =	swait.ge [sflag:s19], $0x500  }
0x71: {  	[sflag:s19] =	ssyncset.done $0x0  }
0x72: {  	[sflag:s19] =	ssyncadd.s32 $0xFFFFFB00  }
0x73: {  	[spmem:s2] =	stream.indirect.scatter.add.f32 [tilespmem:s15], [sflag:$0x4], $0x10, s22, s18, $0xb8;
	[tilespmem:$0x5D20] =	vst v63  }
0x74: {  	_ =	swait.ge [sflag:s13], $0x500  }
0x75: {  	s23 =	sadd.s32 $0x1, s23;
	[sflag:s13] =	ssyncset.done $0x0  }
0x76: {  	p0 =	sne.s32 s23, s10;
	[sflag:s13] =	ssyncadd.s32 $0xFFFFFB00  }
.Ltmp1:
0x77: {  	[bflag:$0x0] =	sbarrier.arrive $0xFFFF;
	(pc) =	sbr.rel @p0 .LBB2_1-.Ltmp1, $4  }
0x78: {  	[hbm:s9], [sflag:s5] =	dma.local [spmem:s12], $0x4E2  }
0x79: {  	_ =	swait.ge [sflag:s13], $0x4E2  }
0x7a: {  	[sflag:s13] =	ssyncset.done $0x0  }
0x7b: {  	[sflag:s13] =	ssyncadd.s32 $0xFFFFFB1E  }
0x7c: {  	_ =	sfence.sel $0x180000  }
0x7d: {  	[bflag:$0x0] =	sbarrier.arrive $0xFFFF  }
0x7e: {  	p0 =	sne.s32 s0, $0x0;
	_ =	strace $0x9000004A  }
0x7f: {  	s0 =	sadd.s32 @!p0 $0x100000, s1;
	[bflag:$0x2] =	sbarrier.arrive $0xFFFF  }
0x80: {  	[sflag:s0] =	ssyncadd.tile.s32 @!p0 $0x1;
	_ =	shalt  }
.Lfunc_end2:
_tile_overlayer_lowered:
.L_overlay_start_2:
0x81: {  	(tag) =	ssettag $0x2  }
0x82: {  	s0 =	rddreg [dreg:$0x0];
	s2 =	stileid.u32  }
0x83: {  	s1 =	rddreg [dreg:$0x1];
	p0 =	sne.s32 s2, $0x0  }
0x84: {  	s3 =	rddreg [dreg:$0x2];
	[bflag:$0x3] =	sbarrier.arrive $0xFFFF;
	s2 =	simm.s32 @!p0 $0x1C04  }
0x85: {  	[timem:s3], [sflag:s2] =	dma.local @!p0 [hbm:s0], s1  }
0x86: {  	s0 =	simm.s32 @!p0 $0x4  }
0x87: {  	_ =	swait.ge @!p0 [sflag:s0], s1  }
0x88: {  	s1 =	ssub.s32 @!p0 $0x0, s1;
	[sflag:s0] =	ssyncset.done @!p0 $0x0  }
0x89: {  	[sflag:s0] =	ssyncadd.s32 @!p0 s1  }
0x8a: {  	[bflag:$0x3] =	sbarrier.arrive $0xFFFF  }
0x8b: {  	_ =	shalt  }

// kernel: kernel.14.cloned.1.call-start
scs
__scs_entry_jumppad:
0x0: {  	(pc) =	sbr.rel $0x88, $3  }
0x1: {  	(tag) =	ssettag $0x0;
	lr =	simm.s32 $0x1  }
0x2: {  	[smem:$0x3F94] =	sst lr;
	_ =	strace $0xD0000000  }
0x3: {  	_ = 	snop  }
0x4: {  	_ = 	snop  }
0x5: {  	_ = 	snop  }
0x6: {  	_ = 	snop  }
0x7: {  	_ = 	snop  }
__scs_overlays_trampoline_lowered:
0x8: {  	[smem:$0x3FA3] =	sst s0  }
0x9: {  	[smem:$0x3FA4] =	sst s1  }
0xa: {  	[smem:$0x3FA5] =	sst s2  }
0xb: {  	[smem:$0x3FA6] =	sst s3  }
0xc: {  	[smem:$0x3FA7] =	sst s4  }
0xd: {  	[smem:$0x3FA8] =	sst s5  }
0xe: {  	[smem:$0x3FA9] =	sst s6  }
0xf: {  	[smem:$0x3FAA] =	sst s7  }
0x10: {  	[smem:$0x3FAB] =	sst s8  }
0x11: {  	[smem:$0x3FAC] =	sst s9;
	s0 =	simm.s32 @!p0 $0x0  }
0x12: {  	s1 =	sld [smem:$0x3F92];
	s0 =	simm.s32 @p0 $0x1  }
0x13: {  	[smem:$0x3FAD] =	sst s0;
	s0 =	simm.s32 @!p1 $0x0  }
0x14: {  	s2 =	sld [smem:$0x3F91];
	s0 =	simm.s32 @p1 $0x1  }
0x15: {  	[smem:$0x3FAE] =	sst s0;
	s0 =	simm.s32 @!p2 $0x0  }
0x16: {  	s3 =	sld [smem:$0x3FDB];
	s0 =	simm.s32 @p2 $0x1  }
0x17: {  	s4 =	simm.s32 $0x1BF5;
	[smem:$0x3FB0] =	sst s0  }
0x18: {  	s0 =	sld [smem:$0x3F93];
	_ =	swait.ge [sflag:s4], $0x0  }
0x19: {  	s7 =	sld [smem:$0x3F94]  }
0x1a: {  	s8 =	sadd.s32 $0xFFFFE003, lr  }
0x1b: {  	s9 =	sadd.s32 $0xFFFFFEF7, lr;
	s5 =	simm.s32 $0xFFFFFFFF;
	p2 =	slt.u32 s8, $0xFFFFF086  }
0x1c: {  	p1 =	slt.u32 s9, $0xF7A;
	s5 =	simm.s32 @!p2 $0x0  }
0x1d: {  	s5 =	simm.s32 @p1 $0x1;
	p0 =	seq.s32 s7, s2  }
0x1e: {  	s7 =	smul.u32 @!p0 $0xF7A, s2;
	p2 =	seq.s32 @!p0 s5, $0x0  }
0x1f: {  	s9 =	smul.u32 $0xF7A, s1;
	s8 =	simm.s32 @!p0 $0x1BF5;
	p2 =	por !p2, p0  }
0x20: {  	[sflag:s8] =	ssyncset.s32 @!p0 $0xFFFFF086;
	s6 =	sadd.s32 @!p0 s3, s7;
	s7 =	simm.s32 @!p0 $0x108  }
0x21: {  	s3 =	sadd.s32 s3, s9;
	s6 =	sadd.s32 @!p0 $0x88, s6;
	s7 =	simm.s32 @p2 $0x1082  }
0x22: {  	[simem:s7], [sflag:s8] =	dma.local @!p0 [hbm:s6], $0xF7A  }
0x23: {  	s9 =	sor.u32 $0xD0000000, s2;
	s6 =	simm.s32 $0x108;
	_ =	swait.ge @!p0 [sflag:s8], $0x0  }
0x24: {  	s3 =	sadd.s32 $0x88, s3;
	s6 =	simm.s32 @!p1 $0x1082;
	[sflag:s4] =	ssyncset.s32 $0xFFFFF086  }
0x25: {  	[simem:s6], [sflag:s4] =	dma.local [hbm:s3], $0xF7A  }
0x26: {  	[smem:$0x3F94] =	sst s1;
	(tag) =	ssettag s2;
	_ =	strace s9  }
0x27: {  	s1 =	sld [smem:$0x3FA4]  }
0x28: {  	s2 =	sld [smem:$0x3FA5]  }
0x29: {  	s4 =	sld [smem:$0x3FA7]  }
0x2a: {  	p0 =	seq.s32 s5, $0x0;
	s5 =	sld [smem:$0x3FA8]  }
0x2b: {  	s6 =	sld [smem:$0x3FA9]  }
0x2c: {  	s7 =	sld [smem:$0x3FAA]  }
0x2d: {  	s3 =	simm.s32 $0x108;
	s8 =	sld [smem:$0x3FAB]  }
0x2e: {  	s3 =	simm.s32 @!p0 $0x1082;
	s9 =	sld [smem:$0x3FAC]  }
0x2f: {  	lr =	sadd.s32 s0, s3;
	s0 =	sld [smem:$0x3FA3]  }
0x30: {  	s3 =	sld [smem:$0x3FA6]  }
0x31: {  	[smem:$0x3FAF] =	sst s10  }
0x32: {  	s10 =	sld [smem:$0x3FAD];
	_ =	sdelay $0x3  }
0x33: {  	p0 =	seq.s32 s10, $0x1;
	s10 =	sld [smem:$0x3FAF];
	_ =	sdelay $0x3  }
0x34: {  	[smem:$0x3FAF] =	sst s10  }
0x35: {  	s10 =	sld [smem:$0x3FAE];
	_ =	sdelay $0x3  }
0x36: {  	p1 =	seq.s32 s10, $0x1;
	s10 =	sld [smem:$0x3FAF];
	_ =	sdelay $0x3  }
0x37: {  	[smem:$0x3FAF] =	sst s10  }
0x38: {  	s10 =	sld [smem:$0x3FB0]  }
0x39: {  	_ = 	snop;
	(pc) =	sbr.ind lr, $3  }
0x3a: {  	_ = 	snop  }
0x3b: {  	_ = 	snop  }
0x3c: {  	p2 =	seq.s32 s10, $0x1;
	s10 =	sld [smem:$0x3FAF]  }
0x3d: {  	_ =	shalt  }
0x3e: {  	_ =	shalt  }
0x3f: {  	_ =	shalt  }
0x40: {  	_ =	shalt  }
0x41: {  	_ =	shalt  }
0x42: {  	_ =	shalt  }
0x43: {  	_ =	shalt  }
0x44: {  	_ =	shalt  }
0x45: {  	_ =	shalt  }
0x46: {  	_ =	shalt  }
0x47: {  	_ =	shalt  }
0x48: {  	_ =	shalt  }
0x49: {  	_ =	shalt  }
0x4a: {  	_ =	shalt  }
0x4b: {  	_ =	shalt  }
0x4c: {  	_ =	shalt  }
0x4d: {  	_ =	shalt  }
0x4e: {  	_ =	shalt  }
0x4f: {  	_ =	shalt  }
0x50: {  	_ =	shalt  }
0x51: {  	_ =	shalt  }
0x52: {  	_ =	shalt  }
0x53: {  	_ =	shalt  }
0x54: {  	_ =	shalt  }
0x55: {  	_ =	shalt  }
0x56: {  	_ =	shalt  }
0x57: {  	_ =	shalt  }
0x58: {  	_ =	shalt  }
0x59: {  	_ =	shalt  }
0x5a: {  	_ =	shalt  }
0x5b: {  	_ =	shalt  }
0x5c: {  	_ =	shalt  }
0x5d: {  	_ =	shalt  }
0x5e: {  	_ =	shalt  }
0x5f: {  	_ =	shalt  }
0x60: {  	_ =	shalt  }
0x61: {  	_ =	shalt  }
0x62: {  	_ =	shalt  }
0x63: {  	_ =	shalt  }
0x64: {  	_ =	shalt  }
0x65: {  	_ =	shalt  }
0x66: {  	_ =	shalt  }
0x67: {  	_ =	shalt  }
0x68: {  	_ =	shalt  }
0x69: {  	_ =	shalt  }
0x6a: {  	_ =	shalt  }
0x6b: {  	_ =	shalt  }
0x6c: {  	_ =	shalt  }
0x6d: {  	_ =	shalt  }
0x6e: {  	_ =	shalt  }
0x6f: {  	_ =	shalt  }
0x70: {  	_ =	shalt  }
0x71: {  	_ =	shalt  }
0x72: {  	_ =	shalt  }
0x73: {  	_ =	shalt  }
0x74: {  	_ =	shalt  }
0x75: {  	_ =	shalt  }
0x76: {  	_ =	shalt  }
0x77: {  	_ =	shalt  }
0x78: {  	_ =	shalt  }
0x79: {  	_ =	shalt  }
0x7a: {  	_ =	shalt  }
0x7b: {  	_ =	shalt  }
0x7c: {  	_ =	shalt  }
0x7d: {  	_ =	shalt  }
0x7e: {  	_ =	shalt  }
0x7f: {  	_ =	shalt  }
0x80: {  	_ =	shalt  }
0x81: {  	_ =	shalt  }
0x82: {  	_ =	shalt  }
0x83: {  	_ =	shalt  }
0x84: {  	_ =	shalt  }
0x85: {  	_ =	shalt  }
0x86: {  	_ =	shalt  }
0x87: {  	_ =	shalt  }
.Lfunc_end0:
.L_simem_size_0:
called_computation.1_lowered:
.L_overlay_start_0:
0x88: {  	s2 =	sld [smem:$0x3FD9]  }
0x89: {  	s3 =	sld [smem:$0x3FFE];
	_ =	sdelay $0x1  }
0x8a: {  	s1 =	srdreg.scid  }
0x8b: {  	s0 =	sand.u32 $0x1, s1  }
0x8c: {  	s16 =	sshll.u32 s0, $0xA;
	s2 =	sadd.s32 s3, s2  }
0x8d: {  	s2 =	sadd.s32 s2, s16  }
0x8e: {  	[smem:$0x3FBB] =	sst s2  }
0x8f: {  	_ = 	snop  }
0x90: {  	(tm) =	ssettm $0x1  }
0x91: {  	s17 =	sld [smem:$0x3FFB];
	_ =	sdelay $0x3  }
0x92: {  	_ =	strace s17  }
0x93: {  	s2 =	sld [smem:$0x3FFC];
	_ =	sdelay $0x3  }
0x94: {  	_ =	strace s2  }
0x95: {  	s2 =	sld [smem:$0x3FFD];
	_ =	sdelay $0x3  }
0x96: {  	_ =	strace s2  }
0x97: {  	_ =	strace $0x8FFFFFFF  }
0x98: {  	s18 =	sld [smem:$0x3FDB];
	_ =	sdelay $0x1  }
0x99: {  	s19 =	simm.s32 $_scs_section_size  }
0x9a: {  	s4 =	simm.s32 $_size__tile_overlayer_lowered;
	s5 =	simm.s32 $_tile_overlayer_lowered  }
0x9b: {  	s22 =	simm.s32 $0x1BFF;
	s21 =	sshll.u32 s5, $0x1;
	s2 =	sadd.s32 s19, s18  }
0x9c: {  	s6 =	simm.s32 $0x0;
	s20 =	sshll.u32 s4, $0x1;
	s4 =	sadd.s32 s21, s2  }
0x9d: {  	[timem:s6], [sflag:s22] =	dma.local [hbm:s4], s20  }
0x9e: {  	_ =	swait.ge [sflag:s22], s20  }
0x9f: {  	s3 =	ssub.s32 $0x0, s20;
	[sflag:s22] =	ssyncset.done $0x0  }
0xa0: {  	[sflag:s22] =	ssyncadd.s32 s3;
	_ =	sdelay $0x1  }
0xa1: {  	s23 =	simm.s32 $0x1B8B  }
0xa2: {  	_ =	swait.ge [sflag:s23], $0x1  }
0xa3: {  	[sflag:s23] =	ssyncset.done $0x0  }
0xa4: {  	s25 =	simm.s32 $0x1B8E;
	s24 =	sld [smem:$0x3FFE];
	[sflag:s23] =	ssyncadd.s32 $0xFFFFFFFF  }
0xa5: {  	s26 =	simm.s32 $execute0_lowered;
	[smem:$0x3FD2] =	sst s25  }
0xa6: {  	s4 =	sshll.u32 s26, $0x1;
	_ =	strace $0x80000046;
	[dreg:$0x1] =	wrdreg $0xFFFFFFFF  }
0xa7: {  	s28 =	simm.s32 $_size_execute0_lowered;
	s2 =	sadd.s32 s2, s4;
	[dreg:$0x0] =	wrdreg $0x0  }
0xa8: {  	s4 =	sshll.u32 s28, $0x1;
	[dreg:$0x2] =	wrdreg s2  }
0xa9: {  	[dreg:$0x3] =	wrdreg s4  }
0xaa: {  	[dreg:$0x4] =	wrdreg $0xC0  }
0xab: {  	_ =	task [dreg:s6], $0x5FFFF  }
0xac: {  	[dreg:$0x1] =	wrdreg $0xFFFFFFFF  }
0xad: {  	[dreg:$0x0] =	wrdreg $0x60  }
0xae: {  	[dreg:$0x2] =	wrdreg s24  }
0xaf: {  	[dreg:$0x3] =	wrdreg $0x8A200  }
0xb0: {  	[dreg:$0x4] =	wrdreg $0xA  }
0xb1: {  	_ =	task.clear_ibuf [dreg:s6], $0x5FFFF;
	_ =	strace $0x90000046  }
0xb2: {  	s29 =	simm.s32 $0xA;
	_ =	strace $0x80000048  }
0xb3: {  	_ =	swait.ge [sflag:s29], $0x1  }
0xb4: {  	[sflag:s29] =	ssyncadd.s32 $0xFFFFFFFF  }
0xb5: {  	_ =	strace $0x90000048  }
0xb6: {  	_ =	sfence  }
0xb7: {  	s30 =	sld [smem:$0x0];
	_ =	sdelay $0x2  }
0xb8: {  	s31 =	sshll.u32 s1, $0xD;
	s1 =	sshrl.u32 s1, $0x2  }
0xb9: {  	s3 =	sand.u32 $0x4000, s31;
	s1 =	sadd.s32 s1, s30  }
0xba: {  	s0 =	sor.u32 s3, s0;
	s1 =	sshll.u32 s1, $0x11  }
0xbb: {  	s0 =	sor.u32 s1, s0  }
0xbc: {  	s0 =	sadd.s32 $0x8F2B, s0  }
0xbd: {  	[sflag:s0] =	ssyncadd.remote.s32 $0x1  }
0xbe: {  	_ =	sfence.sel $0xFFFF  }
0xbf: {  	[dreg:$0x0] =	wrdreg $0xFFFFFFFF;
	(pc) =	sbr.abs _section_cstart, $3  }
0xc0: {  	[dreg:$0x1] =	wrdreg $0xFFFFFFFF  }
0xc1: {  	_ =	task.clear_ibuf [dreg:s6], $0x2FFFF;
	_ =	strace $0x9FFFFFFF  }
0xc2: {  	(tm) =	ssettm $0x7FFFFFFF  }
0xc3: {  	_ =	shalt  }
tec
execute0_lowered:
.L_overlay_start_1:
0x0: {  	(tag) =	ssettag $0x1  }
0x1: {  	s6 =	rddreg [dreg:$0x0]  }
0x2: {  	s0 =	srdreg.scid;
	s2 =	rddreg [dreg:$0x1]  }
0x3: {  	s3 =	simm.s32 $0x0;
	s14 =	simm.s32 $0x50;
	s15 =	simm.s32 $0x4E20  }
0x4: {  	s16 =	simm.s32 $0x6220;
	s17 =	simm.s32 $0x7620;
	s18 =	simm.s32 $0x1  }
0x5: {  	s19 =	simm.s32 $0x2;
	s20 =	simm.s32 $0x3;
	s21 =	simm.s32 $0x4D80  }
0x6: {  	s22 =	simm.s32 $0x4DD0;
	s5 =	sand.u32 $0x1, s0;
	s0 =	stileid.u32  }
0x7: {  	s23 =	simm.s32 $0x0;
	[smem:$0x7FF] =	sst s3;
	s8 =	smul.u32 $0x9C40, s0  }
0x8: {  	s4 =	sadd.s32 $0x1A600, s6;
	s1 =	sshll.u32 s5, $0x4;
	s9 =	smul.u32 $0x9C400, s5  }
0x9: {  	s5 =	ssub.s32 $0x2, s5;
	s31 =	sshll.u32 s0, $0x6;
	s1 =	sor.u32 s0, s1  }
0xa: {  	s11 =	sshrl.u32 s5, $0x1;
	s7 =	smul.u32 $0x4E2, s1;
	s1 =	rddreg [dreg:$0x2]  }
0xb: {  	_ =	strace $0x80000047;
	s29 =	sadd.s32 s8, s9;
	s30 =	sshrl.u32 s8, $0x3  }
0xc: {  	s11 =	ssub.s32 s5, s11;
	s13 =	sadd.s32 s8, s2;
	s9 =	sadd.s32 s30, s6  }
0xd: {  	s10 =	sadd.s32 s7, s6;
	s7 =	sshrl.u32 s29, $0x3;
	s5 =	sadd.s32 $0x2E000, s9  }
0xe: {  	s12 =	sadd.s32 s7, s6;
	s6 =	sor.u32 $0x1C04, s31;
	s7 =	sadd.s32 $0xF800, s10  }
0xf: {  	s8 =	sadd.s32 $0x5A00, s10;
	s10 =	smax.u32 s11, $0x1;
	s11 =	sshrl.u32 s13, $0x3  }
0x10: {  	s13 =	simm.s32 $0x2710;
	s9 =	sadd.s32 $0x41A00, s12;
	s12 =	simm.s32 $0x4  }
.LBB2_1:
0x11: {  	[spmem:s11], [sflag:s6] =	dma.local [hbm:s5], $0x1388  }
0x12: {  	_ =	swait.ge [sflag:s12], $0x1388  }
0x13: {  	[sflag:s12] =	ssyncset.done $0x0  }
0x14: {  	[sflag:s12] =	ssyncadd.s32 $0xFFFFEC78  }
0x15: {  	[tilespmem:s3], [sflag:$0x4] =	stream.linear.gather [hbm4b:s7+s3], $0x2710, $0x38;
	[tilespmem:$0x12660] =	vst v63  }
0x16: {  	_ =	swait.ge [sflag:s12], $0x2710  }
0x17: {  	[sflag:s12] =	ssyncset.done $0x0  }
0x18: {  	[sflag:s12] =	ssyncadd.s32 $0xFFFFD8F0  }
0x19: {  	[tilespmem:s13], [sflag:$0x4] =	stream.linear.gather [hbm4b:s8+s3], $0x2710, $0x38;
	[tilespmem:$0x12660] =	vst v63  }
0x1a: {  	_ =	swait.ge [sflag:s12], $0x2710  }
0x1b: {  	[sflag:s12] =	ssyncset.done $0x0  }
0x1c: {  	[sflag:s12] =	ssyncadd.s32 $0xFFFFD8F0  }
0x1d: {  	[bflag:$0x0] =	sbarrier.arrive $0xFFFF  }
0x1e: {  	[tilespmem:s15], [sflag:$0x1] =	stream.indirect.gather [hbm4b:s4+s14], $0x40, s3, s14, $0xb8;
	[tilespmem:$0x12660] =	vst v63  }
0x1f: {  	_ = 	snop  }
0x20: {  	[tilespmem:s16], [sflag:$0x2] =	stream.indirect.gather [hbm4b:s4+s14], $0x40, s14, s14, $0xb8;
	[tilespmem:$0x12660] =	vst v63  }
0x21: {  	s24 =	simm.s32 $0xA0  }
0x22: {  	[tilespmem:s17], [sflag:$0x3] =	stream.indirect.gather [hbm4b:s4+s14], $0x40, s24, s14, $0xb8;
	[tilespmem:$0x12660] =	vst v63  }
0x23: {  	_ =	swait.ge [sflag:s18], $0x1400  }
0x24: {  	[sflag:s18] =	ssyncset.done $0x0  }
0x25: {  	s26 =	simm.s32 $0x2710;
	[sflag:s18] =	ssyncadd.s32 $0xFFFFEC00  }
0x26: {  	[spmem:s2] =	stream.indirect.scatter.add.f32 [tilespmem:s15], [sflag:$0x4], $0x40, s26, s14, $0xb8;
	[tilespmem:$0x12660] =	vst v63  }
0x27: {  	_ =	swait.ge [sflag:s12], $0x1400  }
0x28: {  	[sflag:s12] =	ssyncset.done $0x0  }
0x29: {  	s28 =	simm.s32 $0xF0;
	[sflag:s12] =	ssyncadd.s32 $0xFFFFEC00  }
0x2a: {  	[tilespmem:s15], [sflag:$0x1] =	stream.indirect.gather [hbm4b:s4+s14], $0x40, s28, s14, $0xb8;
	[tilespmem:$0x12660] =	vst v63  }
0x2b: {  	_ =	swait.ge [sflag:s19], $0x1400  }
0x2c: {  	[sflag:s19] =	ssyncset.done $0x0  }
0x2d: {  	s29 =	simm.s32 $0x2760;
	[sflag:s19] =	ssyncadd.s32 $0xFFFFEC00  }
0x2e: {  	[spmem:s2] =	stream.indirect.scatter.add.f32 [tilespmem:s16], [sflag:$0x4], $0x40, s29, s14, $0xb8;
	[tilespmem:$0x12660] =	vst v63  }
0x2f: {  	_ =	swait.ge [sflag:s12], $0x1400  }
0x30: {  	[sflag:s12] =	ssyncset.done $0x0  }
0x31: {  	s30 =	simm.s32 $0x140;
	[sflag:s12] =	ssyncadd.s32 $0xFFFFEC00  }
0x32: {  	[tilespmem:s16], [sflag:$0x2] =	stream.indirect.gather [hbm4b:s4+s14], $0x40, s30, s14, $0xb8;
	[tilespmem:$0x12660] =	vst v63  }
0x33: {  	_ =	swait.ge [sflag:s20], $0x1400  }
0x34: {  	[sflag:s20] =	ssyncset.done $0x0  }
0x35: {  	s31 =	simm.s32 $0x27B0;
	[sflag:s20] =	ssyncadd.s32 $0xFFFFEC00  }
0x36: {  	[spmem:s2] =	stream.indirect.scatter.add.f32 [tilespmem:s17], [sflag:$0x4], $0x40, s31, s14, $0xb8;
	[tilespmem:$0x12660] =	vst v63  }
0x37: {  	_ =	swait.ge [sflag:s12], $0x1400  }
0x38: {  	s25 =	simm.s32 $0x780;
	s24 =	simm.s32 $0xF0;
	[sflag:s12] =	ssyncset.done $0x0  }
.LBB2_2:
0x39: {  	s26 =	sadd.s32 $0xA0, s24  }
0x3a: {  	[sflag:s12] =	ssyncadd.s32 $0xFFFFEC00;
	s28 =	smov.u32 s25;
	s29 =	sadd.s32 $0x3C0, s25  }
0x3b: {  	[tilespmem:s17], [sflag:$0x3] =	stream.indirect.gather [hbm4b:s4+s14], $0x40, s26, s14, $0xb8;
	[tilespmem:$0x12660] =	vst v63  }
0x3c: {  	p0 =	sne.s32 s25, $0x9600;
	_ =	swait.ge [sflag:s18], $0x1400  }
0x3d: {  	[sflag:s18] =	ssyncset.done $0x0  }
0x3e: {  	s25 =	sadd.s32 $0x2710, s24;
	[sflag:s18] =	ssyncadd.s32 $0xFFFFEC00  }
0x3f: {  	[spmem:s2] =	stream.indirect.scatter.add.f32 [tilespmem:s15], [sflag:$0x4], $0x40, s25, s14, $0xb8;
	[tilespmem:$0x12660] =	vst v63  }
0x40: {  	_ =	swait.ge [sflag:s12], $0x1400  }
0x41: {  	[sflag:s12] =	ssyncset.done $0x0  }
0x42: {  	s25 =	sadd.s32 $0xF0, s24;
	[sflag:s12] =	ssyncadd.s32 $0xFFFFEC00  }
0x43: {  	[tilespmem:s15], [sflag:$0x1] =	stream.indirect.gather [hbm4b:s4+s14], $0x40, s25, s14, $0xb8;
	[tilespmem:$0x12660] =	vst v63  }
0x44: {  	_ =	swait.ge [sflag:s19], $0x1400  }
0x45: {  	[sflag:s19] =	ssyncset.done $0x0  }
0x46: {  	s25 =	sadd.s32 $0x2760, s24;
	[sflag:s19] =	ssyncadd.s32 $0xFFFFEC00  }
0x47: {  	[spmem:s2] =	stream.indirect.scatter.add.f32 [tilespmem:s16], [sflag:$0x4], $0x40, s25, s14, $0xb8;
	[tilespmem:$0x12660] =	vst v63  }
0x48: {  	_ =	swait.ge [sflag:s12], $0x1400  }
0x49: {  	[sflag:s12] =	ssyncset.done $0x0  }
0x4a: {  	s25 =	sadd.s32 $0x140, s24;
	[sflag:s12] =	ssyncadd.s32 $0xFFFFEC00  }
0x4b: {  	[tilespmem:s16], [sflag:$0x2] =	stream.indirect.gather [hbm4b:s4+s14], $0x40, s25, s14, $0xb8;
	[tilespmem:$0x12660] =	vst v63  }
0x4c: {  	_ =	swait.ge [sflag:s20], $0x1400  }
.Ltmp0:
0x4d: {  	[sflag:s20] =	ssyncset.done $0x0;
	(pc) =	sbr.rel @p0 .LBB2_2-.Ltmp0, $4  }
0x4e: {  	s24 =	sadd.s32 $0x27B0, s24;
	[sflag:s20] =	ssyncadd.s32 $0xFFFFEC00  }
0x4f: {  	[spmem:s2] =	stream.indirect.scatter.add.f32 [tilespmem:s17], [sflag:$0x4], $0x40, s24, s14, $0xb8;
	[tilespmem:$0x12660] =	vst v63  }
0x50: {  	_ =	swait.ge [sflag:s12], $0x1400  }
0x51: {  	s25 =	smov.u32 s29;
	s24 =	sshra.s32 s28, $0x2;
	[sflag:s12] =	ssyncset.done $0x0  }
0x52: {  	s25 =	sadd.s32 $0xA0, s24;
	[sflag:s12] =	ssyncadd.s32 $0xFFFFEC00  }
0x53: {  	[tilespmem:s17], [sflag:$0x3] =	stream.indirect.gather [hbm4b:s4+s14], $0x40, s25, s14, $0xb8;
	[tilespmem:$0x12660] =	vst v63  }
0x54: {  	_ =	swait.ge [sflag:s18], $0x1400  }
0x55: {  	[sflag:s18] =	ssyncset.done $0x0  }
0x56: {  	s26 =	sadd.s32 $0x2710, s24;
	[sflag:s18] =	ssyncadd.s32 $0xFFFFEC00  }
0x57: {  	[spmem:s2] =	stream.indirect.scatter.add.f32 [tilespmem:s15], [sflag:$0x4], $0x40, s26, s14, $0xb8;
	[tilespmem:$0x12660] =	vst v63  }
0x58: {  	_ =	swait.ge [sflag:s12], $0x1400  }
0x59: {  	[sflag:s12] =	ssyncset.done $0x0  }
0x5a: {  	s28 =	sadd.s32 $0xF0, s24;
	[sflag:s12] =	ssyncadd.s32 $0xFFFFEC00  }
0x5b: {  	[tilespmem:s15], [sflag:$0x1] =	stream.indirect.gather [hbm4b:s4+s14], $0x40, s28, s14, $0xb8;
	[tilespmem:$0x12660] =	vst v63  }
0x5c: {  	_ =	swait.ge [sflag:s19], $0x1400  }
0x5d: {  	[sflag:s19] =	ssyncset.done $0x0  }
0x5e: {  	s29 =	sadd.s32 $0x2760, s24;
	[sflag:s19] =	ssyncadd.s32 $0xFFFFEC00  }
0x5f: {  	[spmem:s2] =	stream.indirect.scatter.add.f32 [tilespmem:s16], [sflag:$0x4], $0x40, s29, s14, $0xb8;
	[tilespmem:$0x12660] =	vst v63  }
0x60: {  	_ =	swait.ge [sflag:s12], $0x1400  }
0x61: {  	[sflag:s12] =	ssyncset.done $0x0  }
0x62: {  	s30 =	sadd.s32 $0x140, s24;
	[sflag:s12] =	ssyncadd.s32 $0xFFFFEC00  }
0x63: {  	[tilespmem:s16], [sflag:$0x2] =	stream.indirect.gather [hbm4b:s4+s14], $0x40, s30, s14, $0xb8;
	[tilespmem:$0x12660] =	vst v63  }
0x64: {  	_ =	swait.ge [sflag:s20], $0x1400  }
0x65: {  	[sflag:s20] =	ssyncset.done $0x0  }
0x66: {  	s31 =	sadd.s32 $0x27B0, s24;
	[sflag:s20] =	ssyncadd.s32 $0xFFFFEC00  }
0x67: {  	[spmem:s2] =	stream.indirect.scatter.add.f32 [tilespmem:s17], [sflag:$0x4], $0x40, s31, s14, $0xb8;
	[tilespmem:$0x12660] =	vst v63  }
0x68: {  	_ =	swait.ge [sflag:s12], $0x1400  }
0x69: {  	[sflag:s12] =	ssyncset.done $0x0  }
0x6a: {  	[sflag:s12] =	ssyncadd.s32 $0xFFFFEC00  }
0x6b: {  	_ =	swait.ge [sflag:s18], $0x1400  }
0x6c: {  	[sflag:s18] =	ssyncset.done $0x0  }
0x6d: {  	[sflag:s18] =	ssyncadd.s32 $0xFFFFEC00  }
0x6e: {  	[spmem:s2] =	stream.indirect.scatter.add.f32 [tilespmem:s15], [sflag:$0x4], $0x40, s21, s14, $0xb8;
	[tilespmem:$0x12660] =	vst v63  }
0x6f: {  	_ =	swait.ge [sflag:s12], $0x1400  }
0x70: {  	[sflag:s12] =	ssyncset.done $0x0  }
0x71: {  	[sflag:s12] =	ssyncadd.s32 $0xFFFFEC00  }
0x72: {  	_ =	swait.ge [sflag:s19], $0x1400  }
0x73: {  	[sflag:s19] =	ssyncset.done $0x0  }
0x74: {  	[sflag:s19] =	ssyncadd.s32 $0xFFFFEC00  }
0x75: {  	[spmem:s2] =	stream.indirect.scatter.add.f32 [tilespmem:s16], [sflag:$0x4], $0x40, s22, s14, $0xb8;
	[tilespmem:$0x12660] =	vst v63  }
0x76: {  	_ =	swait.ge [sflag:s12], $0x1400  }
0x77: {  	s23 =	sadd.s32 $0x1, s23;
	[sflag:s12] =	ssyncset.done $0x0  }
0x78: {  	p0 =	sne.s32 s23, s10;
	[sflag:s12] =	ssyncadd.s32 $0xFFFFEC00  }
.Ltmp1:
0x79: {  	[bflag:$0x0] =	sbarrier.arrive $0xFFFF;
	(pc) =	sbr.rel @p0 .LBB2_1-.Ltmp1, $4  }
0x7a: {  	[hbm:s9], [sflag:s6] =	dma.local [spmem:s11], $0x1388  }
0x7b: {  	_ =	swait.ge [sflag:s12], $0x1388  }
0x7c: {  	[sflag:s12] =	ssyncset.done $0x0  }
0x7d: {  	[sflag:s12] =	ssyncadd.s32 $0xFFFFEC78  }
0x7e: {  	_ =	sfence.sel $0x180000  }
0x7f: {  	[bflag:$0x0] =	sbarrier.arrive $0xFFFF  }
0x80: {  	p0 =	sne.s32 s0, $0x0;
	_ =	strace $0x90000047  }
0x81: {  	s0 =	sadd.s32 @!p0 $0x100000, s1;
	[bflag:$0x2] =	sbarrier.arrive $0xFFFF  }
0x82: {  	[sflag:s0] =	ssyncadd.tile.s32 @!p0 $0x1;
	_ =	shalt  }
.Lfunc_end2:
_tile_overlayer_lowered:
.L_overlay_start_2:
0x83: {  	(tag) =	ssettag $0x2  }
0x84: {  	s0 =	rddreg [dreg:$0x0];
	s2 =	stileid.u32  }
0x85: {  	s1 =	rddreg [dreg:$0x1];
	p0 =	sne.s32 s2, $0x0  }
0x86: {  	s3 =	rddreg [dreg:$0x2];
	[bflag:$0x3] =	sbarrier.arrive $0xFFFF;
	s2 =	simm.s32 @!p0 $0x1C04  }
0x87: {  	[timem:s3], [sflag:s2] =	dma.local @!p0 [hbm:s0], s1  }
0x88: {  	s0 =	simm.s32 @!p0 $0x4  }
0x89: {  	_ =	swait.ge @!p0 [sflag:s0], s1  }
0x8a: {  	s1 =	ssub.s32 @!p0 $0x0, s1;
	[sflag:s0] =	ssyncset.done @!p0 $0x0  }
0x8b: {  	[sflag:s0] =	ssyncadd.s32 @!p0 s1  }
0x8c: {  	[bflag:$0x3] =	sbarrier.arrive $0xFFFF  }
0x8d: {  	_ =	shalt  }

// kernel: kernel.17.cloned.1.call-start
scs
__scs_entry_jumppad:
0x0: {  	(pc) =	sbr.rel $0x88, $3  }
0x1: {  	(tag) =	ssettag $0x0;
	lr =	simm.s32 $0x1  }
0x2: {  	[smem:$0x3F94] =	sst lr;
	_ =	strace $0xD0000000  }
0x3: {  	_ = 	snop  }
0x4: {  	_ = 	snop  }
0x5: {  	_ = 	snop  }
0x6: {  	_ = 	snop  }
0x7: {  	_ = 	snop  }
__scs_overlays_trampoline_lowered:
0x8: {  	[smem:$0x3FA3] =	sst s0  }
0x9: {  	[smem:$0x3FA4] =	sst s1  }
0xa: {  	[smem:$0x3FA5] =	sst s2  }
0xb: {  	[smem:$0x3FA6] =	sst s3  }
0xc: {  	[smem:$0x3FA7] =	sst s4  }
0xd: {  	[smem:$0x3FA8] =	sst s5  }
0xe: {  	[smem:$0x3FA9] =	sst s6  }
0xf: {  	[smem:$0x3FAA] =	sst s7  }
0x10: {  	[smem:$0x3FAB] =	sst s8  }
0x11: {  	[smem:$0x3FAC] =	sst s9;
	s0 =	simm.s32 @!p0 $0x0  }
0x12: {  	s1 =	sld [smem:$0x3F92];
	s0 =	simm.s32 @p0 $0x1  }
0x13: {  	[smem:$0x3FAD] =	sst s0;
	s0 =	simm.s32 @!p1 $0x0  }
0x14: {  	s2 =	sld [smem:$0x3F91];
	s0 =	simm.s32 @p1 $0x1  }
0x15: {  	[smem:$0x3FAE] =	sst s0;
	s0 =	simm.s32 @!p2 $0x0  }
0x16: {  	s3 =	sld [smem:$0x3FDB];
	s0 =	simm.s32 @p2 $0x1  }
0x17: {  	s4 =	simm.s32 $0x1BF5;
	[smem:$0x3FB0] =	sst s0  }
0x18: {  	s0 =	sld [smem:$0x3F93];
	_ =	swait.ge [sflag:s4], $0x0  }
0x19: {  	s7 =	sld [smem:$0x3F94]  }
0x1a: {  	s8 =	sadd.s32 $0xFFFFE003, lr  }
0x1b: {  	s9 =	sadd.s32 $0xFFFFFEF7, lr;
	s5 =	simm.s32 $0xFFFFFFFF;
	p2 =	slt.u32 s8, $0xFFFFF086  }
0x1c: {  	p1 =	slt.u32 s9, $0xF7A;
	s5 =	simm.s32 @!p2 $0x0  }
0x1d: {  	s5 =	simm.s32 @p1 $0x1;
	p0 =	seq.s32 s7, s2  }
0x1e: {  	s7 =	smul.u32 @!p0 $0xF7A, s2;
	p2 =	seq.s32 @!p0 s5, $0x0  }
0x1f: {  	s9 =	smul.u32 $0xF7A, s1;
	s8 =	simm.s32 @!p0 $0x1BF5;
	p2 =	por !p2, p0  }
0x20: {  	[sflag:s8] =	ssyncset.s32 @!p0 $0xFFFFF086;
	s6 =	sadd.s32 @!p0 s3, s7;
	s7 =	simm.s32 @!p0 $0x108  }
0x21: {  	s3 =	sadd.s32 s3, s9;
	s6 =	sadd.s32 @!p0 $0x88, s6;
	s7 =	simm.s32 @p2 $0x1082  }
0x22: {  	[simem:s7], [sflag:s8] =	dma.local @!p0 [hbm:s6], $0xF7A  }
0x23: {  	s9 =	sor.u32 $0xD0000000, s2;
	s6 =	simm.s32 $0x108;
	_ =	swait.ge @!p0 [sflag:s8], $0x0  }
0x24: {  	s3 =	sadd.s32 $0x88, s3;
	s6 =	simm.s32 @!p1 $0x1082;
	[sflag:s4] =	ssyncset.s32 $0xFFFFF086  }
0x25: {  	[simem:s6], [sflag:s4] =	dma.local [hbm:s3], $0xF7A  }
0x26: {  	[smem:$0x3F94] =	sst s1;
	(tag) =	ssettag s2;
	_ =	strace s9  }
0x27: {  	s1 =	sld [smem:$0x3FA4]  }
0x28: {  	s2 =	sld [smem:$0x3FA5]  }
0x29: {  	s4 =	sld [smem:$0x3FA7]  }
0x2a: {  	p0 =	seq.s32 s5, $0x0;
	s5 =	sld [smem:$0x3FA8]  }
0x2b: {  	s6 =	sld [smem:$0x3FA9]  }
0x2c: {  	s7 =	sld [smem:$0x3FAA]  }
0x2d: {  	s3 =	simm.s32 $0x108;
	s8 =	sld [smem:$0x3FAB]  }
0x2e: {  	s3 =	simm.s32 @!p0 $0x1082;
	s9 =	sld [smem:$0x3FAC]  }
0x2f: {  	lr =	sadd.s32 s0, s3;
	s0 =	sld [smem:$0x3FA3]  }
0x30: {  	s3 =	sld [smem:$0x3FA6]  }
0x31: {  	[smem:$0x3FAF] =	sst s10  }
0x32: {  	s10 =	sld [smem:$0x3FAD];
	_ =	sdelay $0x3  }
0x33: {  	p0 =	seq.s32 s10, $0x1;
	s10 =	sld [smem:$0x3FAF];
	_ =	sdelay $0x3  }
0x34: {  	[smem:$0x3FAF] =	sst s10  }
0x35: {  	s10 =	sld [smem:$0x3FAE];
	_ =	sdelay $0x3  }
0x36: {  	p1 =	seq.s32 s10, $0x1;
	s10 =	sld [smem:$0x3FAF];
	_ =	sdelay $0x3  }
0x37: {  	[smem:$0x3FAF] =	sst s10  }
0x38: {  	s10 =	sld [smem:$0x3FB0]  }
0x39: {  	_ = 	snop;
	(pc) =	sbr.ind lr, $3  }
0x3a: {  	_ = 	snop  }
0x3b: {  	_ = 	snop  }
0x3c: {  	p2 =	seq.s32 s10, $0x1;
	s10 =	sld [smem:$0x3FAF]  }
0x3d: {  	_ =	shalt  }
0x3e: {  	_ =	shalt  }
0x3f: {  	_ =	shalt  }
0x40: {  	_ =	shalt  }
0x41: {  	_ =	shalt  }
0x42: {  	_ =	shalt  }
0x43: {  	_ =	shalt  }
0x44: {  	_ =	shalt  }
0x45: {  	_ =	shalt  }
0x46: {  	_ =	shalt  }
0x47: {  	_ =	shalt  }
0x48: {  	_ =	shalt  }
0x49: {  	_ =	shalt  }
0x4a: {  	_ =	shalt  }
0x4b: {  	_ =	shalt  }
0x4c: {  	_ =	shalt  }
0x4d: {  	_ =	shalt  }
0x4e: {  	_ =	shalt  }
0x4f: {  	_ =	shalt  }
0x50: {  	_ =	shalt  }
0x51: {  	_ =	shalt  }
0x52: {  	_ =	shalt  }
0x53: {  	_ =	shalt  }
0x54: {  	_ =	shalt  }
0x55: {  	_ =	shalt  }
0x56: {  	_ =	shalt  }
0x57: {  	_ =	shalt  }
0x58: {  	_ =	shalt  }
0x59: {  	_ =	shalt  }
0x5a: {  	_ =	shalt  }
0x5b: {  	_ =	shalt  }
0x5c: {  	_ =	shalt  }
0x5d: {  	_ =	shalt  }
0x5e: {  	_ =	shalt  }
0x5f: {  	_ =	shalt  }
0x60: {  	_ =	shalt  }
0x61: {  	_ =	shalt  }
0x62: {  	_ =	shalt  }
0x63: {  	_ =	shalt  }
0x64: {  	_ =	shalt  }
0x65: {  	_ =	shalt  }
0x66: {  	_ =	shalt  }
0x67: {  	_ =	shalt  }
0x68: {  	_ =	shalt  }
0x69: {  	_ =	shalt  }
0x6a: {  	_ =	shalt  }
0x6b: {  	_ =	shalt  }
0x6c: {  	_ =	shalt  }
0x6d: {  	_ =	shalt  }
0x6e: {  	_ =	shalt  }
0x6f: {  	_ =	shalt  }
0x70: {  	_ =	shalt  }
0x71: {  	_ =	shalt  }
0x72: {  	_ =	shalt  }
0x73: {  	_ =	shalt  }
0x74: {  	_ =	shalt  }
0x75: {  	_ =	shalt  }
0x76: {  	_ =	shalt  }
0x77: {  	_ =	shalt  }
0x78: {  	_ =	shalt  }
0x79: {  	_ =	shalt  }
0x7a: {  	_ =	shalt  }
0x7b: {  	_ =	shalt  }
0x7c: {  	_ =	shalt  }
0x7d: {  	_ =	shalt  }
0x7e: {  	_ =	shalt  }
0x7f: {  	_ =	shalt  }
0x80: {  	_ =	shalt  }
0x81: {  	_ =	shalt  }
0x82: {  	_ =	shalt  }
0x83: {  	_ =	shalt  }
0x84: {  	_ =	shalt  }
0x85: {  	_ =	shalt  }
0x86: {  	_ =	shalt  }
0x87: {  	_ =	shalt  }
.Lfunc_end0:
.L_simem_size_0:
called_computation.2_lowered:
.L_overlay_start_0:
0x88: {  	s2 =	sld [smem:$0x3FD9]  }
0x89: {  	s3 =	sld [smem:$0x3FFE];
	_ =	sdelay $0x1  }
0x8a: {  	s1 =	srdreg.scid  }
0x8b: {  	s0 =	sand.u32 $0x1, s1  }
0x8c: {  	s16 =	sshll.u32 s0, $0xA;
	s2 =	sadd.s32 s3, s2  }
0x8d: {  	s2 =	sadd.s32 s2, s16  }
0x8e: {  	[smem:$0x3FBB] =	sst s2  }
0x8f: {  	_ = 	snop  }
0x90: {  	(tm) =	ssettm $0x1  }
0x91: {  	s17 =	sld [smem:$0x3FFB];
	_ =	sdelay $0x3  }
0x92: {  	_ =	strace s17  }
0x93: {  	s2 =	sld [smem:$0x3FFC];
	_ =	sdelay $0x3  }
0x94: {  	_ =	strace s2  }
0x95: {  	s2 =	sld [smem:$0x3FFD];
	_ =	sdelay $0x3  }
0x96: {  	_ =	strace s2  }
0x97: {  	_ =	strace $0x8FFFFFFF  }
0x98: {  	s18 =	sld [smem:$0x3FDB];
	_ =	sdelay $0x1  }
0x99: {  	s19 =	simm.s32 $_scs_section_size  }
0x9a: {  	s4 =	simm.s32 $_size__tile_overlayer_lowered;
	s5 =	simm.s32 $_tile_overlayer_lowered  }
0x9b: {  	s22 =	simm.s32 $0x1BFF;
	s21 =	sshll.u32 s5, $0x1;
	s2 =	sadd.s32 s19, s18  }
0x9c: {  	s6 =	simm.s32 $0x0;
	s20 =	sshll.u32 s4, $0x1;
	s4 =	sadd.s32 s21, s2  }
0x9d: {  	[timem:s6], [sflag:s22] =	dma.local [hbm:s4], s20  }
0x9e: {  	_ =	swait.ge [sflag:s22], s20  }
0x9f: {  	s3 =	ssub.s32 $0x0, s20;
	[sflag:s22] =	ssyncset.done $0x0  }
0xa0: {  	[sflag:s22] =	ssyncadd.s32 s3;
	_ =	sdelay $0x1  }
0xa1: {  	s23 =	simm.s32 $0x1B8B  }
0xa2: {  	_ =	swait.ge [sflag:s23], $0x1  }
0xa3: {  	[sflag:s23] =	ssyncset.done $0x0  }
0xa4: {  	s25 =	simm.s32 $0x1B8E;
	s24 =	sld [smem:$0x3FFE];
	[sflag:s23] =	ssyncadd.s32 $0xFFFFFFFF  }
0xa5: {  	s26 =	simm.s32 $execute0_lowered;
	[smem:$0x3FD2] =	sst s25  }
0xa6: {  	s4 =	sshll.u32 s26, $0x1;
	_ =	strace $0x8000004C;
	[dreg:$0x1] =	wrdreg $0xFFFFFFFF  }
0xa7: {  	s28 =	simm.s32 $_size_execute0_lowered;
	s2 =	sadd.s32 s2, s4;
	[dreg:$0x0] =	wrdreg $0x0  }
0xa8: {  	s4 =	sshll.u32 s28, $0x1;
	[dreg:$0x2] =	wrdreg s2  }
0xa9: {  	[dreg:$0x3] =	wrdreg s4  }
0xaa: {  	[dreg:$0x4] =	wrdreg $0xC0  }
0xab: {  	_ =	task [dreg:s6], $0x5FFFF  }
0xac: {  	[dreg:$0x1] =	wrdreg $0xFFFFFFFF  }
0xad: {  	[dreg:$0x0] =	wrdreg $0x60  }
0xae: {  	[dreg:$0x2] =	wrdreg s24  }
0xaf: {  	[dreg:$0x3] =	wrdreg $0x8A200  }
0xb0: {  	[dreg:$0x4] =	wrdreg $0x9  }
0xb1: {  	_ =	task.clear_ibuf [dreg:s6], $0x5FFFF;
	_ =	strace $0x9000004C  }
0xb2: {  	s29 =	simm.s32 $0x9;
	_ =	strace $0x8000004E  }
0xb3: {  	_ =	swait.ge [sflag:s29], $0x1  }
0xb4: {  	[sflag:s29] =	ssyncadd.s32 $0xFFFFFFFF  }
0xb5: {  	_ =	strace $0x9000004E  }
0xb6: {  	_ =	sfence  }
0xb7: {  	s30 =	sld [smem:$0x0];
	_ =	sdelay $0x2  }
0xb8: {  	s31 =	sshll.u32 s1, $0xD;
	s1 =	sshrl.u32 s1, $0x2  }
0xb9: {  	s3 =	sand.u32 $0x4000, s31;
	s1 =	sadd.s32 s1, s30  }
0xba: {  	s0 =	sor.u32 s3, s0;
	s1 =	sshll.u32 s1, $0x11  }
0xbb: {  	s0 =	sor.u32 s1, s0  }
0xbc: {  	s0 =	sadd.s32 $0x8F2B, s0  }
0xbd: {  	[sflag:s0] =	ssyncadd.remote.s32 $0x1  }
0xbe: {  	_ =	sfence.sel $0xFFFF  }
0xbf: {  	[dreg:$0x0] =	wrdreg $0xFFFFFFFF;
	(pc) =	sbr.abs _section_cstart, $3  }
0xc0: {  	[dreg:$0x1] =	wrdreg $0xFFFFFFFF  }
0xc1: {  	_ =	task.clear_ibuf [dreg:s6], $0x2FFFF;
	_ =	strace $0x9FFFFFFF  }
0xc2: {  	(tm) =	ssettm $0x7FFFFFFF  }
0xc3: {  	_ =	shalt  }
tec
execute0_lowered:
.L_overlay_start_1:
0x0: {  	(tag) =	ssettag $0x1  }
0x1: {  	s6 =	rddreg [dreg:$0x0]  }
0x2: {  	s0 =	srdreg.scid;
	s2 =	rddreg [dreg:$0x1]  }
0x3: {  	s3 =	simm.s32 $0x0;
	s14 =	simm.s32 $0x50;
	s15 =	simm.s32 $0x4E20  }
0x4: {  	s16 =	simm.s32 $0x6220;
	s17 =	simm.s32 $0x7620;
	s18 =	simm.s32 $0x1  }
0x5: {  	s19 =	simm.s32 $0x2;
	s20 =	simm.s32 $0x3;
	s21 =	simm.s32 $0x4D80  }
0x6: {  	s22 =	simm.s32 $0x4DD0;
	s5 =	sand.u32 $0x1, s0;
	s0 =	stileid.u32  }
0x7: {  	s23 =	simm.s32 $0x0;
	[smem:$0x7FF] =	sst s3;
	s8 =	smul.u32 $0x9C40, s0  }
0x8: {  	s4 =	sadd.s32 $0x1A600, s6;
	s1 =	sshll.u32 s5, $0x4;
	s9 =	smul.u32 $0x9C400, s5  }
0x9: {  	s5 =	ssub.s32 $0x2, s5;
	s31 =	sshll.u32 s0, $0x6;
	s1 =	sor.u32 s0, s1  }
0xa: {  	s11 =	sshrl.u32 s5, $0x1;
	s7 =	smul.u32 $0x4E2, s1;
	s1 =	rddreg [dreg:$0x2]  }
0xb: {  	_ =	strace $0x8000004D;
	s29 =	sadd.s32 s8, s9;
	s30 =	sshrl.u32 s8, $0x3  }
0xc: {  	s11 =	ssub.s32 s5, s11;
	s13 =	sadd.s32 s8, s2;
	s9 =	sadd.s32 s30, s6  }
0xd: {  	s10 =	sadd.s32 s7, s6;
	s7 =	sshrl.u32 s29, $0x3;
	s5 =	sadd.s32 $0x2E000, s9  }
0xe: {  	s12 =	sadd.s32 s7, s6;
	s6 =	sor.u32 $0x1C04, s31;
	s7 =	sadd.s32 $0xF800, s10  }
0xf: {  	s8 =	sadd.s32 $0x5A00, s10;
	s10 =	smax.u32 s11, $0x1;
	s11 =	sshrl.u32 s13, $0x3  }
0x10: {  	s13 =	simm.s32 $0x2710;
	s9 =	sadd.s32 $0x8FC00, s12;
	s12 =	simm.s32 $0x4  }
.LBB2_1:
0x11: {  	[spmem:s11], [sflag:s6] =	dma.local [hbm:s5], $0x1388  }
0x12: {  	_ =	swait.ge [sflag:s12], $0x1388  }
0x13: {  	[sflag:s12] =	ssyncset.done $0x0  }
0x14: {  	[sflag:s12] =	ssyncadd.s32 $0xFFFFEC78  }
0x15: {  	[tilespmem:s3], [sflag:$0x4] =	stream.linear.gather [hbm4b:s7+s3], $0x2710, $0x38;
	[tilespmem:$0x12660] =	vst v63  }
0x16: {  	_ =	swait.ge [sflag:s12], $0x2710  }
0x17: {  	[sflag:s12] =	ssyncset.done $0x0  }
0x18: {  	[sflag:s12] =	ssyncadd.s32 $0xFFFFD8F0  }
0x19: {  	[tilespmem:s13], [sflag:$0x4] =	stream.linear.gather [hbm4b:s8+s3], $0x2710, $0x38;
	[tilespmem:$0x12660] =	vst v63  }
0x1a: {  	_ =	swait.ge [sflag:s12], $0x2710  }
0x1b: {  	[sflag:s12] =	ssyncset.done $0x0  }
0x1c: {  	[sflag:s12] =	ssyncadd.s32 $0xFFFFD8F0  }
0x1d: {  	[bflag:$0x0] =	sbarrier.arrive $0xFFFF  }
0x1e: {  	[tilespmem:s15], [sflag:$0x1] =	stream.indirect.gather [hbm4b:s4+s14], $0x40, s3, s14, $0xb8;
	[tilespmem:$0x12660] =	vst v63  }
0x1f: {  	_ = 	snop  }
0x20: {  	[tilespmem:s16], [sflag:$0x2] =	stream.indirect.gather [hbm4b:s4+s14], $0x40, s14, s14, $0xb8;
	[tilespmem:$0x12660] =	vst v63  }
0x21: {  	s24 =	simm.s32 $0xA0  }
0x22: {  	[tilespmem:s17], [sflag:$0x3] =	stream.indirect.gather [hbm4b:s4+s14], $0x40, s24, s14, $0xb8;
	[tilespmem:$0x12660] =	vst v63  }
0x23: {  	_ =	swait.ge [sflag:s18], $0x1400  }
0x24: {  	[sflag:s18] =	ssyncset.done $0x0  }
0x25: {  	s26 =	simm.s32 $0x2710;
	[sflag:s18] =	ssyncadd.s32 $0xFFFFEC00  }
0x26: {  	[spmem:s2] =	stream.indirect.scatter.add.f32 [tilespmem:s15], [sflag:$0x4], $0x40, s26, s14, $0xb8;
	[tilespmem:$0x12660] =	vst v63  }
0x27: {  	_ =	swait.ge [sflag:s12], $0x1400  }
0x28: {  	[sflag:s12] =	ssyncset.done $0x0  }
0x29: {  	s28 =	simm.s32 $0xF0;
	[sflag:s12] =	ssyncadd.s32 $0xFFFFEC00  }
0x2a: {  	[tilespmem:s15], [sflag:$0x1] =	stream.indirect.gather [hbm4b:s4+s14], $0x40, s28, s14, $0xb8;
	[tilespmem:$0x12660] =	vst v63  }
0x2b: {  	_ =	swait.ge [sflag:s19], $0x1400  }
0x2c: {  	[sflag:s19] =	ssyncset.done $0x0  }
0x2d: {  	s29 =	simm.s32 $0x2760;
	[sflag:s19] =	ssyncadd.s32 $0xFFFFEC00  }
0x2e: {  	[spmem:s2] =	stream.indirect.scatter.add.f32 [tilespmem:s16], [sflag:$0x4], $0x40, s29, s14, $0xb8;
	[tilespmem:$0x12660] =	vst v63  }
0x2f: {  	_ =	swait.ge [sflag:s12], $0x1400  }
0x30: {  	[sflag:s12] =	ssyncset.done $0x0  }
0x31: {  	s30 =	simm.s32 $0x140;
	[sflag:s12] =	ssyncadd.s32 $0xFFFFEC00  }
0x32: {  	[tilespmem:s16], [sflag:$0x2] =	stream.indirect.gather [hbm4b:s4+s14], $0x40, s30, s14, $0xb8;
	[tilespmem:$0x12660] =	vst v63  }
0x33: {  	_ =	swait.ge [sflag:s20], $0x1400  }
0x34: {  	[sflag:s20] =	ssyncset.done $0x0  }
0x35: {  	s31 =	simm.s32 $0x27B0;
	[sflag:s20] =	ssyncadd.s32 $0xFFFFEC00  }
0x36: {  	[spmem:s2] =	stream.indirect.scatter.add.f32 [tilespmem:s17], [sflag:$0x4], $0x40, s31, s14, $0xb8;
	[tilespmem:$0x12660] =	vst v63  }
0x37: {  	_ =	swait.ge [sflag:s12], $0x1400  }
0x38: {  	s25 =	simm.s32 $0x780;
	s24 =	simm.s32 $0xF0;
	[sflag:s12] =	ssyncset.done $0x0  }
.LBB2_2:
0x39: {  	s26 =	sadd.s32 $0xA0, s24  }
0x3a: {  	[sflag:s12] =	ssyncadd.s32 $0xFFFFEC00;
	s28 =	smov.u32 s25;
	s29 =	sadd.s32 $0x3C0, s25  }
0x3b: {  	[tilespmem:s17], [sflag:$0x3] =	stream.indirect.gather [hbm4b:s4+s14], $0x40, s26, s14, $0xb8;
	[tilespmem:$0x12660] =	vst v63  }
0x3c: {  	p0 =	sne.s32 s25, $0x9600;
	_ =	swait.ge [sflag:s18], $0x1400  }
0x3d: {  	[sflag:s18] =	ssyncset.done $0x0  }
0x3e: {  	s25 =	sadd.s32 $0x2710, s24;
	[sflag:s18] =	ssyncadd.s32 $0xFFFFEC00  }
0x3f: {  	[spmem:s2] =	stream.indirect.scatter.add.f32 [tilespmem:s15], [sflag:$0x4], $0x40, s25, s14, $0xb8;
	[tilespmem:$0x12660] =	vst v63  }
0x40: {  	_ =	swait.ge [sflag:s12], $0x1400  }
0x41: {  	[sflag:s12] =	ssyncset.done $0x0  }
0x42: {  	s25 =	sadd.s32 $0xF0, s24;
	[sflag:s12] =	ssyncadd.s32 $0xFFFFEC00  }
0x43: {  	[tilespmem:s15], [sflag:$0x1] =	stream.indirect.gather [hbm4b:s4+s14], $0x40, s25, s14, $0xb8;
	[tilespmem:$0x12660] =	vst v63  }
0x44: {  	_ =	swait.ge [sflag:s19], $0x1400  }
0x45: {  	[sflag:s19] =	ssyncset.done $0x0  }
0x46: {  	s25 =	sadd.s32 $0x2760, s24;
	[sflag:s19] =	ssyncadd.s32 $0xFFFFEC00  }
0x47: {  	[spmem:s2] =	stream.indirect.scatter.add.f32 [tilespmem:s16], [sflag:$0x4], $0x40, s25, s14, $0xb8;
	[tilespmem:$0x12660] =	vst v63  }
0x48: {  	_ =	swait.ge [sflag:s12], $0x1400  }
0x49: {  	[sflag:s12] =	ssyncset.done $0x0  }
0x4a: {  	s25 =	sadd.s32 $0x140, s24;
	[sflag:s12] =	ssyncadd.s32 $0xFFFFEC00  }
0x4b: {  	[tilespmem:s16], [sflag:$0x2] =	stream.indirect.gather [hbm4b:s4+s14], $0x40, s25, s14, $0xb8;
	[tilespmem:$0x12660] =	vst v63  }
0x4c: {  	_ =	swait.ge [sflag:s20], $0x1400  }
.Ltmp0:
0x4d: {  	[sflag:s20] =	ssyncset.done $0x0;
	(pc) =	sbr.rel @p0 .LBB2_2-.Ltmp0, $4  }
0x4e: {  	s24 =	sadd.s32 $0x27B0, s24;
	[sflag:s20] =	ssyncadd.s32 $0xFFFFEC00  }
0x4f: {  	[spmem:s2] =	stream.indirect.scatter.add.f32 [tilespmem:s17], [sflag:$0x4], $0x40, s24, s14, $0xb8;
	[tilespmem:$0x12660] =	vst v63  }
0x50: {  	_ =	swait.ge [sflag:s12], $0x1400  }
0x51: {  	s25 =	smov.u32 s29;
	s24 =	sshra.s32 s28, $0x2;
	[sflag:s12] =	ssyncset.done $0x0  }
0x52: {  	s25 =	sadd.s32 $0xA0, s24;
	[sflag:s12] =	ssyncadd.s32 $0xFFFFEC00  }
0x53: {  	[tilespmem:s17], [sflag:$0x3] =	stream.indirect.gather [hbm4b:s4+s14], $0x40, s25, s14, $0xb8;
	[tilespmem:$0x12660] =	vst v63  }
0x54: {  	_ =	swait.ge [sflag:s18], $0x1400  }
0x55: {  	[sflag:s18] =	ssyncset.done $0x0  }
0x56: {  	s26 =	sadd.s32 $0x2710, s24;
	[sflag:s18] =	ssyncadd.s32 $0xFFFFEC00  }
0x57: {  	[spmem:s2] =	stream.indirect.scatter.add.f32 [tilespmem:s15], [sflag:$0x4], $0x40, s26, s14, $0xb8;
	[tilespmem:$0x12660] =	vst v63  }
0x58: {  	_ =	swait.ge [sflag:s12], $0x1400  }
0x59: {  	[sflag:s12] =	ssyncset.done $0x0  }
0x5a: {  	s28 =	sadd.s32 $0xF0, s24;
	[sflag:s12] =	ssyncadd.s32 $0xFFFFEC00  }
0x5b: {  	[tilespmem:s15], [sflag:$0x1] =	stream.indirect.gather [hbm4b:s4+s14], $0x40, s28, s14, $0xb8;
	[tilespmem:$0x12660] =	vst v63  }
0x5c: {  	_ =	swait.ge [sflag:s19], $0x1400  }
0x5d: {  	[sflag:s19] =	ssyncset.done $0x0  }
0x5e: {  	s29 =	sadd.s32 $0x2760, s24;
	[sflag:s19] =	ssyncadd.s32 $0xFFFFEC00  }
0x5f: {  	[spmem:s2] =	stream.indirect.scatter.add.f32 [tilespmem:s16], [sflag:$0x4], $0x40, s29, s14, $0xb8;
	[tilespmem:$0x12660] =	vst v63  }
0x60: {  	_ =	swait.ge [sflag:s12], $0x1400  }
0x61: {  	[sflag:s12] =	ssyncset.done $0x0  }
0x62: {  	s30 =	sadd.s32 $0x140, s24;
	[sflag:s12] =	ssyncadd.s32 $0xFFFFEC00  }
0x63: {  	[tilespmem:s16], [sflag:$0x2] =	stream.indirect.gather [hbm4b:s4+s14], $0x40, s30, s14, $0xb8;
	[tilespmem:$0x12660] =	vst v63  }
0x64: {  	_ =	swait.ge [sflag:s20], $0x1400  }
0x65: {  	[sflag:s20] =	ssyncset.done $0x0  }
0x66: {  	s31 =	sadd.s32 $0x27B0, s24;
	[sflag:s20] =	ssyncadd.s32 $0xFFFFEC00  }
0x67: {  	[spmem:s2] =	stream.indirect.scatter.add.f32 [tilespmem:s17], [sflag:$0x4], $0x40, s31, s14, $0xb8;
	[tilespmem:$0x12660] =	vst v63  }
0x68: {  	_ =	swait.ge [sflag:s12], $0x1400  }
0x69: {  	[sflag:s12] =	ssyncset.done $0x0  }
0x6a: {  	[sflag:s12] =	ssyncadd.s32 $0xFFFFEC00  }
0x6b: {  	_ =	swait.ge [sflag:s18], $0x1400  }
0x6c: {  	[sflag:s18] =	ssyncset.done $0x0  }
0x6d: {  	[sflag:s18] =	ssyncadd.s32 $0xFFFFEC00  }
0x6e: {  	[spmem:s2] =	stream.indirect.scatter.add.f32 [tilespmem:s15], [sflag:$0x4], $0x40, s21, s14, $0xb8;
	[tilespmem:$0x12660] =	vst v63  }
0x6f: {  	_ =	swait.ge [sflag:s12], $0x1400  }
0x70: {  	[sflag:s12] =	ssyncset.done $0x0  }
0x71: {  	[sflag:s12] =	ssyncadd.s32 $0xFFFFEC00  }
0x72: {  	_ =	swait.ge [sflag:s19], $0x1400  }
0x73: {  	[sflag:s19] =	ssyncset.done $0x0  }
0x74: {  	[sflag:s19] =	ssyncadd.s32 $0xFFFFEC00  }
0x75: {  	[spmem:s2] =	stream.indirect.scatter.add.f32 [tilespmem:s16], [sflag:$0x4], $0x40, s22, s14, $0xb8;
	[tilespmem:$0x12660] =	vst v63  }
0x76: {  	_ =	swait.ge [sflag:s12], $0x1400  }
0x77: {  	s23 =	sadd.s32 $0x1, s23;
	[sflag:s12] =	ssyncset.done $0x0  }
0x78: {  	p0 =	sne.s32 s23, s10;
	[sflag:s12] =	ssyncadd.s32 $0xFFFFEC00  }
.Ltmp1:
0x79: {  	[bflag:$0x0] =	sbarrier.arrive $0xFFFF;
	(pc) =	sbr.rel @p0 .LBB2_1-.Ltmp1, $4  }
0x7a: {  	[hbm:s9], [sflag:s6] =	dma.local [spmem:s11], $0x1388  }
0x7b: {  	_ =	swait.ge [sflag:s12], $0x1388  }
0x7c: {  	[sflag:s12] =	ssyncset.done $0x0  }
0x7d: {  	[sflag:s12] =	ssyncadd.s32 $0xFFFFEC78  }
0x7e: {  	_ =	sfence.sel $0x180000  }
0x7f: {  	[bflag:$0x0] =	sbarrier.arrive $0xFFFF  }
0x80: {  	p0 =	sne.s32 s0, $0x0;
	_ =	strace $0x9000004D  }
0x81: {  	s0 =	sadd.s32 @!p0 $0x100000, s1;
	[bflag:$0x2] =	sbarrier.arrive $0xFFFF  }
0x82: {  	[sflag:s0] =	ssyncadd.tile.s32 @!p0 $0x1;
	_ =	shalt  }
.Lfunc_end2:
_tile_overlayer_lowered:
.L_overlay_start_2:
0x83: {  	(tag) =	ssettag $0x2  }
0x84: {  	s0 =	rddreg [dreg:$0x0];
	s2 =	stileid.u32  }
0x85: {  	s1 =	rddreg [dreg:$0x1];
	p0 =	sne.s32 s2, $0x0  }
0x86: {  	s3 =	rddreg [dreg:$0x2];
	[bflag:$0x3] =	sbarrier.arrive $0xFFFF;
	s2 =	simm.s32 @!p0 $0x1C04  }
0x87: {  	[timem:s3], [sflag:s2] =	dma.local @!p0 [hbm:s0], s1  }
0x88: {  	s0 =	simm.s32 @!p0 $0x4  }
0x89: {  	_ =	swait.ge @!p0 [sflag:s0], s1  }
0x8a: {  	s1 =	ssub.s32 @!p0 $0x0, s1;
	[sflag:s0] =	ssyncset.done @!p0 $0x0  }
0x8b: {  	[sflag:s0] =	ssyncadd.s32 @!p0 s1  }
0x8c: {  	[bflag:$0x3] =	sbarrier.arrive $0xFFFF  }
0x8d: {  	_ =	shalt  }

// kernel: kernel.20.cloned.1.call-start
scs
__scs_entry_jumppad:
0x0: {  	(pc) =	sbr.rel $0x88, $3  }
0x1: {  	(tag) =	ssettag $0x0;
	lr =	simm.s32 $0x1  }
0x2: {  	[smem:$0x3F94] =	sst lr;
	_ =	strace $0xD0000000  }
0x3: {  	_ = 	snop  }
0x4: {  	_ = 	snop  }
0x5: {  	_ = 	snop  }
0x6: {  	_ = 	snop  }
0x7: {  	_ = 	snop  }
__scs_overlays_trampoline_lowered:
0x8: {  	[smem:$0x3FA3] =	sst s0  }
0x9: {  	[smem:$0x3FA4] =	sst s1  }
0xa: {  	[smem:$0x3FA5] =	sst s2  }
0xb: {  	[smem:$0x3FA6] =	sst s3  }
0xc: {  	[smem:$0x3FA7] =	sst s4  }
0xd: {  	[smem:$0x3FA8] =	sst s5  }
0xe: {  	[smem:$0x3FA9] =	sst s6  }
0xf: {  	[smem:$0x3FAA] =	sst s7  }
0x10: {  	[smem:$0x3FAB] =	sst s8  }
0x11: {  	[smem:$0x3FAC] =	sst s9;
	s0 =	simm.s32 @!p0 $0x0  }
0x12: {  	s1 =	sld [smem:$0x3F92];
	s0 =	simm.s32 @p0 $0x1  }
0x13: {  	[smem:$0x3FAD] =	sst s0;
	s0 =	simm.s32 @!p1 $0x0  }
0x14: {  	s2 =	sld [smem:$0x3F91];
	s0 =	simm.s32 @p1 $0x1  }
0x15: {  	[smem:$0x3FAE] =	sst s0;
	s0 =	simm.s32 @!p2 $0x0  }
0x16: {  	s3 =	sld [smem:$0x3FDB];
	s0 =	simm.s32 @p2 $0x1  }
0x17: {  	s4 =	simm.s32 $0x1BF5;
	[smem:$0x3FB0] =	sst s0  }
0x18: {  	s0 =	sld [smem:$0x3F93];
	_ =	swait.ge [sflag:s4], $0x0  }
0x19: {  	s7 =	sld [smem:$0x3F94]  }
0x1a: {  	s8 =	sadd.s32 $0xFFFFE003, lr  }
0x1b: {  	s9 =	sadd.s32 $0xFFFFFEF7, lr;
	s5 =	simm.s32 $0xFFFFFFFF;
	p2 =	slt.u32 s8, $0xFFFFF086  }
0x1c: {  	p1 =	slt.u32 s9, $0xF7A;
	s5 =	simm.s32 @!p2 $0x0  }
0x1d: {  	s5 =	simm.s32 @p1 $0x1;
	p0 =	seq.s32 s7, s2  }
0x1e: {  	s7 =	smul.u32 @!p0 $0xF7A, s2;
	p2 =	seq.s32 @!p0 s5, $0x0  }
0x1f: {  	s9 =	smul.u32 $0xF7A, s1;
	s8 =	simm.s32 @!p0 $0x1BF5;
	p2 =	por !p2, p0  }
0x20: {  	[sflag:s8] =	ssyncset.s32 @!p0 $0xFFFFF086;
	s6 =	sadd.s32 @!p0 s3, s7;
	s7 =	simm.s32 @!p0 $0x108  }
0x21: {  	s3 =	sadd.s32 s3, s9;
	s6 =	sadd.s32 @!p0 $0x88, s6;
	s7 =	simm.s32 @p2 $0x1082  }
0x22: {  	[simem:s7], [sflag:s8] =	dma.local @!p0 [hbm:s6], $0xF7A  }
0x23: {  	s9 =	sor.u32 $0xD0000000, s2;
	s6 =	simm.s32 $0x108;
	_ =	swait.ge @!p0 [sflag:s8], $0x0  }
0x24: {  	s3 =	sadd.s32 $0x88, s3;
	s6 =	simm.s32 @!p1 $0x1082;
	[sflag:s4] =	ssyncset.s32 $0xFFFFF086  }
0x25: {  	[simem:s6], [sflag:s4] =	dma.local [hbm:s3], $0xF7A  }
0x26: {  	[smem:$0x3F94] =	sst s1;
	(tag) =	ssettag s2;
	_ =	strace s9  }
0x27: {  	s1 =	sld [smem:$0x3FA4]  }
0x28: {  	s2 =	sld [smem:$0x3FA5]  }
0x29: {  	s4 =	sld [smem:$0x3FA7]  }
0x2a: {  	p0 =	seq.s32 s5, $0x0;
	s5 =	sld [smem:$0x3FA8]  }
0x2b: {  	s6 =	sld [smem:$0x3FA9]  }
0x2c: {  	s7 =	sld [smem:$0x3FAA]  }
0x2d: {  	s3 =	simm.s32 $0x108;
	s8 =	sld [smem:$0x3FAB]  }
0x2e: {  	s3 =	simm.s32 @!p0 $0x1082;
	s9 =	sld [smem:$0x3FAC]  }
0x2f: {  	lr =	sadd.s32 s0, s3;
	s0 =	sld [smem:$0x3FA3]  }
0x30: {  	s3 =	sld [smem:$0x3FA6]  }
0x31: {  	[smem:$0x3FAF] =	sst s10  }
0x32: {  	s10 =	sld [smem:$0x3FAD];
	_ =	sdelay $0x3  }
0x33: {  	p0 =	seq.s32 s10, $0x1;
	s10 =	sld [smem:$0x3FAF];
	_ =	sdelay $0x3  }
0x34: {  	[smem:$0x3FAF] =	sst s10  }
0x35: {  	s10 =	sld [smem:$0x3FAE];
	_ =	sdelay $0x3  }
0x36: {  	p1 =	seq.s32 s10, $0x1;
	s10 =	sld [smem:$0x3FAF];
	_ =	sdelay $0x3  }
0x37: {  	[smem:$0x3FAF] =	sst s10  }
0x38: {  	s10 =	sld [smem:$0x3FB0]  }
0x39: {  	_ = 	snop;
	(pc) =	sbr.ind lr, $3  }
0x3a: {  	_ = 	snop  }
0x3b: {  	_ = 	snop  }
0x3c: {  	p2 =	seq.s32 s10, $0x1;
	s10 =	sld [smem:$0x3FAF]  }
0x3d: {  	_ =	shalt  }
0x3e: {  	_ =	shalt  }
0x3f: {  	_ =	shalt  }
0x40: {  	_ =	shalt  }
0x41: {  	_ =	shalt  }
0x42: {  	_ =	shalt  }
0x43: {  	_ =	shalt  }
0x44: {  	_ =	shalt  }
0x45: {  	_ =	shalt  }
0x46: {  	_ =	shalt  }
0x47: {  	_ =	shalt  }
0x48: {  	_ =	shalt  }
0x49: {  	_ =	shalt  }
0x4a: {  	_ =	shalt  }
0x4b: {  	_ =	shalt  }
0x4c: {  	_ =	shalt  }
0x4d: {  	_ =	shalt  }
0x4e: {  	_ =	shalt  }
0x4f: {  	_ =	shalt  }
0x50: {  	_ =	shalt  }
0x51: {  	_ =	shalt  }
0x52: {  	_ =	shalt  }
0x53: {  	_ =	shalt  }
0x54: {  	_ =	shalt  }
0x55: {  	_ =	shalt  }
0x56: {  	_ =	shalt  }
0x57: {  	_ =	shalt  }
0x58: {  	_ =	shalt  }
0x59: {  	_ =	shalt  }
0x5a: {  	_ =	shalt  }
0x5b: {  	_ =	shalt  }
0x5c: {  	_ =	shalt  }
0x5d: {  	_ =	shalt  }
0x5e: {  	_ =	shalt  }
0x5f: {  	_ =	shalt  }
0x60: {  	_ =	shalt  }
0x61: {  	_ =	shalt  }
0x62: {  	_ =	shalt  }
0x63: {  	_ =	shalt  }
0x64: {  	_ =	shalt  }
0x65: {  	_ =	shalt  }
0x66: {  	_ =	shalt  }
0x67: {  	_ =	shalt  }
0x68: {  	_ =	shalt  }
0x69: {  	_ =	shalt  }
0x6a: {  	_ =	shalt  }
0x6b: {  	_ =	shalt  }
0x6c: {  	_ =	shalt  }
0x6d: {  	_ =	shalt  }
0x6e: {  	_ =	shalt  }
0x6f: {  	_ =	shalt  }
0x70: {  	_ =	shalt  }
0x71: {  	_ =	shalt  }
0x72: {  	_ =	shalt  }
0x73: {  	_ =	shalt  }
0x74: {  	_ =	shalt  }
0x75: {  	_ =	shalt  }
0x76: {  	_ =	shalt  }
0x77: {  	_ =	shalt  }
0x78: {  	_ =	shalt  }
0x79: {  	_ =	shalt  }
0x7a: {  	_ =	shalt  }
0x7b: {  	_ =	shalt  }
0x7c: {  	_ =	shalt  }
0x7d: {  	_ =	shalt  }
0x7e: {  	_ =	shalt  }
0x7f: {  	_ =	shalt  }
0x80: {  	_ =	shalt  }
0x81: {  	_ =	shalt  }
0x82: {  	_ =	shalt  }
0x83: {  	_ =	shalt  }
0x84: {  	_ =	shalt  }
0x85: {  	_ =	shalt  }
0x86: {  	_ =	shalt  }
0x87: {  	_ =	shalt  }
.Lfunc_end0:
.L_simem_size_0:
called_computation.3_lowered:
.L_overlay_start_0:
0x88: {  	s2 =	sld [smem:$0x3FD9]  }
0x89: {  	s3 =	sld [smem:$0x3FFE];
	_ =	sdelay $0x1  }
0x8a: {  	s1 =	srdreg.scid  }
0x8b: {  	s0 =	sand.u32 $0x1, s1  }
0x8c: {  	s16 =	sshll.u32 s0, $0xA;
	s2 =	sadd.s32 s3, s2  }
0x8d: {  	s2 =	sadd.s32 s2, s16  }
0x8e: {  	[smem:$0x3FBB] =	sst s2  }
0x8f: {  	_ = 	snop  }
0x90: {  	(tm) =	ssettm $0x1  }
0x91: {  	s17 =	sld [smem:$0x3FFB];
	_ =	sdelay $0x3  }
0x92: {  	_ =	strace s17  }
0x93: {  	s2 =	sld [smem:$0x3FFC];
	_ =	sdelay $0x3  }
0x94: {  	_ =	strace s2  }
0x95: {  	s2 =	sld [smem:$0x3FFD];
	_ =	sdelay $0x3  }
0x96: {  	_ =	strace s2  }
0x97: {  	_ =	strace $0x8FFFFFFF  }
0x98: {  	s18 =	sld [smem:$0x3FDB];
	_ =	sdelay $0x1  }
0x99: {  	s19 =	simm.s32 $_scs_section_size  }
0x9a: {  	s4 =	simm.s32 $_size__tile_overlayer_lowered;
	s5 =	simm.s32 $_tile_overlayer_lowered  }
0x9b: {  	s22 =	simm.s32 $0x1BFF;
	s21 =	sshll.u32 s5, $0x1;
	s2 =	sadd.s32 s19, s18  }
0x9c: {  	s6 =	simm.s32 $0x0;
	s20 =	sshll.u32 s4, $0x1;
	s4 =	sadd.s32 s21, s2  }
0x9d: {  	[timem:s6], [sflag:s22] =	dma.local [hbm:s4], s20  }
0x9e: {  	_ =	swait.ge [sflag:s22], s20  }
0x9f: {  	s3 =	ssub.s32 $0x0, s20;
	[sflag:s22] =	ssyncset.done $0x0  }
0xa0: {  	[sflag:s22] =	ssyncadd.s32 s3;
	_ =	sdelay $0x1  }
0xa1: {  	s23 =	simm.s32 $0x1B8B  }
0xa2: {  	_ =	swait.ge [sflag:s23], $0x1  }
0xa3: {  	[sflag:s23] =	ssyncset.done $0x0  }
0xa4: {  	s25 =	simm.s32 $0x1B8E;
	s24 =	sld [smem:$0x3FFE];
	[sflag:s23] =	ssyncadd.s32 $0xFFFFFFFF  }
0xa5: {  	s26 =	simm.s32 $execute0_lowered;
	[smem:$0x3FD2] =	sst s25  }
0xa6: {  	s4 =	sshll.u32 s26, $0x1;
	_ =	strace $0x8000004F;
	[dreg:$0x1] =	wrdreg $0xFFFFFFFF  }
0xa7: {  	s28 =	simm.s32 $_size_execute0_lowered;
	s2 =	sadd.s32 s2, s4;
	[dreg:$0x0] =	wrdreg $0x0  }
0xa8: {  	s4 =	sshll.u32 s28, $0x1;
	[dreg:$0x2] =	wrdreg s2  }
0xa9: {  	[dreg:$0x3] =	wrdreg s4  }
0xaa: {  	[dreg:$0x4] =	wrdreg $0xC0  }
0xab: {  	_ =	task [dreg:s6], $0x5FFFF  }
0xac: {  	[dreg:$0x1] =	wrdreg $0xFFFFFFFF  }
0xad: {  	[dreg:$0x0] =	wrdreg $0x60  }
0xae: {  	[dreg:$0x2] =	wrdreg s24  }
0xaf: {  	[dreg:$0x3] =	wrdreg $0x8A200  }
0xb0: {  	[dreg:$0x4] =	wrdreg $0x9  }
0xb1: {  	_ =	task.clear_ibuf [dreg:s6], $0x5FFFF;
	_ =	strace $0x9000004F  }
0xb2: {  	s29 =	simm.s32 $0x9;
	_ =	strace $0x80000051  }
0xb3: {  	_ =	swait.ge [sflag:s29], $0x1  }
0xb4: {  	[sflag:s29] =	ssyncadd.s32 $0xFFFFFFFF  }
0xb5: {  	_ =	strace $0x90000051  }
0xb6: {  	_ =	sfence  }
0xb7: {  	s30 =	sld [smem:$0x0];
	_ =	sdelay $0x2  }
0xb8: {  	s31 =	sshll.u32 s1, $0xD;
	s1 =	sshrl.u32 s1, $0x2  }
0xb9: {  	s3 =	sand.u32 $0x4000, s31;
	s1 =	sadd.s32 s1, s30  }
0xba: {  	s0 =	sor.u32 s3, s0;
	s1 =	sshll.u32 s1, $0x11  }
0xbb: {  	s0 =	sor.u32 s1, s0  }
0xbc: {  	s0 =	sadd.s32 $0x8F2B, s0  }
0xbd: {  	[sflag:s0] =	ssyncadd.remote.s32 $0x1  }
0xbe: {  	_ =	sfence.sel $0xFFFF  }
0xbf: {  	[dreg:$0x0] =	wrdreg $0xFFFFFFFF;
	(pc) =	sbr.abs _section_cstart, $3  }
0xc0: {  	[dreg:$0x1] =	wrdreg $0xFFFFFFFF  }
0xc1: {  	_ =	task.clear_ibuf [dreg:s6], $0x2FFFF;
	_ =	strace $0x9FFFFFFF  }
0xc2: {  	(tm) =	ssettm $0x7FFFFFFF  }
0xc3: {  	_ =	shalt  }
tec
execute0_lowered:
.L_overlay_start_1:
0x0: {  	(tag) =	ssettag $0x1  }
0x1: {  	s6 =	rddreg [dreg:$0x0]  }
0x2: {  	s0 =	srdreg.scid;
	s2 =	rddreg [dreg:$0x1]  }
0x3: {  	s3 =	simm.s32 $0x0;
	s14 =	simm.s32 $0x50;
	s15 =	simm.s32 $0x4E20  }
0x4: {  	s16 =	simm.s32 $0x6220;
	s17 =	simm.s32 $0x7620;
	s18 =	simm.s32 $0x1  }
0x5: {  	s19 =	simm.s32 $0x2;
	s20 =	simm.s32 $0x3;
	s21 =	simm.s32 $0x4D80  }
0x6: {  	s22 =	simm.s32 $0x4DD0;
	s5 =	sand.u32 $0x1, s0;
	s0 =	stileid.u32  }
0x7: {  	s23 =	simm.s32 $0x0;
	[smem:$0x7FF] =	sst s3;
	s8 =	smul.u32 $0x9C40, s0  }
0x8: {  	s4 =	sadd.s32 $0x19600, s6;
	s1 =	sshll.u32 s5, $0x4;
	s9 =	smul.u32 $0x9C400, s5  }
0x9: {  	s5 =	ssub.s32 $0x2, s5;
	s31 =	sshll.u32 s0, $0x6;
	s1 =	sor.u32 s0, s1  }
0xa: {  	s11 =	sshrl.u32 s5, $0x1;
	s7 =	smul.u32 $0x4E2, s1;
	s1 =	rddreg [dreg:$0x2]  }
0xb: {  	_ =	strace $0x80000050;
	s29 =	sadd.s32 s8, s9;
	s30 =	sshrl.u32 s8, $0x3  }
0xc: {  	s11 =	ssub.s32 s5, s11;
	s13 =	sadd.s32 s8, s2;
	s9 =	sadd.s32 s30, s6  }
0xd: {  	s10 =	sadd.s32 s7, s6;
	s7 =	sshrl.u32 s29, $0x3;
	s5 =	sadd.s32 $0x2E000, s9  }
0xe: {  	s12 =	sadd.s32 s7, s6;
	s6 =	sor.u32 $0x1C04, s31;
	s7 =	sadd.s32 $0xF800, s10  }
0xf: {  	s8 =	sadd.s32 $0x5A00, s10;
	s10 =	smax.u32 s11, $0x1;
	s11 =	sshrl.u32 s13, $0x3  }
0x10: {  	s13 =	simm.s32 $0x2710;
	s9 =	sadd.s32 $0x8FC00, s12;
	s12 =	simm.s32 $0x4  }
.LBB2_1:
0x11: {  	[spmem:s11], [sflag:s6] =	dma.local [hbm:s5], $0x1388  }
0x12: {  	_ =	swait.ge [sflag:s12], $0x1388  }
0x13: {  	[sflag:s12] =	ssyncset.done $0x0  }
0x14: {  	[sflag:s12] =	ssyncadd.s32 $0xFFFFEC78  }
0x15: {  	[tilespmem:s3], [sflag:$0x4] =	stream.linear.gather [hbm4b:s7+s3], $0x2710, $0x38;
	[tilespmem:$0x12660] =	vst v63  }
0x16: {  	_ =	swait.ge [sflag:s12], $0x2710  }
0x17: {  	[sflag:s12] =	ssyncset.done $0x0  }
0x18: {  	[sflag:s12] =	ssyncadd.s32 $0xFFFFD8F0  }
0x19: {  	[tilespmem:s13], [sflag:$0x4] =	stream.linear.gather [hbm4b:s8+s3], $0x2710, $0x38;
	[tilespmem:$0x12660] =	vst v63  }
0x1a: {  	_ =	swait.ge [sflag:s12], $0x2710  }
0x1b: {  	[sflag:s12] =	ssyncset.done $0x0  }
0x1c: {  	[sflag:s12] =	ssyncadd.s32 $0xFFFFD8F0  }
0x1d: {  	[bflag:$0x0] =	sbarrier.arrive $0xFFFF  }
0x1e: {  	[tilespmem:s15], [sflag:$0x1] =	stream.indirect.gather [hbm4b:s4+s14], $0x40, s3, s14, $0xb8;
	[tilespmem:$0x12660] =	vst v63  }
0x1f: {  	_ = 	snop  }
0x20: {  	[tilespmem:s16], [sflag:$0x2] =	stream.indirect.gather [hbm4b:s4+s14], $0x40, s14, s14, $0xb8;
	[tilespmem:$0x12660] =	vst v63  }
0x21: {  	s24 =	simm.s32 $0xA0  }
0x22: {  	[tilespmem:s17], [sflag:$0x3] =	stream.indirect.gather [hbm4b:s4+s14], $0x40, s24, s14, $0xb8;
	[tilespmem:$0x12660] =	vst v63  }
0x23: {  	_ =	swait.ge [sflag:s18], $0x1400  }
0x24: {  	[sflag:s18] =	ssyncset.done $0x0  }
0x25: {  	s26 =	simm.s32 $0x2710;
	[sflag:s18] =	ssyncadd.s32 $0xFFFFEC00  }
0x26: {  	[spmem:s2] =	stream.indirect.scatter.add.f32 [tilespmem:s15], [sflag:$0x4], $0x40, s26, s14, $0xb8;
	[tilespmem:$0x12660] =	vst v63  }
0x27: {  	_ =	swait.ge [sflag:s12], $0x1400  }
0x28: {  	[sflag:s12] =	ssyncset.done $0x0  }
0x29: {  	s28 =	simm.s32 $0xF0;
	[sflag:s12] =	ssyncadd.s32 $0xFFFFEC00  }
0x2a: {  	[tilespmem:s15], [sflag:$0x1] =	stream.indirect.gather [hbm4b:s4+s14], $0x40, s28, s14, $0xb8;
	[tilespmem:$0x12660] =	vst v63  }
0x2b: {  	_ =	swait.ge [sflag:s19], $0x1400  }
0x2c: {  	[sflag:s19] =	ssyncset.done $0x0  }
0x2d: {  	s29 =	simm.s32 $0x2760;
	[sflag:s19] =	ssyncadd.s32 $0xFFFFEC00  }
0x2e: {  	[spmem:s2] =	stream.indirect.scatter.add.f32 [tilespmem:s16], [sflag:$0x4], $0x40, s29, s14, $0xb8;
	[tilespmem:$0x12660] =	vst v63  }
0x2f: {  	_ =	swait.ge [sflag:s12], $0x1400  }
0x30: {  	[sflag:s12] =	ssyncset.done $0x0  }
0x31: {  	s30 =	simm.s32 $0x140;
	[sflag:s12] =	ssyncadd.s32 $0xFFFFEC00  }
0x32: {  	[tilespmem:s16], [sflag:$0x2] =	stream.indirect.gather [hbm4b:s4+s14], $0x40, s30, s14, $0xb8;
	[tilespmem:$0x12660] =	vst v63  }
0x33: {  	_ =	swait.ge [sflag:s20], $0x1400  }
0x34: {  	[sflag:s20] =	ssyncset.done $0x0  }
0x35: {  	s31 =	simm.s32 $0x27B0;
	[sflag:s20] =	ssyncadd.s32 $0xFFFFEC00  }
0x36: {  	[spmem:s2] =	stream.indirect.scatter.add.f32 [tilespmem:s17], [sflag:$0x4], $0x40, s31, s14, $0xb8;
	[tilespmem:$0x12660] =	vst v63  }
0x37: {  	_ =	swait.ge [sflag:s12], $0x1400  }
0x38: {  	s25 =	simm.s32 $0x780;
	s24 =	simm.s32 $0xF0;
	[sflag:s12] =	ssyncset.done $0x0  }
.LBB2_2:
0x39: {  	s26 =	sadd.s32 $0xA0, s24  }
0x3a: {  	[sflag:s12] =	ssyncadd.s32 $0xFFFFEC00;
	s28 =	smov.u32 s25;
	s29 =	sadd.s32 $0x3C0, s25  }
0x3b: {  	[tilespmem:s17], [sflag:$0x3] =	stream.indirect.gather [hbm4b:s4+s14], $0x40, s26, s14, $0xb8;
	[tilespmem:$0x12660] =	vst v63  }
0x3c: {  	p0 =	sne.s32 s25, $0x9600;
	_ =	swait.ge [sflag:s18], $0x1400  }
0x3d: {  	[sflag:s18] =	ssyncset.done $0x0  }
0x3e: {  	s25 =	sadd.s32 $0x2710, s24;
	[sflag:s18] =	ssyncadd.s32 $0xFFFFEC00  }
0x3f: {  	[spmem:s2] =	stream.indirect.scatter.add.f32 [tilespmem:s15], [sflag:$0x4], $0x40, s25, s14, $0xb8;
	[tilespmem:$0x12660] =	vst v63  }
0x40: {  	_ =	swait.ge [sflag:s12], $0x1400  }
0x41: {  	[sflag:s12] =	ssyncset.done $0x0  }
0x42: {  	s25 =	sadd.s32 $0xF0, s24;
	[sflag:s12] =	ssyncadd.s32 $0xFFFFEC00  }
0x43: {  	[tilespmem:s15], [sflag:$0x1] =	stream.indirect.gather [hbm4b:s4+s14], $0x40, s25, s14, $0xb8;
	[tilespmem:$0x12660] =	vst v63  }
0x44: {  	_ =	swait.ge [sflag:s19], $0x1400  }
0x45: {  	[sflag:s19] =	ssyncset.done $0x0  }
0x46: {  	s25 =	sadd.s32 $0x2760, s24;
	[sflag:s19] =	ssyncadd.s32 $0xFFFFEC00  }
0x47: {  	[spmem:s2] =	stream.indirect.scatter.add.f32 [tilespmem:s16], [sflag:$0x4], $0x40, s25, s14, $0xb8;
	[tilespmem:$0x12660] =	vst v63  }
0x48: {  	_ =	swait.ge [sflag:s12], $0x1400  }
0x49: {  	[sflag:s12] =	ssyncset.done $0x0  }
0x4a: {  	s25 =	sadd.s32 $0x140, s24;
	[sflag:s12] =	ssyncadd.s32 $0xFFFFEC00  }
0x4b: {  	[tilespmem:s16], [sflag:$0x2] =	stream.indirect.gather [hbm4b:s4+s14], $0x40, s25, s14, $0xb8;
	[tilespmem:$0x12660] =	vst v63  }
0x4c: {  	_ =	swait.ge [sflag:s20], $0x1400  }
.Ltmp0:
0x4d: {  	[sflag:s20] =	ssyncset.done $0x0;
	(pc) =	sbr.rel @p0 .LBB2_2-.Ltmp0, $4  }
0x4e: {  	s24 =	sadd.s32 $0x27B0, s24;
	[sflag:s20] =	ssyncadd.s32 $0xFFFFEC00  }
0x4f: {  	[spmem:s2] =	stream.indirect.scatter.add.f32 [tilespmem:s17], [sflag:$0x4], $0x40, s24, s14, $0xb8;
	[tilespmem:$0x12660] =	vst v63  }
0x50: {  	_ =	swait.ge [sflag:s12], $0x1400  }
0x51: {  	s25 =	smov.u32 s29;
	s24 =	sshra.s32 s28, $0x2;
	[sflag:s12] =	ssyncset.done $0x0  }
0x52: {  	s25 =	sadd.s32 $0xA0, s24;
	[sflag:s12] =	ssyncadd.s32 $0xFFFFEC00  }
0x53: {  	[tilespmem:s17], [sflag:$0x3] =	stream.indirect.gather [hbm4b:s4+s14], $0x40, s25, s14, $0xb8;
	[tilespmem:$0x12660] =	vst v63  }
0x54: {  	_ =	swait.ge [sflag:s18], $0x1400  }
0x55: {  	[sflag:s18] =	ssyncset.done $0x0  }
0x56: {  	s26 =	sadd.s32 $0x2710, s24;
	[sflag:s18] =	ssyncadd.s32 $0xFFFFEC00  }
0x57: {  	[spmem:s2] =	stream.indirect.scatter.add.f32 [tilespmem:s15], [sflag:$0x4], $0x40, s26, s14, $0xb8;
	[tilespmem:$0x12660] =	vst v63  }
0x58: {  	_ =	swait.ge [sflag:s12], $0x1400  }
0x59: {  	[sflag:s12] =	ssyncset.done $0x0  }
0x5a: {  	s28 =	sadd.s32 $0xF0, s24;
	[sflag:s12] =	ssyncadd.s32 $0xFFFFEC00  }
0x5b: {  	[tilespmem:s15], [sflag:$0x1] =	stream.indirect.gather [hbm4b:s4+s14], $0x40, s28, s14, $0xb8;
	[tilespmem:$0x12660] =	vst v63  }
0x5c: {  	_ =	swait.ge [sflag:s19], $0x1400  }
0x5d: {  	[sflag:s19] =	ssyncset.done $0x0  }
0x5e: {  	s29 =	sadd.s32 $0x2760, s24;
	[sflag:s19] =	ssyncadd.s32 $0xFFFFEC00  }
0x5f: {  	[spmem:s2] =	stream.indirect.scatter.add.f32 [tilespmem:s16], [sflag:$0x4], $0x40, s29, s14, $0xb8;
	[tilespmem:$0x12660] =	vst v63  }
0x60: {  	_ =	swait.ge [sflag:s12], $0x1400  }
0x61: {  	[sflag:s12] =	ssyncset.done $0x0  }
0x62: {  	s30 =	sadd.s32 $0x140, s24;
	[sflag:s12] =	ssyncadd.s32 $0xFFFFEC00  }
0x63: {  	[tilespmem:s16], [sflag:$0x2] =	stream.indirect.gather [hbm4b:s4+s14], $0x40, s30, s14, $0xb8;
	[tilespmem:$0x12660] =	vst v63  }
0x64: {  	_ =	swait.ge [sflag:s20], $0x1400  }
0x65: {  	[sflag:s20] =	ssyncset.done $0x0  }
0x66: {  	s31 =	sadd.s32 $0x27B0, s24;
	[sflag:s20] =	ssyncadd.s32 $0xFFFFEC00  }
0x67: {  	[spmem:s2] =	stream.indirect.scatter.add.f32 [tilespmem:s17], [sflag:$0x4], $0x40, s31, s14, $0xb8;
	[tilespmem:$0x12660] =	vst v63  }
0x68: {  	_ =	swait.ge [sflag:s12], $0x1400  }
0x69: {  	[sflag:s12] =	ssyncset.done $0x0  }
0x6a: {  	[sflag:s12] =	ssyncadd.s32 $0xFFFFEC00  }
0x6b: {  	_ =	swait.ge [sflag:s18], $0x1400  }
0x6c: {  	[sflag:s18] =	ssyncset.done $0x0  }
0x6d: {  	[sflag:s18] =	ssyncadd.s32 $0xFFFFEC00  }
0x6e: {  	[spmem:s2] =	stream.indirect.scatter.add.f32 [tilespmem:s15], [sflag:$0x4], $0x40, s21, s14, $0xb8;
	[tilespmem:$0x12660] =	vst v63  }
0x6f: {  	_ =	swait.ge [sflag:s12], $0x1400  }
0x70: {  	[sflag:s12] =	ssyncset.done $0x0  }
0x71: {  	[sflag:s12] =	ssyncadd.s32 $0xFFFFEC00  }
0x72: {  	_ =	swait.ge [sflag:s19], $0x1400  }
0x73: {  	[sflag:s19] =	ssyncset.done $0x0  }
0x74: {  	[sflag:s19] =	ssyncadd.s32 $0xFFFFEC00  }
0x75: {  	[spmem:s2] =	stream.indirect.scatter.add.f32 [tilespmem:s16], [sflag:$0x4], $0x40, s22, s14, $0xb8;
	[tilespmem:$0x12660] =	vst v63  }
0x76: {  	_ =	swait.ge [sflag:s12], $0x1400  }
0x77: {  	s23 =	sadd.s32 $0x1, s23;
	[sflag:s12] =	ssyncset.done $0x0  }
0x78: {  	p0 =	sne.s32 s23, s10;
	[sflag:s12] =	ssyncadd.s32 $0xFFFFEC00  }
.Ltmp1:
0x79: {  	[bflag:$0x0] =	sbarrier.arrive $0xFFFF;
	(pc) =	sbr.rel @p0 .LBB2_1-.Ltmp1, $4  }
0x7a: {  	[hbm:s9], [sflag:s6] =	dma.local [spmem:s11], $0x1388  }
0x7b: {  	_ =	swait.ge [sflag:s12], $0x1388  }
0x7c: {  	[sflag:s12] =	ssyncset.done $0x0  }
0x7d: {  	[sflag:s12] =	ssyncadd.s32 $0xFFFFEC78  }
0x7e: {  	_ =	sfence.sel $0x180000  }
0x7f: {  	[bflag:$0x0] =	sbarrier.arrive $0xFFFF  }
0x80: {  	p0 =	sne.s32 s0, $0x0;
	_ =	strace $0x90000050  }
0x81: {  	s0 =	sadd.s32 @!p0 $0x100000, s1;
	[bflag:$0x2] =	sbarrier.arrive $0xFFFF  }
0x82: {  	[sflag:s0] =	ssyncadd.tile.s32 @!p0 $0x1;
	_ =	shalt  }
.Lfunc_end2:
_tile_overlayer_lowered:
.L_overlay_start_2:
0x83: {  	(tag) =	ssettag $0x2  }
0x84: {  	s0 =	rddreg [dreg:$0x0];
	s2 =	stileid.u32  }
0x85: {  	s1 =	rddreg [dreg:$0x1];
	p0 =	sne.s32 s2, $0x0  }
0x86: {  	s3 =	rddreg [dreg:$0x2];
	[bflag:$0x3] =	sbarrier.arrive $0xFFFF;
	s2 =	simm.s32 @!p0 $0x1C04  }
0x87: {  	[timem:s3], [sflag:s2] =	dma.local @!p0 [hbm:s0], s1  }
0x88: {  	s0 =	simm.s32 @!p0 $0x4  }
0x89: {  	_ =	swait.ge @!p0 [sflag:s0], s1  }
0x8a: {  	s1 =	ssub.s32 @!p0 $0x0, s1;
	[sflag:s0] =	ssyncset.done @!p0 $0x0  }
0x8b: {  	[sflag:s0] =	ssyncadd.s32 @!p0 s1  }
0x8c: {  	[bflag:$0x3] =	sbarrier.arrive $0xFFFF  }
0x8d: {  	_ =	shalt  }

</sc_bundles>
